<compile_context>
chip_gen: v7x
topology: tpu7x:2x2x1
jax: 0.10.2.dev20260603
libtpu: 0.0.44.dev20260713+nightly
codegen_flags: <defaults>
</compile_context>

<pallas_src>
import jax
import jax.numpy as jnp
from jax import lax
from jax.experimental import pallas as pl
from jax.experimental.pallas import tpu as pltpu
from jax.experimental.pallas import tpu_sc as plsc

_N = 10000
_E = 320000
_D = 128
_NP = 10240
_NT = 32
_ET = _E // _NT
_K = 16
_EC = 2000
_NC = _ET // _EC
_GC = _EC // _K
_NB = 8
_CW = _EC
_RB = 1000


def _pq_body(h_ref, w_ref, pq_ref, b_ref):
    h = h_ref[...]
    w = w_ref[...]
    pq = lax.dot_general(h, w, (((1,), (1,)), ((), ())),
                         preferred_element_type=jnp.float32)
    pq_ref[...] = pq
    s = jnp.max(pq[:, 0]) + jnp.max(pq[:, 1])
    b = jnp.where(s >= 0, s, 0.01 * s)
    b_ref[...] = jnp.full((8, 128), b, jnp.float32)


def _sc_body(h_hbm, srcg_hbm, dstg_hbm, p_hbm, q_hbm, b_hbm,
             u_hbm, s_hbm,
             src_c, dst_c, ex_c, p_v, q_v, b_v, rows8, wbuf, szbuf,
             u_sh, s_sh, gsem, ssem):
    cid = lax.axis_index("c")
    sid = lax.axis_index("s")
    wid = cid * 16 + sid
    nbase = sid * 640

    zv = jnp.zeros((16,), jnp.float32)

    def zrow(r, c):
        for c8 in range(8):
            wbuf[r, pl.ds(16 * c8, 16)] = zv
        return c
    lax.fori_loop(0, 32, zrow, 0)

    def zs(i, c):
        szbuf[pl.ds(16 * i, 16)] = zv
        return c
    lax.fori_loop(0, 40, zs, 0)

    for k in range(20):
        pltpu.sync_copy(wbuf, u_sh.at[pl.ds(nbase + 32 * k, 32)])
    pltpu.sync_copy(szbuf, s_sh.at[pl.ds(nbase, 640)])

    pltpu.sync_copy(p_hbm, p_v)
    pltpu.sync_copy(q_hbm, q_v)
    pltpu.sync_copy(b_hbm.at[0], b_v)

    plsc.subcore_barrier()

    iota = lax.iota(jnp.int32, 16)
    bvec = b_v[pl.ds(0, 16)]

    def chunk(ci, cc):
        ebase = wid * _ET + ci * _EC
        pltpu.sync_copy(srcg_hbm.at[pl.ds(ebase, _EC)], src_c)
        pltpu.sync_copy(dstg_hbm.at[pl.ds(ebase, _EC)], dst_c)

        for b in range(4):
            pltpu.async_copy(h_hbm.at[src_c.at[pl.ds(16 * b, 16)]],
                             rows8.at[b], gsem.at[b])

        def exg(t, c):
            sv = src_c[pl.ds(16 * t, 16)]
            dv = dst_c[pl.ds(16 * t, 16)]
            pv = plsc.load_gather(p_v, [sv])
            qv = plsc.load_gather(q_v, [dv])
            a = pv + qv
            e = jnp.where(a >= 0, a, a * 0.01)
            ex_c[pl.ds(16 * t, 16)] = jnp.exp(e - bvec)
            return c
        lax.fori_loop(0, _GC, exg, 0)

        def heavy(g, c):
            eb = g * _K
            b = jnp.bitwise_and(g, _NB - 1)
            bf = jnp.full((16,), b, jnp.int32)

            @pl.when(g + 4 < _GC)
            def _():
                b4 = jnp.bitwise_and(g + 4, _NB - 1)
                eb4 = (g + 4) * _K

                @pl.when(g >= 4)
                def _():
                    ebm = (g - 4) * _K
                    pltpu.make_async_copy(
                        rows8.at[b4],
                        u_sh.at[dst_c.at[pl.ds(ebm, _K)]],
                        ssem.at[b4]).wait()
                    pltpu.make_async_copy(
                        ex_c.at[pl.ds(ebm, _K)],
                        s_sh.at[dst_c.at[pl.ds(ebm, _K)]],
                        ssem.at[b4]).wait()
                pltpu.async_copy(h_hbm.at[src_c.at[pl.ds(eb4, _K)]],
                                 rows8.at[b4], gsem.at[b4])

            pltpu.make_async_copy(h_hbm.at[src_c.at[pl.ds(eb, _K)]],
                                  rows8.at[b], gsem.at[b]).wait()

            exv16 = ex_c[pl.ds(eb, 16)]

            @plsc.parallel_loop(0, 16, unroll=2)
            def scale_row(i):
                exv = exv16[jnp.full((16,), i, jnp.int32)]
                jf = jnp.full((16,), i, jnp.int32)
                for c8 in range(8):
                    cvec = iota + 16 * c8
                    x = plsc.load_gather(rows8, [bf, jf, cvec])
                    plsc.store_scatter(rows8, [bf, jf, cvec], x * exv)

            pltpu.async_copy(rows8.at[b], u_sh.at[dst_c.at[pl.ds(eb, _K)]],
                             ssem.at[b], add=True)
            pltpu.async_copy(ex_c.at[pl.ds(eb, _K)],
                             s_sh.at[dst_c.at[pl.ds(eb, _K)]],
                             ssem.at[b], add=True)
            return c
        lax.fori_loop(0, _GC, heavy, 0)

        for k in range(_NB):
            grp = _GC - _NB + k
            b = grp % _NB
            eb = grp * _K
            pltpu.make_async_copy(rows8.at[b],
                                  u_sh.at[dst_c.at[pl.ds(eb, _K)]],
                                  ssem.at[b]).wait()
            pltpu.make_async_copy(ex_c.at[pl.ds(eb, _K)],
                                  s_sh.at[dst_c.at[pl.ds(eb, _K)]],
                                  ssem.at[b]).wait()
        return cc
    lax.fori_loop(0, _NC, chunk, 0)

    plsc.subcore_barrier()

    for k in range(20):
        pltpu.sync_copy(u_sh.at[pl.ds(nbase + 32 * k, 32)], wbuf)
        pltpu.sync_copy(wbuf, u_hbm.at[cid, pl.ds(nbase + 32 * k, 32)])
    pltpu.sync_copy(s_sh.at[pl.ds(nbase, 640)], szbuf)
    pltpu.sync_copy(szbuf, s_hbm.at[cid, pl.ds(nbase, 640)])


def _div_body(u_ref, st_ref, o_ref):
    num = u_ref[0] + u_ref[1]
    st = st_ref[...]
    den = st[:, 0:1] + st[:, 1:2]
    o_ref[...] = jnp.where(den > 0, num / den, 0.0)


@jax.jit
def kernel(h, edge_index, attn_w):
    w = attn_w[:, 0].reshape(2, _D)

    pq, b = pl.pallas_call(
        _pq_body,
        out_shape=[jax.ShapeDtypeStruct((_N, 2), jnp.float32),
                   jax.ShapeDtypeStruct((8, 128), jnp.float32)],
    )(h, w)

    srcg = edge_index[0]
    dstg = edge_index[1]

    mesh = plsc.VectorSubcoreMesh(core_axis_name="c", subcore_axis_name="s",
                                  num_cores=2)
    u2, s2 = pl.kernel(
        _sc_body,
        out_type=[jax.ShapeDtypeStruct((2, _NP, _D), jnp.float32),
                  jax.ShapeDtypeStruct((2, _NP), jnp.float32)],
        mesh=mesh,
        compiler_params=pltpu.CompilerParams(needs_layout_passes=False),
        scratch_types=[
            pltpu.VMEM((_CW,), jnp.int32),
            pltpu.VMEM((_CW,), jnp.int32),
            pltpu.VMEM((_CW,), jnp.float32),
            pltpu.VMEM((_N,), jnp.float32),
            pltpu.VMEM((_N,), jnp.float32),
            pltpu.VMEM((128,), jnp.float32),
            pltpu.VMEM((_NB, _K, _D), jnp.float32),
            pltpu.VMEM((32, _D), jnp.float32),
            pltpu.VMEM((640,), jnp.float32),
            pltpu.VMEM_SHARED((_NP, _D), jnp.float32),
            pltpu.VMEM_SHARED((_NP,), jnp.float32),
            pltpu.SemaphoreType.DMA((_NB,)),
            pltpu.SemaphoreType.DMA((_NB,)),
        ],
    )(h, srcg, dstg, pq[:, 0], pq[:, 1], b)

    st = s2.T
    out = pl.pallas_call(
        _div_body,
        grid=(_N // _RB,),
        in_specs=[pl.BlockSpec((2, _RB, _D), lambda i: (0, i, 0)),
                  pl.BlockSpec((_RB, 2), lambda i: (i, 0))],
        out_specs=pl.BlockSpec((_RB, _D), lambda i: (i, 0)),
        out_shape=jax.ShapeDtypeStruct((_N, _D), jnp.float32),
    )(u2, st)
    return out

# --- scband reference (transcript-rebuilt; emitter-appended) ---
"""Pipeline reference for scband-gatlayer-40510131535939 (READ-ONLY COPY).

The authoritative reference and input builder live on the scoring server;
editing this copy changes nothing except your own understanding.
"""

import jax, jax.numpy as jnp
import numpy as np

N = 10000
E = 320000
D = 128

def setup_inputs(seed: int = 0) -> dict:
    key = jax.random.key(seed)
    k1, k2, k3 = jax.random.split(key, 3)
    h = jax.random.normal(k1, (N, D), dtype=jnp.float32)
    edge_index = jax.random.randint(k2, (2, E), 0, N, dtype=jnp.int32)
    attn_w = jax.random.normal(k3, (2 * D, 1), dtype=jnp.float32) * 0.05
    return {"h": h, "edge_index": edge_index, "attn_w": attn_w}

def reference(h, edge_index, attn_w):
    src = edge_index[0]
    dst = edge_index[1]
    h_src = jnp.take(h, src, axis=0)
    h_dst = jnp.take(h, dst, axis=0)
    z = jnp.concatenate([h_src, h_dst], axis=1)
    a = z @ attn_w
    e = jax.nn.leaky_relu(a, negative_slope=0.01)[:, 0]
    # edge softmax over destination nodes (dgl.nn.functional.edge_softmax)
    m = jax.ops.segment_max(e, dst, num_segments=N)
    m = jnp.where(jnp.isfinite(m), m, 0.0)
    ex = jnp.exp(e - jnp.take(m, dst))
    s = jax.ops.segment_sum(ex, dst, num_segments=N)
    alpha = ex / jnp.take(s, dst)
    # message: u_mul_e('h','e'), reduce: sum -> dst
    out = jax.ops.segment_sum(h_src * alpha[:, None], dst, num_segments=N)
    return out

if __name__ == "__main__":
    import jax
    _d = setup_inputs()
    print(jax.jit(kernel)(*tuple(_d.values())))

</pallas_src>

<mosaic_0001>
#map = affine_map<(d0, d1) -> (0, 0)>
#map1 = affine_map<(d0, d1) -> (0)>
#map2 = affine_map<(d0, d1) -> (0, 0, 0)>
module attributes {stable_mosaic.version = 14 : i64} {
  func.func @_sc_body(%arg0: i32, %arg1: i32, %arg2: memref<10000x128xf32, #tpu.memory_space<hbm>>, %arg3: memref<320000xi32, #tpu.memory_space<hbm>>, %arg4: memref<320000xi32, #tpu.memory_space<hbm>>, %arg5: memref<10000xf32, #tpu.memory_space<hbm>>, %arg6: memref<10000xf32, #tpu.memory_space<hbm>>, %arg7: memref<8x128xf32, #tpu.memory_space<hbm>>, %arg8: memref<2x10240x128xf32, #tpu.memory_space<hbm>>, %arg9: memref<2x10240xf32, #tpu.memory_space<hbm>>, %arg10: memref<2000xi32, #tpu.memory_space<vmem>>, %arg11: memref<2000xi32, #tpu.memory_space<vmem>>, %arg12: memref<2000xf32, #tpu.memory_space<vmem>>, %arg13: memref<10000xf32, #tpu.memory_space<vmem>>, %arg14: memref<10000xf32, #tpu.memory_space<vmem>>, %arg15: memref<128xf32, #tpu.memory_space<vmem>>, %arg16: memref<8x16x128xf32, #tpu.memory_space<vmem>>, %arg17: memref<32x128xf32, #tpu.memory_space<vmem>>, %arg18: memref<640xf32, #tpu.memory_space<vmem>>, %arg19: memref<10240x128xf32, #tpu.memory_space<vmem_shared>>, %arg20: memref<10240xf32, #tpu.memory_space<vmem_shared>>, %arg21: memref<8x!tpu.dma_semaphore, #tpu.memory_space<semaphore_mem>>, %arg22: memref<8x!tpu.dma_semaphore, #tpu.memory_space<semaphore_mem>>) attributes {dimension_semantics = [#tpu.dimension_semantics<core_parallel>, #tpu.dimension_semantics<subcore_parallel>], iteration_bounds = array<i64: 2, 16>, scalar_prefetch = 0 : i64, scratch_operands = 13 : i64, tpu.core_type = #tpu.core_type<sc_vector_subcore>, window_params = [{transform_indices = #map}, {transform_indices = #map1}, {transform_indices = #map1}, {transform_indices = #map1}, {transform_indices = #map1}, {transform_indices = #map}, {transform_indices = #map2}, {transform_indices = #map}]} {
    %mul3A = arith.constant 16 : i32
    %mul3A_0 = arith.muli %arg0, %mul3A : i32
    %add3A = arith.addi %mul3A_0, %arg1 : i32
    %mul3A_1 = arith.constant 640 : i32
    %mul3A_2 = arith.muli %arg1, %mul3A_1 : i32
    %broadcast_in_dim3A = arith.constant 0.000000e+00 : f32
    %broadcast_in_dim3A_3 = vector.broadcast %broadcast_in_dim3A : f32 to vector<16xf32>
    %scan3A = arith.constant 0 : i32
    %scan3A_4 = arith.constant 0 : i32
    %scan3A_5 = arith.constant 32 : i32
    %scan3A_6 = arith.addi %scan3A_4, %scan3A_5 : i32
    %scan3A_7 = arith.constant 1 : i32
    scf.for %scan3A_143 = %scan3A_4 to %scan3A_6 step %scan3A_7  : i32 {
      %swap3A = arith.index_cast %scan3A_143 : i32 to index
      %swap3A_144 = arith.constant 0 : index
      %swap3A_145 = tpu.vector_load %arg17[%swap3A, %swap3A_144] {strides = array<i32>} : memref<32x128xf32, #tpu.memory_space<vmem>>, vector<16xf32>,
      tpu.vector_store %arg17[%swap3A, %swap3A_144], %broadcast_in_dim3A_3 {strides = array<i32>} : memref<32x128xf32, #tpu.memory_space<vmem>>, vector<16xf32>,
      %swap3A_146 = arith.index_cast %scan3A_143 : i32 to index
      %swap3A_147 = arith.constant 16 : index
      %swap3A_148 = tpu.vector_load %arg17[%swap3A_146, %swap3A_147] {strides = array<i32>} : memref<32x128xf32, #tpu.memory_space<vmem>>, vector<16xf32>,
      tpu.vector_store %arg17[%swap3A_146, %swap3A_147], %broadcast_in_dim3A_3 {strides = array<i32>} : memref<32x128xf32, #tpu.memory_space<vmem>>, vector<16xf32>,
      %swap3A_149 = arith.index_cast %scan3A_143 : i32 to index
      %swap3A_150 = arith.constant 32 : index
      %swap3A_151 = tpu.vector_load %arg17[%swap3A_149, %swap3A_150] {strides = array<i32>} : memref<32x128xf32, #tpu.memory_space<vmem>>, vector<16xf32>,
      tpu.vector_store %arg17[%swap3A_149, %swap3A_150], %broadcast_in_dim3A_3 {strides = array<i32>} : memref<32x128xf32, #tpu.memory_space<vmem>>, vector<16xf32>,
      %swap3A_152 = arith.index_cast %scan3A_143 : i32 to index
      %swap3A_153 = arith.constant 48 : index
      %swap3A_154 = tpu.vector_load %arg17[%swap3A_152, %swap3A_153] {strides = array<i32>} : memref<32x128xf32, #tpu.memory_space<vmem>>, vector<16xf32>,
      tpu.vector_store %arg17[%swap3A_152, %swap3A_153], %broadcast_in_dim3A_3 {strides = array<i32>} : memref<32x128xf32, #tpu.memory_space<vmem>>, vector<16xf32>,
      %swap3A_155 = arith.index_cast %scan3A_143 : i32 to index
      %swap3A_156 = arith.constant 64 : index
      %swap3A_157 = tpu.vector_load %arg17[%swap3A_155, %swap3A_156] {strides = array<i32>} : memref<32x128xf32, #tpu.memory_space<vmem>>, vector<16xf32>,
      tpu.vector_store %arg17[%swap3A_155, %swap3A_156], %broadcast_in_dim3A_3 {strides = array<i32>} : memref<32x128xf32, #tpu.memory_space<vmem>>, vector<16xf32>,
      %swap3A_158 = arith.index_cast %scan3A_143 : i32 to index
      %swap3A_159 = arith.constant 80 : index
      %swap3A_160 = tpu.vector_load %arg17[%swap3A_158, %swap3A_159] {strides = array<i32>} : memref<32x128xf32, #tpu.memory_space<vmem>>, vector<16xf32>,
      tpu.vector_store %arg17[%swap3A_158, %swap3A_159], %broadcast_in_dim3A_3 {strides = array<i32>} : memref<32x128xf32, #tpu.memory_space<vmem>>, vector<16xf32>,
      %swap3A_161 = arith.index_cast %scan3A_143 : i32 to index
      %swap3A_162 = arith.constant 96 : index
      %swap3A_163 = tpu.vector_load %arg17[%swap3A_161, %swap3A_162] {strides = array<i32>} : memref<32x128xf32, #tpu.memory_space<vmem>>, vector<16xf32>,
      tpu.vector_store %arg17[%swap3A_161, %swap3A_162], %broadcast_in_dim3A_3 {strides = array<i32>} : memref<32x128xf32, #tpu.memory_space<vmem>>, vector<16xf32>,
      %swap3A_164 = arith.index_cast %scan3A_143 : i32 to index
      %swap3A_165 = arith.constant 112 : index
      %swap3A_166 = tpu.vector_load %arg17[%swap3A_164, %swap3A_165] {strides = array<i32>} : memref<32x128xf32, #tpu.memory_space<vmem>>, vector<16xf32>,
      tpu.vector_store %arg17[%swap3A_164, %swap3A_165], %broadcast_in_dim3A_3 {strides = array<i32>} : memref<32x128xf32, #tpu.memory_space<vmem>>, vector<16xf32>,
    }
    %scan3A_8 = arith.constant 32 : i32
    %scan3A_9 = arith.constant 0 : i32
    %scan3A_10 = arith.constant 0 : i32
    %scan3A_11 = arith.constant 40 : i32
    %scan3A_12 = arith.addi %scan3A_10, %scan3A_11 : i32
    %scan3A_13 = arith.constant 1 : i32
    scf.for %scan3A_143 = %scan3A_10 to %scan3A_12 step %scan3A_13  : i32 {
      %mul3A_144 = arith.constant 16 : i32
      %mul3A_145 = arith.muli %mul3A_144, %scan3A_143 : i32
      %swap3A = arith.index_cast %mul3A_145 : i32 to index
      %swap3A_146 = tpu.vector_load %arg18[%swap3A] {strides = array<i32>} : memref<640xf32, #tpu.memory_space<vmem>>, vector<16xf32>,
      tpu.vector_store %arg18[%swap3A], %broadcast_in_dim3A_3 {strides = array<i32>} : memref<640xf32, #tpu.memory_space<vmem>>, vector<16xf32>,
    }
    %scan3A_14 = arith.constant 40 : i32
    %add3A_15 = arith.constant 0 : i32
    %add3A_16 = arith.addi %mul3A_2, %add3A_15 : i32
    "tpu.region"() ({
      %run_scoped3A_143 = tpu.sem_alloc : memref<!tpu.dma_semaphore, #tpu.memory_space<semaphore_mem>>
      %dma_start3A = arith.constant 0 : i32
      %dma_start3A_144 = tpu.memref_slice %arg19[%add3A_16, %dma_start3A] : memref<10240x128xf32, #tpu.memory_space<vmem_shared>> -> memref<32x128xf32, #tpu.memory_space<vmem_shared>>
      %dma_start3A_145 = arith.constant 0 : i32
      %dma_start3A_146 = tpu.memref_slice %arg19[%add3A_16, %dma_start3A_145] : memref<10240x128xf32, #tpu.memory_space<vmem_shared>> -> memref<32x128xf32, #tpu.memory_space<vmem_shared>>
      tpu.enqueue_dma source(%arg17 : memref<32x128xf32, #tpu.memory_space<vmem>>) target(%dma_start3A_146 : memref<32x128xf32, #tpu.memory_space<vmem_shared>>) target_semaphore(%run_scoped3A_143 : memref<!tpu.dma_semaphore, #tpu.memory_space<semaphore_mem>>)
      %dma_wait3A = arith.constant 0 : i32
      %dma_wait3A_147 = tpu.memref_slice %arg19[%add3A_16, %dma_wait3A] : memref<10240x128xf32, #tpu.memory_space<vmem_shared>> -> memref<32x128xf32, #tpu.memory_space<vmem_shared>>
      %dma_wait3A_148 = arith.constant 0 : i32
      %dma_wait3A_149 = tpu.memref_slice %arg19[%add3A_16, %dma_wait3A_148] : memref<10240x128xf32, #tpu.memory_space<vmem_shared>> -> memref<32x128xf32, #tpu.memory_space<vmem_shared>>
      tpu.wait_dma2 semaphore(%run_scoped3A_143 : memref<!tpu.dma_semaphore, #tpu.memory_space<semaphore_mem>>) src(%arg17 : memref<32x128xf32, #tpu.memory_space<vmem>>) dst(%dma_wait3A_149 : memref<32x128xf32, #tpu.memory_space<vmem_shared>>)
      tpu.yield
    }) : () -> ()
    %add3A_17 = arith.constant 32 : i32
    %add3A_18 = arith.addi %mul3A_2, %add3A_17 : i32
    "tpu.region"() ({
      %run_scoped3A_143 = tpu.sem_alloc : memref<!tpu.dma_semaphore, #tpu.memory_space<semaphore_mem>>
      %dma_start3A = arith.constant 0 : i32
      %dma_start3A_144 = tpu.memref_slice %arg19[%add3A_18, %dma_start3A] : memref<10240x128xf32, #tpu.memory_space<vmem_shared>> -> memref<32x128xf32, #tpu.memory_space<vmem_shared>>
      %dma_start3A_145 = arith.constant 0 : i32
      %dma_start3A_146 = tpu.memref_slice %arg19[%add3A_18, %dma_start3A_145] : memref<10240x128xf32, #tpu.memory_space<vmem_shared>> -> memref<32x128xf32, #tpu.memory_space<vmem_shared>>
      tpu.enqueue_dma source(%arg17 : memref<32x128xf32, #tpu.memory_space<vmem>>) target(%dma_start3A_146 : memref<32x128xf32, #tpu.memory_space<vmem_shared>>) target_semaphore(%run_scoped3A_143 : memref<!tpu.dma_semaphore, #tpu.memory_space<semaphore_mem>>)
      %dma_wait3A = arith.constant 0 : i32
      %dma_wait3A_147 = tpu.memref_slice %arg19[%add3A_18, %dma_wait3A] : memref<10240x128xf32, #tpu.memory_space<vmem_shared>> -> memref<32x128xf32, #tpu.memory_space<vmem_shared>>
      %dma_wait3A_148 = arith.constant 0 : i32
      %dma_wait3A_149 = tpu.memref_slice %arg19[%add3A_18, %dma_wait3A_148] : memref<10240x128xf32, #tpu.memory_space<vmem_shared>> -> memref<32x128xf32, #tpu.memory_space<vmem_shared>>
      tpu.wait_dma2 semaphore(%run_scoped3A_143 : memref<!tpu.dma_semaphore, #tpu.memory_space<semaphore_mem>>) src(%arg17 : memref<32x128xf32, #tpu.memory_space<vmem>>) dst(%dma_wait3A_149 : memref<32x128xf32, #tpu.memory_space<vmem_shared>>)
      tpu.yield
    }) : () -> ()
    %add3A_19 = arith.constant 64 : i32
    %add3A_20 = arith.addi %mul3A_2, %add3A_19 : i32
    "tpu.region"() ({
      %run_scoped3A_143 = tpu.sem_alloc : memref<!tpu.dma_semaphore, #tpu.memory_space<semaphore_mem>>
      %dma_start3A = arith.constant 0 : i32
      %dma_start3A_144 = tpu.memref_slice %arg19[%add3A_20, %dma_start3A] : memref<10240x128xf32, #tpu.memory_space<vmem_shared>> -> memref<32x128xf32, #tpu.memory_space<vmem_shared>>
      %dma_start3A_145 = arith.constant 0 : i32
      %dma_start3A_146 = tpu.memref_slice %arg19[%add3A_20, %dma_start3A_145] : memref<10240x128xf32, #tpu.memory_space<vmem_shared>> -> memref<32x128xf32, #tpu.memory_space<vmem_shared>>
      tpu.enqueue_dma source(%arg17 : memref<32x128xf32, #tpu.memory_space<vmem>>) target(%dma_start3A_146 : memref<32x128xf32, #tpu.memory_space<vmem_shared>>) target_semaphore(%run_scoped3A_143 : memref<!tpu.dma_semaphore, #tpu.memory_space<semaphore_mem>>)
      %dma_wait3A = arith.constant 0 : i32
      %dma_wait3A_147 = tpu.memref_slice %arg19[%add3A_20, %dma_wait3A] : memref<10240x128xf32, #tpu.memory_space<vmem_shared>> -> memref<32x128xf32, #tpu.memory_space<vmem_shared>>
      %dma_wait3A_148 = arith.constant 0 : i32
      %dma_wait3A_149 = tpu.memref_slice %arg19[%add3A_20, %dma_wait3A_148] : memref<10240x128xf32, #tpu.memory_space<vmem_shared>> -> memref<32x128xf32, #tpu.memory_space<vmem_shared>>
      tpu.wait_dma2 semaphore(%run_scoped3A_143 : memref<!tpu.dma_semaphore, #tpu.memory_space<semaphore_mem>>) src(%arg17 : memref<32x128xf32, #tpu.memory_space<vmem>>) dst(%dma_wait3A_149 : memref<32x128xf32, #tpu.memory_space<vmem_shared>>)
      tpu.yield
    }) : () -> ()
    %add3A_21 = arith.constant 96 : i32
    %add3A_22 = arith.addi %mul3A_2, %add3A_21 : i32
    "tpu.region"() ({
      %run_scoped3A_143 = tpu.sem_alloc : memref<!tpu.dma_semaphore, #tpu.memory_space<semaphore_mem>>
      %dma_start3A = arith.constant 0 : i32
      %dma_start3A_144 = tpu.memref_slice %arg19[%add3A_22, %dma_start3A] : memref<10240x128xf32, #tpu.memory_space<vmem_shared>> -> memref<32x128xf32, #tpu.memory_space<vmem_shared>>
      %dma_start3A_145 = arith.constant 0 : i32
      %dma_start3A_146 = tpu.memref_slice %arg19[%add3A_22, %dma_start3A_145] : memref<10240x128xf32, #tpu.memory_space<vmem_shared>> -> memref<32x128xf32, #tpu.memory_space<vmem_shared>>
      tpu.enqueue_dma source(%arg17 : memref<32x128xf32, #tpu.memory_space<vmem>>) target(%dma_start3A_146 : memref<32x128xf32, #tpu.memory_space<vmem_shared>>) target_semaphore(%run_scoped3A_143 : memref<!tpu.dma_semaphore, #tpu.memory_space<semaphore_mem>>)
      %dma_wait3A = arith.constant 0 : i32
      %dma_wait3A_147 = tpu.memref_slice %arg19[%add3A_22, %dma_wait3A] : memref<10240x128xf32, #tpu.memory_space<vmem_shared>> -> memref<32x128xf32, #tpu.memory_space<vmem_shared>>
      %dma_wait3A_148 = arith.constant 0 : i32
      %dma_wait3A_149 = tpu.memref_slice %arg19[%add3A_22, %dma_wait3A_148] : memref<10240x128xf32, #tpu.memory_space<vmem_shared>> -> memref<32x128xf32, #tpu.memory_space<vmem_shared>>
      tpu.wait_dma2 semaphore(%run_scoped3A_143 : memref<!tpu.dma_semaphore, #tpu.memory_space<semaphore_mem>>) src(%arg17 : memref<32x128xf32, #tpu.memory_space<vmem>>) dst(%dma_wait3A_149 : memref<32x128xf32, #tpu.memory_space<vmem_shared>>)
      tpu.yield
    }) : () -> ()
    %add3A_23 = arith.constant 128 : i32
    %add3A_24 = arith.addi %mul3A_2, %add3A_23 : i32
    "tpu.region"() ({
      %run_scoped3A_143 = tpu.sem_alloc : memref<!tpu.dma_semaphore, #tpu.memory_space<semaphore_mem>>
      %dma_start3A = arith.constant 0 : i32
      %dma_start3A_144 = tpu.memref_slice %arg19[%add3A_24, %dma_start3A] : memref<10240x128xf32, #tpu.memory_space<vmem_shared>> -> memref<32x128xf32, #tpu.memory_space<vmem_shared>>
      %dma_start3A_145 = arith.constant 0 : i32
      %dma_start3A_146 = tpu.memref_slice %arg19[%add3A_24, %dma_start3A_145] : memref<10240x128xf32, #tpu.memory_space<vmem_shared>> -> memref<32x128xf32, #tpu.memory_space<vmem_shared>>
      tpu.enqueue_dma source(%arg17 : memref<32x128xf32, #tpu.memory_space<vmem>>) target(%dma_start3A_146 : memref<32x128xf32, #tpu.memory_space<vmem_shared>>) target_semaphore(%run_scoped3A_143 : memref<!tpu.dma_semaphore, #tpu.memory_space<semaphore_mem>>)
      %dma_wait3A = arith.constant 0 : i32
      %dma_wait3A_147 = tpu.memref_slice %arg19[%add3A_24, %dma_wait3A] : memref<10240x128xf32, #tpu.memory_space<vmem_shared>> -> memref<32x128xf32, #tpu.memory_space<vmem_shared>>
      %dma_wait3A_148 = arith.constant 0 : i32
      %dma_wait3A_149 = tpu.memref_slice %arg19[%add3A_24, %dma_wait3A_148] : memref<10240x128xf32, #tpu.memory_space<vmem_shared>> -> memref<32x128xf32, #tpu.memory_space<vmem_shared>>
      tpu.wait_dma2 semaphore(%run_scoped3A_143 : memref<!tpu.dma_semaphore, #tpu.memory_space<semaphore_mem>>) src(%arg17 : memref<32x128xf32, #tpu.memory_space<vmem>>) dst(%dma_wait3A_149 : memref<32x128xf32, #tpu.memory_space<vmem_shared>>)
      tpu.yield
    }) : () -> ()
    %add3A_25 = arith.constant 160 : i32
    %add3A_26 = arith.addi %mul3A_2, %add3A_25 : i32
    "tpu.region"() ({
      %run_scoped3A_143 = tpu.sem_alloc : memref<!tpu.dma_semaphore, #tpu.memory_space<semaphore_mem>>
      %dma_start3A = arith.constant 0 : i32
      %dma_start3A_144 = tpu.memref_slice %arg19[%add3A_26, %dma_start3A] : memref<10240x128xf32, #tpu.memory_space<vmem_shared>> -> memref<32x128xf32, #tpu.memory_space<vmem_shared>>
      %dma_start3A_145 = arith.constant 0 : i32
      %dma_start3A_146 = tpu.memref_slice %arg19[%add3A_26, %dma_start3A_145] : memref<10240x128xf32, #tpu.memory_space<vmem_shared>> -> memref<32x128xf32, #tpu.memory_space<vmem_shared>>
      tpu.enqueue_dma source(%arg17 : memref<32x128xf32, #tpu.memory_space<vmem>>) target(%dma_start3A_146 : memref<32x128xf32, #tpu.memory_space<vmem_shared>>) target_semaphore(%run_scoped3A_143 : memref<!tpu.dma_semaphore, #tpu.memory_space<semaphore_mem>>)
      %dma_wait3A = arith.constant 0 : i32
      %dma_wait3A_147 = tpu.memref_slice %arg19[%add3A_26, %dma_wait3A] : memref<10240x128xf32, #tpu.memory_space<vmem_shared>> -> memref<32x128xf32, #tpu.memory_space<vmem_shared>>
      %dma_wait3A_148 = arith.constant 0 : i32
      %dma_wait3A_149 = tpu.memref_slice %arg19[%add3A_26, %dma_wait3A_148] : memref<10240x128xf32, #tpu.memory_space<vmem_shared>> -> memref<32x128xf32, #tpu.memory_space<vmem_shared>>
      tpu.wait_dma2 semaphore(%run_scoped3A_143 : memref<!tpu.dma_semaphore, #tpu.memory_space<semaphore_mem>>) src(%arg17 : memref<32x128xf32, #tpu.memory_space<vmem>>) dst(%dma_wait3A_149 : memref<32x128xf32, #tpu.memory_space<vmem_shared>>)
      tpu.yield
    }) : () -> ()
    %add3A_27 = arith.constant 192 : i32
    %add3A_28 = arith.addi %mul3A_2, %add3A_27 : i32
    "tpu.region"() ({
      %run_scoped3A_143 = tpu.sem_alloc : memref<!tpu.dma_semaphore, #tpu.memory_space<semaphore_mem>>
      %dma_start3A = arith.constant 0 : i32
      %dma_start3A_144 = tpu.memref_slice %arg19[%add3A_28, %dma_start3A] : memref<10240x128xf32, #tpu.memory_space<vmem_shared>> -> memref<32x128xf32, #tpu.memory_space<vmem_shared>>
      %dma_start3A_145 = arith.constant 0 : i32
      %dma_start3A_146 = tpu.memref_slice %arg19[%add3A_28, %dma_start3A_145] : memref<10240x128xf32, #tpu.memory_space<vmem_shared>> -> memref<32x128xf32, #tpu.memory_space<vmem_shared>>
      tpu.enqueue_dma source(%arg17 : memref<32x128xf32, #tpu.memory_space<vmem>>) target(%dma_start3A_146 : memref<32x128xf32, #tpu.memory_space<vmem_shared>>) target_semaphore(%run_scoped3A_143 : memref<!tpu.dma_semaphore, #tpu.memory_space<semaphore_mem>>)
      %dma_wait3A = arith.constant 0 : i32
      %dma_wait3A_147 = tpu.memref_slice %arg19[%add3A_28, %dma_wait3A] : memref<10240x128xf32, #tpu.memory_space<vmem_shared>> -> memref<32x128xf32, #tpu.memory_space<vmem_shared>>
      %dma_wait3A_148 = arith.constant 0 : i32
      %dma_wait3A_149 = tpu.memref_slice %arg19[%add3A_28, %dma_wait3A_148] : memref<10240x128xf32, #tpu.memory_space<vmem_shared>> -> memref<32x128xf32, #tpu.memory_space<vmem_shared>>
      tpu.wait_dma2 semaphore(%run_scoped3A_143 : memref<!tpu.dma_semaphore, #tpu.memory_space<semaphore_mem>>) src(%arg17 : memref<32x128xf32, #tpu.memory_space<vmem>>) dst(%dma_wait3A_149 : memref<32x128xf32, #tpu.memory_space<vmem_shared>>)
      tpu.yield
    }) : () -> ()
    %add3A_29 = arith.constant 224 : i32
    %add3A_30 = arith.addi %mul3A_2, %add3A_29 : i32
    "tpu.region"() ({
      %run_scoped3A_143 = tpu.sem_alloc : memref<!tpu.dma_semaphore, #tpu.memory_space<semaphore_mem>>
      %dma_start3A = arith.constant 0 : i32
      %dma_start3A_144 = tpu.memref_slice %arg19[%add3A_30, %dma_start3A] : memref<10240x128xf32, #tpu.memory_space<vmem_shared>> -> memref<32x128xf32, #tpu.memory_space<vmem_shared>>
      %dma_start3A_145 = arith.constant 0 : i32
      %dma_start3A_146 = tpu.memref_slice %arg19[%add3A_30, %dma_start3A_145] : memref<10240x128xf32, #tpu.memory_space<vmem_shared>> -> memref<32x128xf32, #tpu.memory_space<vmem_shared>>
      tpu.enqueue_dma source(%arg17 : memref<32x128xf32, #tpu.memory_space<vmem>>) target(%dma_start3A_146 : memref<32x128xf32, #tpu.memory_space<vmem_shared>>) target_semaphore(%run_scoped3A_143 : memref<!tpu.dma_semaphore, #tpu.memory_space<semaphore_mem>>)
      %dma_wait3A = arith.constant 0 : i32
      %dma_wait3A_147 = tpu.memref_slice %arg19[%add3A_30, %dma_wait3A] : memref<10240x128xf32, #tpu.memory_space<vmem_shared>> -> memref<32x128xf32, #tpu.memory_space<vmem_shared>>
      %dma_wait3A_148 = arith.constant 0 : i32
      %dma_wait3A_149 = tpu.memref_slice %arg19[%add3A_30, %dma_wait3A_148] : memref<10240x128xf32, #tpu.memory_space<vmem_shared>> -> memref<32x128xf32, #tpu.memory_space<vmem_shared>>
      tpu.wait_dma2 semaphore(%run_scoped3A_143 : memref<!tpu.dma_semaphore, #tpu.memory_space<semaphore_mem>>) src(%arg17 : memref<32x128xf32, #tpu.memory_space<vmem>>) dst(%dma_wait3A_149 : memref<32x128xf32, #tpu.memory_space<vmem_shared>>)
      tpu.yield
    }) : () -> ()
    %add3A_31 = arith.constant 256 : i32
    %add3A_32 = arith.addi %mul3A_2, %add3A_31 : i32
    "tpu.region"() ({
      %run_scoped3A_143 = tpu.sem_alloc : memref<!tpu.dma_semaphore, #tpu.memory_space<semaphore_mem>>
      %dma_start3A = arith.constant 0 : i32
      %dma_start3A_144 = tpu.memref_slice %arg19[%add3A_32, %dma_start3A] : memref<10240x128xf32, #tpu.memory_space<vmem_shared>> -> memref<32x128xf32, #tpu.memory_space<vmem_shared>>
      %dma_start3A_145 = arith.constant 0 : i32
      %dma_start3A_146 = tpu.memref_slice %arg19[%add3A_32, %dma_start3A_145] : memref<10240x128xf32, #tpu.memory_space<vmem_shared>> -> memref<32x128xf32, #tpu.memory_space<vmem_shared>>
      tpu.enqueue_dma source(%arg17 : memref<32x128xf32, #tpu.memory_space<vmem>>) target(%dma_start3A_146 : memref<32x128xf32, #tpu.memory_space<vmem_shared>>) target_semaphore(%run_scoped3A_143 : memref<!tpu.dma_semaphore, #tpu.memory_space<semaphore_mem>>)
      %dma_wait3A = arith.constant 0 : i32
      %dma_wait3A_147 = tpu.memref_slice %arg19[%add3A_32, %dma_wait3A] : memref<10240x128xf32, #tpu.memory_space<vmem_shared>> -> memref<32x128xf32, #tpu.memory_space<vmem_shared>>
      %dma_wait3A_148 = arith.constant 0 : i32
      %dma_wait3A_149 = tpu.memref_slice %arg19[%add3A_32, %dma_wait3A_148] : memref<10240x128xf32, #tpu.memory_space<vmem_shared>> -> memref<32x128xf32, #tpu.memory_space<vmem_shared>>
      tpu.wait_dma2 semaphore(%run_scoped3A_143 : memref<!tpu.dma_semaphore, #tpu.memory_space<semaphore_mem>>) src(%arg17 : memref<32x128xf32, #tpu.memory_space<vmem>>) dst(%dma_wait3A_149 : memref<32x128xf32, #tpu.memory_space<vmem_shared>>)
      tpu.yield
    }) : () -> ()
    %add3A_33 = arith.constant 288 : i32
    %add3A_34 = arith.addi %mul3A_2, %add3A_33 : i32
    "tpu.region"() ({
      %run_scoped3A_143 = tpu.sem_alloc : memref<!tpu.dma_semaphore, #tpu.memory_space<semaphore_mem>>
      %dma_start3A = arith.constant 0 : i32
      %dma_start3A_144 = tpu.memref_slice %arg19[%add3A_34, %dma_start3A] : memref<10240x128xf32, #tpu.memory_space<vmem_shared>> -> memref<32x128xf32, #tpu.memory_space<vmem_shared>>
      %dma_start3A_145 = arith.constant 0 : i32
      %dma_start3A_146 = tpu.memref_slice %arg19[%add3A_34, %dma_start3A_145] : memref<10240x128xf32, #tpu.memory_space<vmem_shared>> -> memref<32x128xf32, #tpu.memory_space<vmem_shared>>
      tpu.enqueue_dma source(%arg17 : memref<32x128xf32, #tpu.memory_space<vmem>>) target(%dma_start3A_146 : memref<32x128xf32, #tpu.memory_space<vmem_shared>>) target_semaphore(%run_scoped3A_143 : memref<!tpu.dma_semaphore, #tpu.memory_space<semaphore_mem>>)
      %dma_wait3A = arith.constant 0 : i32
      %dma_wait3A_147 = tpu.memref_slice %arg19[%add3A_34, %dma_wait3A] : memref<10240x128xf32, #tpu.memory_space<vmem_shared>> -> memref<32x128xf32, #tpu.memory_space<vmem_shared>>
      %dma_wait3A_148 = arith.constant 0 : i32
      %dma_wait3A_149 = tpu.memref_slice %arg19[%add3A_34, %dma_wait3A_148] : memref<10240x128xf32, #tpu.memory_space<vmem_shared>> -> memref<32x128xf32, #tpu.memory_space<vmem_shared>>
      tpu.wait_dma2 semaphore(%run_scoped3A_143 : memref<!tpu.dma_semaphore, #tpu.memory_space<semaphore_mem>>) src(%arg17 : memref<32x128xf32, #tpu.memory_space<vmem>>) dst(%dma_wait3A_149 : memref<32x128xf32, #tpu.memory_space<vmem_shared>>)
      tpu.yield
    }) : () -> ()
    %add3A_35 = arith.constant 320 : i32
    %add3A_36 = arith.addi %mul3A_2, %add3A_35 : i32
    "tpu.region"() ({
      %run_scoped3A_143 = tpu.sem_alloc : memref<!tpu.dma_semaphore, #tpu.memory_space<semaphore_mem>>
      %dma_start3A = arith.constant 0 : i32
      %dma_start3A_144 = tpu.memref_slice %arg19[%add3A_36, %dma_start3A] : memref<10240x128xf32, #tpu.memory_space<vmem_shared>> -> memref<32x128xf32, #tpu.memory_space<vmem_shared>>
      %dma_start3A_145 = arith.constant 0 : i32
      %dma_start3A_146 = tpu.memref_slice %arg19[%add3A_36, %dma_start3A_145] : memref<10240x128xf32, #tpu.memory_space<vmem_shared>> -> memref<32x128xf32, #tpu.memory_space<vmem_shared>>
      tpu.enqueue_dma source(%arg17 : memref<32x128xf32, #tpu.memory_space<vmem>>) target(%dma_start3A_146 : memref<32x128xf32, #tpu.memory_space<vmem_shared>>) target_semaphore(%run_scoped3A_143 : memref<!tpu.dma_semaphore, #tpu.memory_space<semaphore_mem>>)
      %dma_wait3A = arith.constant 0 : i32
      %dma_wait3A_147 = tpu.memref_slice %arg19[%add3A_36, %dma_wait3A] : memref<10240x128xf32, #tpu.memory_space<vmem_shared>> -> memref<32x128xf32, #tpu.memory_space<vmem_shared>>
      %dma_wait3A_148 = arith.constant 0 : i32
      %dma_wait3A_149 = tpu.memref_slice %arg19[%add3A_36, %dma_wait3A_148] : memref<10240x128xf32, #tpu.memory_space<vmem_shared>> -> memref<32x128xf32, #tpu.memory_space<vmem_shared>>
      tpu.wait_dma2 semaphore(%run_scoped3A_143 : memref<!tpu.dma_semaphore, #tpu.memory_space<semaphore_mem>>) src(%arg17 : memref<32x128xf32, #tpu.memory_space<vmem>>) dst(%dma_wait3A_149 : memref<32x128xf32, #tpu.memory_space<vmem_shared>>)
      tpu.yield
    }) : () -> ()
    %add3A_37 = arith.constant 352 : i32
    %add3A_38 = arith.addi %mul3A_2, %add3A_37 : i32
    "tpu.region"() ({
      %run_scoped3A_143 = tpu.sem_alloc : memref<!tpu.dma_semaphore, #tpu.memory_space<semaphore_mem>>
      %dma_start3A = arith.constant 0 : i32
      %dma_start3A_144 = tpu.memref_slice %arg19[%add3A_38, %dma_start3A] : memref<10240x128xf32, #tpu.memory_space<vmem_shared>> -> memref<32x128xf32, #tpu.memory_space<vmem_shared>>
      %dma_start3A_145 = arith.constant 0 : i32
      %dma_start3A_146 = tpu.memref_slice %arg19[%add3A_38, %dma_start3A_145] : memref<10240x128xf32, #tpu.memory_space<vmem_shared>> -> memref<32x128xf32, #tpu.memory_space<vmem_shared>>
      tpu.enqueue_dma source(%arg17 : memref<32x128xf32, #tpu.memory_space<vmem>>) target(%dma_start3A_146 : memref<32x128xf32, #tpu.memory_space<vmem_shared>>) target_semaphore(%run_scoped3A_143 : memref<!tpu.dma_semaphore, #tpu.memory_space<semaphore_mem>>)
      %dma_wait3A = arith.constant 0 : i32
      %dma_wait3A_147 = tpu.memref_slice %arg19[%add3A_38, %dma_wait3A] : memref<10240x128xf32, #tpu.memory_space<vmem_shared>> -> memref<32x128xf32, #tpu.memory_space<vmem_shared>>
      %dma_wait3A_148 = arith.constant 0 : i32
      %dma_wait3A_149 = tpu.memref_slice %arg19[%add3A_38, %dma_wait3A_148] : memref<10240x128xf32, #tpu.memory_space<vmem_shared>> -> memref<32x128xf32, #tpu.memory_space<vmem_shared>>
      tpu.wait_dma2 semaphore(%run_scoped3A_143 : memref<!tpu.dma_semaphore, #tpu.memory_space<semaphore_mem>>) src(%arg17 : memref<32x128xf32, #tpu.memory_space<vmem>>) dst(%dma_wait3A_149 : memref<32x128xf32, #tpu.memory_space<vmem_shared>>)
      tpu.yield
    }) : () -> ()
    %add3A_39 = arith.constant 384 : i32
    %add3A_40 = arith.addi %mul3A_2, %add3A_39 : i32
    "tpu.region"() ({
      %run_scoped3A_143 = tpu.sem_alloc : memref<!tpu.dma_semaphore, #tpu.memory_space<semaphore_mem>>
      %dma_start3A = arith.constant 0 : i32
      %dma_start3A_144 = tpu.memref_slice %arg19[%add3A_40, %dma_start3A] : memref<10240x128xf32, #tpu.memory_space<vmem_shared>> -> memref<32x128xf32, #tpu.memory_space<vmem_shared>>
      %dma_start3A_145 = arith.constant 0 : i32
      %dma_start3A_146 = tpu.memref_slice %arg19[%add3A_40, %dma_start3A_145] : memref<10240x128xf32, #tpu.memory_space<vmem_shared>> -> memref<32x128xf32, #tpu.memory_space<vmem_shared>>
      tpu.enqueue_dma source(%arg17 : memref<32x128xf32, #tpu.memory_space<vmem>>) target(%dma_start3A_146 : memref<32x128xf32, #tpu.memory_space<vmem_shared>>) target_semaphore(%run_scoped3A_143 : memref<!tpu.dma_semaphore, #tpu.memory_space<semaphore_mem>>)
      %dma_wait3A = arith.constant 0 : i32
      %dma_wait3A_147 = tpu.memref_slice %arg19[%add3A_40, %dma_wait3A] : memref<10240x128xf32, #tpu.memory_space<vmem_shared>> -> memref<32x128xf32, #tpu.memory_space<vmem_shared>>
      %dma_wait3A_148 = arith.constant 0 : i32
      %dma_wait3A_149 = tpu.memref_slice %arg19[%add3A_40, %dma_wait3A_148] : memref<10240x128xf32, #tpu.memory_space<vmem_shared>> -> memref<32x128xf32, #tpu.memory_space<vmem_shared>>
      tpu.wait_dma2 semaphore(%run_scoped3A_143 : memref<!tpu.dma_semaphore, #tpu.memory_space<semaphore_mem>>) src(%arg17 : memref<32x128xf32, #tpu.memory_space<vmem>>) dst(%dma_wait3A_149 : memref<32x128xf32, #tpu.memory_space<vmem_shared>>)
      tpu.yield
    }) : () -> ()
    %add3A_41 = arith.constant 416 : i32
    %add3A_42 = arith.addi %mul3A_2, %add3A_41 : i32
    "tpu.region"() ({
      %run_scoped3A_143 = tpu.sem_alloc : memref<!tpu.dma_semaphore, #tpu.memory_space<semaphore_mem>>
      %dma_start3A = arith.constant 0 : i32
      %dma_start3A_144 = tpu.memref_slice %arg19[%add3A_42, %dma_start3A] : memref<10240x128xf32, #tpu.memory_space<vmem_shared>> -> memref<32x128xf32, #tpu.memory_space<vmem_shared>>
      %dma_start3A_145 = arith.constant 0 : i32
      %dma_start3A_146 = tpu.memref_slice %arg19[%add3A_42, %dma_start3A_145] : memref<10240x128xf32, #tpu.memory_space<vmem_shared>> -> memref<32x128xf32, #tpu.memory_space<vmem_shared>>
      tpu.enqueue_dma source(%arg17 : memref<32x128xf32, #tpu.memory_space<vmem>>) target(%dma_start3A_146 : memref<32x128xf32, #tpu.memory_space<vmem_shared>>) target_semaphore(%run_scoped3A_143 : memref<!tpu.dma_semaphore, #tpu.memory_space<semaphore_mem>>)
      %dma_wait3A = arith.constant 0 : i32
      %dma_wait3A_147 = tpu.memref_slice %arg19[%add3A_42, %dma_wait3A] : memref<10240x128xf32, #tpu.memory_space<vmem_shared>> -> memref<32x128xf32, #tpu.memory_space<vmem_shared>>
      %dma_wait3A_148 = arith.constant 0 : i32
      %dma_wait3A_149 = tpu.memref_slice %arg19[%add3A_42, %dma_wait3A_148] : memref<10240x128xf32, #tpu.memory_space<vmem_shared>> -> memref<32x128xf32, #tpu.memory_space<vmem_shared>>
      tpu.wait_dma2 semaphore(%run_scoped3A_143 : memref<!tpu.dma_semaphore, #tpu.memory_space<semaphore_mem>>) src(%arg17 : memref<32x128xf32, #tpu.memory_space<vmem>>) dst(%dma_wait3A_149 : memref<32x128xf32, #tpu.memory_space<vmem_shared>>)
      tpu.yield
    }) : () -> ()
    %add3A_43 = arith.constant 448 : i32
    %add3A_44 = arith.addi %mul3A_2, %add3A_43 : i32
    "tpu.region"() ({
      %run_scoped3A_143 = tpu.sem_alloc : memref<!tpu.dma_semaphore, #tpu.memory_space<semaphore_mem>>
      %dma_start3A = arith.constant 0 : i32
      %dma_start3A_144 = tpu.memref_slice %arg19[%add3A_44, %dma_start3A] : memref<10240x128xf32, #tpu.memory_space<vmem_shared>> -> memref<32x128xf32, #tpu.memory_space<vmem_shared>>
      %dma_start3A_145 = arith.constant 0 : i32
      %dma_start3A_146 = tpu.memref_slice %arg19[%add3A_44, %dma_start3A_145] : memref<10240x128xf32, #tpu.memory_space<vmem_shared>> -> memref<32x128xf32, #tpu.memory_space<vmem_shared>>
      tpu.enqueue_dma source(%arg17 : memref<32x128xf32, #tpu.memory_space<vmem>>) target(%dma_start3A_146 : memref<32x128xf32, #tpu.memory_space<vmem_shared>>) target_semaphore(%run_scoped3A_143 : memref<!tpu.dma_semaphore, #tpu.memory_space<semaphore_mem>>)
      %dma_wait3A = arith.constant 0 : i32
      %dma_wait3A_147 = tpu.memref_slice %arg19[%add3A_44, %dma_wait3A] : memref<10240x128xf32, #tpu.memory_space<vmem_shared>> -> memref<32x128xf32, #tpu.memory_space<vmem_shared>>
      %dma_wait3A_148 = arith.constant 0 : i32
      %dma_wait3A_149 = tpu.memref_slice %arg19[%add3A_44, %dma_wait3A_148] : memref<10240x128xf32, #tpu.memory_space<vmem_shared>> -> memref<32x128xf32, #tpu.memory_space<vmem_shared>>
      tpu.wait_dma2 semaphore(%run_scoped3A_143 : memref<!tpu.dma_semaphore, #tpu.memory_space<semaphore_mem>>) src(%arg17 : memref<32x128xf32, #tpu.memory_space<vmem>>) dst(%dma_wait3A_149 : memref<32x128xf32, #tpu.memory_space<vmem_shared>>)
      tpu.yield
    }) : () -> ()
    %add3A_45 = arith.constant 480 : i32
    %add3A_46 = arith.addi %mul3A_2, %add3A_45 : i32
    "tpu.region"() ({
      %run_scoped3A_143 = tpu.sem_alloc : memref<!tpu.dma_semaphore, #tpu.memory_space<semaphore_mem>>
      %dma_start3A = arith.constant 0 : i32
      %dma_start3A_144 = tpu.memref_slice %arg19[%add3A_46, %dma_start3A] : memref<10240x128xf32, #tpu.memory_space<vmem_shared>> -> memref<32x128xf32, #tpu.memory_space<vmem_shared>>
      %dma_start3A_145 = arith.constant 0 : i32
      %dma_start3A_146 = tpu.memref_slice %arg19[%add3A_46, %dma_start3A_145] : memref<10240x128xf32, #tpu.memory_space<vmem_shared>> -> memref<32x128xf32, #tpu.memory_space<vmem_shared>>
      tpu.enqueue_dma source(%arg17 : memref<32x128xf32, #tpu.memory_space<vmem>>) target(%dma_start3A_146 : memref<32x128xf32, #tpu.memory_space<vmem_shared>>) target_semaphore(%run_scoped3A_143 : memref<!tpu.dma_semaphore, #tpu.memory_space<semaphore_mem>>)
      %dma_wait3A = arith.constant 0 : i32
      %dma_wait3A_147 = tpu.memref_slice %arg19[%add3A_46, %dma_wait3A] : memref<10240x128xf32, #tpu.memory_space<vmem_shared>> -> memref<32x128xf32, #tpu.memory_space<vmem_shared>>
      %dma_wait3A_148 = arith.constant 0 : i32
      %dma_wait3A_149 = tpu.memref_slice %arg19[%add3A_46, %dma_wait3A_148] : memref<10240x128xf32, #tpu.memory_space<vmem_shared>> -> memref<32x128xf32, #tpu.memory_space<vmem_shared>>
      tpu.wait_dma2 semaphore(%run_scoped3A_143 : memref<!tpu.dma_semaphore, #tpu.memory_space<semaphore_mem>>) src(%arg17 : memref<32x128xf32, #tpu.memory_space<vmem>>) dst(%dma_wait3A_149 : memref<32x128xf32, #tpu.memory_space<vmem_shared>>)
      tpu.yield
    }) : () -> ()
    %add3A_47 = arith.constant 512 : i32
    %add3A_48 = arith.addi %mul3A_2, %add3A_47 : i32
    "tpu.region"() ({
      %run_scoped3A_143 = tpu.sem_alloc : memref<!tpu.dma_semaphore, #tpu.memory_space<semaphore_mem>>
      %dma_start3A = arith.constant 0 : i32
      %dma_start3A_144 = tpu.memref_slice %arg19[%add3A_48, %dma_start3A] : memref<10240x128xf32, #tpu.memory_space<vmem_shared>> -> memref<32x128xf32, #tpu.memory_space<vmem_shared>>
      %dma_start3A_145 = arith.constant 0 : i32
      %dma_start3A_146 = tpu.memref_slice %arg19[%add3A_48, %dma_start3A_145] : memref<10240x128xf32, #tpu.memory_space<vmem_shared>> -> memref<32x128xf32, #tpu.memory_space<vmem_shared>>
      tpu.enqueue_dma source(%arg17 : memref<32x128xf32, #tpu.memory_space<vmem>>) target(%dma_start3A_146 : memref<32x128xf32, #tpu.memory_space<vmem_shared>>) target_semaphore(%run_scoped3A_143 : memref<!tpu.dma_semaphore, #tpu.memory_space<semaphore_mem>>)
      %dma_wait3A = arith.constant 0 : i32
      %dma_wait3A_147 = tpu.memref_slice %arg19[%add3A_48, %dma_wait3A] : memref<10240x128xf32, #tpu.memory_space<vmem_shared>> -> memref<32x128xf32, #tpu.memory_space<vmem_shared>>
      %dma_wait3A_148 = arith.constant 0 : i32
      %dma_wait3A_149 = tpu.memref_slice %arg19[%add3A_48, %dma_wait3A_148] : memref<10240x128xf32, #tpu.memory_space<vmem_shared>> -> memref<32x128xf32, #tpu.memory_space<vmem_shared>>
      tpu.wait_dma2 semaphore(%run_scoped3A_143 : memref<!tpu.dma_semaphore, #tpu.memory_space<semaphore_mem>>) src(%arg17 : memref<32x128xf32, #tpu.memory_space<vmem>>) dst(%dma_wait3A_149 : memref<32x128xf32, #tpu.memory_space<vmem_shared>>)
      tpu.yield
    }) : () -> ()
    %add3A_49 = arith.constant 544 : i32
    %add3A_50 = arith.addi %mul3A_2, %add3A_49 : i32
    "tpu.region"() ({
      %run_scoped3A_143 = tpu.sem_alloc : memref<!tpu.dma_semaphore, #tpu.memory_space<semaphore_mem>>
      %dma_start3A = arith.constant 0 : i32
      %dma_start3A_144 = tpu.memref_slice %arg19[%add3A_50, %dma_start3A] : memref<10240x128xf32, #tpu.memory_space<vmem_shared>> -> memref<32x128xf32, #tpu.memory_space<vmem_shared>>
      %dma_start3A_145 = arith.constant 0 : i32
      %dma_start3A_146 = tpu.memref_slice %arg19[%add3A_50, %dma_start3A_145] : memref<10240x128xf32, #tpu.memory_space<vmem_shared>> -> memref<32x128xf32, #tpu.memory_space<vmem_shared>>
      tpu.enqueue_dma source(%arg17 : memref<32x128xf32, #tpu.memory_space<vmem>>) target(%dma_start3A_146 : memref<32x128xf32, #tpu.memory_space<vmem_shared>>) target_semaphore(%run_scoped3A_143 : memref<!tpu.dma_semaphore, #tpu.memory_space<semaphore_mem>>)
      %dma_wait3A = arith.constant 0 : i32
      %dma_wait3A_147 = tpu.memref_slice %arg19[%add3A_50, %dma_wait3A] : memref<10240x128xf32, #tpu.memory_space<vmem_shared>> -> memref<32x128xf32, #tpu.memory_space<vmem_shared>>
      %dma_wait3A_148 = arith.constant 0 : i32
      %dma_wait3A_149 = tpu.memref_slice %arg19[%add3A_50, %dma_wait3A_148] : memref<10240x128xf32, #tpu.memory_space<vmem_shared>> -> memref<32x128xf32, #tpu.memory_space<vmem_shared>>
      tpu.wait_dma2 semaphore(%run_scoped3A_143 : memref<!tpu.dma_semaphore, #tpu.memory_space<semaphore_mem>>) src(%arg17 : memref<32x128xf32, #tpu.memory_space<vmem>>) dst(%dma_wait3A_149 : memref<32x128xf32, #tpu.memory_space<vmem_shared>>)
      tpu.yield
    }) : () -> ()
    %add3A_51 = arith.constant 576 : i32
    %add3A_52 = arith.addi %mul3A_2, %add3A_51 : i32
    "tpu.region"() ({
      %run_scoped3A_143 = tpu.sem_alloc : memref<!tpu.dma_semaphore, #tpu.memory_space<semaphore_mem>>
      %dma_start3A = arith.constant 0 : i32
      %dma_start3A_144 = tpu.memref_slice %arg19[%add3A_52, %dma_start3A] : memref<10240x128xf32, #tpu.memory_space<vmem_shared>> -> memref<32x128xf32, #tpu.memory_space<vmem_shared>>
      %dma_start3A_145 = arith.constant 0 : i32
      %dma_start3A_146 = tpu.memref_slice %arg19[%add3A_52, %dma_start3A_145] : memref<10240x128xf32, #tpu.memory_space<vmem_shared>> -> memref<32x128xf32, #tpu.memory_space<vmem_shared>>
      tpu.enqueue_dma source(%arg17 : memref<32x128xf32, #tpu.memory_space<vmem>>) target(%dma_start3A_146 : memref<32x128xf32, #tpu.memory_space<vmem_shared>>) target_semaphore(%run_scoped3A_143 : memref<!tpu.dma_semaphore, #tpu.memory_space<semaphore_mem>>)
      %dma_wait3A = arith.constant 0 : i32
      %dma_wait3A_147 = tpu.memref_slice %arg19[%add3A_52, %dma_wait3A] : memref<10240x128xf32, #tpu.memory_space<vmem_shared>> -> memref<32x128xf32, #tpu.memory_space<vmem_shared>>
      %dma_wait3A_148 = arith.constant 0 : i32
      %dma_wait3A_149 = tpu.memref_slice %arg19[%add3A_52, %dma_wait3A_148] : memref<10240x128xf32, #tpu.memory_space<vmem_shared>> -> memref<32x128xf32, #tpu.memory_space<vmem_shared>>
      tpu.wait_dma2 semaphore(%run_scoped3A_143 : memref<!tpu.dma_semaphore, #tpu.memory_space<semaphore_mem>>) src(%arg17 : memref<32x128xf32, #tpu.memory_space<vmem>>) dst(%dma_wait3A_149 : memref<32x128xf32, #tpu.memory_space<vmem_shared>>)
      tpu.yield
    }) : () -> ()
    %add3A_53 = arith.constant 608 : i32
    %add3A_54 = arith.addi %mul3A_2, %add3A_53 : i32
    "tpu.region"() ({
      %run_scoped3A_143 = tpu.sem_alloc : memref<!tpu.dma_semaphore, #tpu.memory_space<semaphore_mem>>
      %dma_start3A = arith.constant 0 : i32
      %dma_start3A_144 = tpu.memref_slice %arg19[%add3A_54, %dma_start3A] : memref<10240x128xf32, #tpu.memory_space<vmem_shared>> -> memref<32x128xf32, #tpu.memory_space<vmem_shared>>
      %dma_start3A_145 = arith.constant 0 : i32
      %dma_start3A_146 = tpu.memref_slice %arg19[%add3A_54, %dma_start3A_145] : memref<10240x128xf32, #tpu.memory_space<vmem_shared>> -> memref<32x128xf32, #tpu.memory_space<vmem_shared>>
      tpu.enqueue_dma source(%arg17 : memref<32x128xf32, #tpu.memory_space<vmem>>) target(%dma_start3A_146 : memref<32x128xf32, #tpu.memory_space<vmem_shared>>) target_semaphore(%run_scoped3A_143 : memref<!tpu.dma_semaphore, #tpu.memory_space<semaphore_mem>>)
      %dma_wait3A = arith.constant 0 : i32
      %dma_wait3A_147 = tpu.memref_slice %arg19[%add3A_54, %dma_wait3A] : memref<10240x128xf32, #tpu.memory_space<vmem_shared>> -> memref<32x128xf32, #tpu.memory_space<vmem_shared>>
      %dma_wait3A_148 = arith.constant 0 : i32
      %dma_wait3A_149 = tpu.memref_slice %arg19[%add3A_54, %dma_wait3A_148] : memref<10240x128xf32, #tpu.memory_space<vmem_shared>> -> memref<32x128xf32, #tpu.memory_space<vmem_shared>>
      tpu.wait_dma2 semaphore(%run_scoped3A_143 : memref<!tpu.dma_semaphore, #tpu.memory_space<semaphore_mem>>) src(%arg17 : memref<32x128xf32, #tpu.memory_space<vmem>>) dst(%dma_wait3A_149 : memref<32x128xf32, #tpu.memory_space<vmem_shared>>)
      tpu.yield
    }) : () -> ()
    "tpu.region"() ({
      %run_scoped3A_143 = tpu.sem_alloc : memref<!tpu.dma_semaphore, #tpu.memory_space<semaphore_mem>>
      %dma_start3A = tpu.memref_slice %arg20[%mul3A_2] : memref<10240xf32, #tpu.memory_space<vmem_shared>> -> memref<640xf32, #tpu.memory_space<vmem_shared>>
      %dma_start3A_144 = tpu.memref_slice %arg20[%mul3A_2] : memref<10240xf32, #tpu.memory_space<vmem_shared>> -> memref<640xf32, #tpu.memory_space<vmem_shared>>
      tpu.enqueue_dma source(%arg18 : memref<640xf32, #tpu.memory_space<vmem>>) target(%dma_start3A_144 : memref<640xf32, #tpu.memory_space<vmem_shared>>) target_semaphore(%run_scoped3A_143 : memref<!tpu.dma_semaphore, #tpu.memory_space<semaphore_mem>>)
      %dma_wait3A = tpu.memref_slice %arg20[%mul3A_2] : memref<10240xf32, #tpu.memory_space<vmem_shared>> -> memref<640xf32, #tpu.memory_space<vmem_shared>>
      %dma_wait3A_145 = tpu.memref_slice %arg20[%mul3A_2] : memref<10240xf32, #tpu.memory_space<vmem_shared>> -> memref<640xf32, #tpu.memory_space<vmem_shared>>
      tpu.wait_dma2 semaphore(%run_scoped3A_143 : memref<!tpu.dma_semaphore, #tpu.memory_space<semaphore_mem>>) src(%arg18 : memref<640xf32, #tpu.memory_space<vmem>>) dst(%dma_wait3A_145 : memref<640xf32, #tpu.memory_space<vmem_shared>>)
      tpu.yield
    }) : () -> ()
    "tpu.region"() ({
      %run_scoped3A_143 = tpu.sem_alloc : memref<!tpu.dma_semaphore, #tpu.memory_space<semaphore_mem>>
      tpu.enqueue_dma source(%arg5 : memref<10000xf32, #tpu.memory_space<hbm>>) target(%arg13 : memref<10000xf32, #tpu.memory_space<vmem>>) target_semaphore(%run_scoped3A_143 : memref<!tpu.dma_semaphore, #tpu.memory_space<semaphore_mem>>)
      tpu.wait_dma2 semaphore(%run_scoped3A_143 : memref<!tpu.dma_semaphore, #tpu.memory_space<semaphore_mem>>) src(%arg5 : memref<10000xf32, #tpu.memory_space<hbm>>) dst(%arg13 : memref<10000xf32, #tpu.memory_space<vmem>>)
      tpu.yield
    }) : () -> ()
    "tpu.region"() ({
      %run_scoped3A_143 = tpu.sem_alloc : memref<!tpu.dma_semaphore, #tpu.memory_space<semaphore_mem>>
      tpu.enqueue_dma source(%arg6 : memref<10000xf32, #tpu.memory_space<hbm>>) target(%arg14 : memref<10000xf32, #tpu.memory_space<vmem>>) target_semaphore(%run_scoped3A_143 : memref<!tpu.dma_semaphore, #tpu.memory_space<semaphore_mem>>)
      tpu.wait_dma2 semaphore(%run_scoped3A_143 : memref<!tpu.dma_semaphore, #tpu.memory_space<semaphore_mem>>) src(%arg6 : memref<10000xf32, #tpu.memory_space<hbm>>) dst(%arg14 : memref<10000xf32, #tpu.memory_space<vmem>>)
      tpu.yield
    }) : () -> ()
    %run_scoped3A = arith.constant 0 : i32
    "tpu.region"() ({
      %run_scoped3A_143 = tpu.sem_alloc : memref<!tpu.dma_semaphore, #tpu.memory_space<semaphore_mem>>
      %dma_start3A = arith.constant 0 : i32
      %dma_start3A_144 = tpu.memref_slice %arg7[%run_scoped3A, %dma_start3A] : memref<8x128xf32, #tpu.memory_space<hbm>> -> memref<1x128xf32, #tpu.memory_space<hbm>>
      %dma_start3A_145 = tpu.memref_squeeze %dma_start3A_144 : memref<1x128xf32, #tpu.memory_space<hbm>> -> memref<128xf32, #tpu.memory_space<hbm>>
      %dma_start3A_146 = arith.constant 0 : i32
      %dma_start3A_147 = tpu.memref_slice %arg7[%run_scoped3A, %dma_start3A_146] : memref<8x128xf32, #tpu.memory_space<hbm>> -> memref<1x128xf32, #tpu.memory_space<hbm>>
      %dma_start3A_148 = tpu.memref_squeeze %dma_start3A_147 : memref<1x128xf32, #tpu.memory_space<hbm>> -> memref<128xf32, #tpu.memory_space<hbm>>
      tpu.enqueue_dma source(%dma_start3A_148 : memref<128xf32, #tpu.memory_space<hbm>>) target(%arg15 : memref<128xf32, #tpu.memory_space<vmem>>) target_semaphore(%run_scoped3A_143 : memref<!tpu.dma_semaphore, #tpu.memory_space<semaphore_mem>>)
      %dma_wait3A = arith.constant 0 : i32
      %dma_wait3A_149 = tpu.memref_slice %arg7[%run_scoped3A, %dma_wait3A] : memref<8x128xf32, #tpu.memory_space<hbm>> -> memref<1x128xf32, #tpu.memory_space<hbm>>
      %dma_wait3A_150 = tpu.memref_squeeze %dma_wait3A_149 : memref<1x128xf32, #tpu.memory_space<hbm>> -> memref<128xf32, #tpu.memory_space<hbm>>
      %dma_wait3A_151 = arith.constant 0 : i32
      %dma_wait3A_152 = tpu.memref_slice %arg7[%run_scoped3A, %dma_wait3A_151] : memref<8x128xf32, #tpu.memory_space<hbm>> -> memref<1x128xf32, #tpu.memory_space<hbm>>
      %dma_wait3A_153 = tpu.memref_squeeze %dma_wait3A_152 : memref<1x128xf32, #tpu.memory_space<hbm>> -> memref<128xf32, #tpu.memory_space<hbm>>
      tpu.wait_dma2 semaphore(%run_scoped3A_143 : memref<!tpu.dma_semaphore, #tpu.memory_space<semaphore_mem>>) src(%dma_wait3A_153 : memref<128xf32, #tpu.memory_space<hbm>>) dst(%arg15 : memref<128xf32, #tpu.memory_space<vmem>>)
      tpu.yield
    }) : () -> ()
    %barrier3A = arith.constant 0 : index
    tpu.barrier barrier_id(%barrier3A)
    %iota3A = tpu.iota {dimensions = array<i32: 0>} : vector<16xi32>
    %get3A = arith.constant 0 : index
    %get3A_55 = tpu.vector_load %arg15[%get3A] {strides = array<i32>} : memref<128xf32, #tpu.memory_space<vmem>>, vector<16xf32>,
    %scan3A_56 = arith.constant 0 : i32
    %scan3A_57 = arith.constant 0 : i32
    %scan3A_58 = arith.constant 5 : i32
    %scan3A_59 = arith.addi %scan3A_57, %scan3A_58 : i32
    %scan3A_60 = arith.constant 1 : i32
    scf.for %scan3A_143 = %scan3A_57 to %scan3A_59 step %scan3A_60  : i32 {
      %mul3A_144 = arith.constant 10000 : i32
      %mul3A_145 = arith.muli %add3A, %mul3A_144 : i32
      %mul3A_146 = arith.constant 2000 : i32
      %mul3A_147 = arith.muli %scan3A_143, %mul3A_146 : i32
      %add3A_148 = arith.addi %mul3A_145, %mul3A_147 : i32
      "tpu.region"() ({
        %run_scoped3A_387 = tpu.sem_alloc : memref<!tpu.dma_semaphore, #tpu.memory_space<semaphore_mem>>
        %dma_start3A_388 = tpu.memref_slice %arg3[%add3A_148] : memref<320000xi32, #tpu.memory_space<hbm>> -> memref<2000xi32, #tpu.memory_space<hbm>>
        %dma_start3A_389 = tpu.memref_slice %arg3[%add3A_148] : memref<320000xi32, #tpu.memory_space<hbm>> -> memref<2000xi32, #tpu.memory_space<hbm>>
        tpu.enqueue_dma source(%dma_start3A_389 : memref<2000xi32, #tpu.memory_space<hbm>>) target(%arg10 : memref<2000xi32, #tpu.memory_space<vmem>>) target_semaphore(%run_scoped3A_387 : memref<!tpu.dma_semaphore, #tpu.memory_space<semaphore_mem>>)
        %dma_wait3A_390 = tpu.memref_slice %arg3[%add3A_148] : memref<320000xi32, #tpu.memory_space<hbm>> -> memref<2000xi32, #tpu.memory_space<hbm>>
        %dma_wait3A_391 = tpu.memref_slice %arg3[%add3A_148] : memref<320000xi32, #tpu.memory_space<hbm>> -> memref<2000xi32, #tpu.memory_space<hbm>>
        tpu.wait_dma2 semaphore(%run_scoped3A_387 : memref<!tpu.dma_semaphore, #tpu.memory_space<semaphore_mem>>) src(%dma_wait3A_391 : memref<2000xi32, #tpu.memory_space<hbm>>) dst(%arg10 : memref<2000xi32, #tpu.memory_space<vmem>>)
        tpu.yield
      }) : () -> ()
      "tpu.region"() ({
        %run_scoped3A_387 = tpu.sem_alloc : memref<!tpu.dma_semaphore, #tpu.memory_space<semaphore_mem>>
        %dma_start3A_388 = tpu.memref_slice %arg4[%add3A_148] : memref<320000xi32, #tpu.memory_space<hbm>> -> memref<2000xi32, #tpu.memory_space<hbm>>
        %dma_start3A_389 = tpu.memref_slice %arg4[%add3A_148] : memref<320000xi32, #tpu.memory_space<hbm>> -> memref<2000xi32, #tpu.memory_space<hbm>>
        tpu.enqueue_dma source(%dma_start3A_389 : memref<2000xi32, #tpu.memory_space<hbm>>) target(%arg11 : memref<2000xi32, #tpu.memory_space<vmem>>) target_semaphore(%run_scoped3A_387 : memref<!tpu.dma_semaphore, #tpu.memory_space<semaphore_mem>>)
        %dma_wait3A_390 = tpu.memref_slice %arg4[%add3A_148] : memref<320000xi32, #tpu.memory_space<hbm>> -> memref<2000xi32, #tpu.memory_space<hbm>>
        %dma_wait3A_391 = tpu.memref_slice %arg4[%add3A_148] : memref<320000xi32, #tpu.memory_space<hbm>> -> memref<2000xi32, #tpu.memory_space<hbm>>
        tpu.wait_dma2 semaphore(%run_scoped3A_387 : memref<!tpu.dma_semaphore, #tpu.memory_space<semaphore_mem>>) src(%dma_wait3A_391 : memref<2000xi32, #tpu.memory_space<hbm>>) dst(%arg11 : memref<2000xi32, #tpu.memory_space<vmem>>)
        tpu.yield
      }) : () -> ()
      %dma_start3A = arith.constant 0 : i32
      %dma_start3A_149 = arith.constant 0 : i32
      %dma_start3A_150 = arith.constant 0 : i32
      %dma_start3A_151 = arith.constant 0 : i32
      %dma_start3A_152 = tpu.memref_slice %arg16[%dma_start3A, %dma_start3A_150, %dma_start3A_151] : memref<8x16x128xf32, #tpu.memory_space<vmem>> -> memref<1x16x128xf32, #tpu.memory_space<vmem>>
      %dma_start3A_153 = tpu.memref_squeeze %dma_start3A_152 : memref<1x16x128xf32, #tpu.memory_space<vmem>> -> memref<16x128xf32, #tpu.memory_space<vmem>>
      %dma_start3A_154 = arith.constant 0 : i32
      %dma_start3A_155 = tpu.memref_slice %arg10[%dma_start3A_154] : memref<2000xi32, #tpu.memory_space<vmem>> -> memref<16xi32, #tpu.memory_space<vmem>>
      %dma_start3A_156 = arith.constant 0 : i32
      %dma_start3A_157 = arith.constant 0 : i32
      %dma_start3A_158 = tpu.memref_slice %arg2[%dma_start3A_156, %dma_start3A_157] : memref<10000x128xf32, #tpu.memory_space<hbm>> -> memref<10000x128xf32, #tpu.memory_space<hbm>>
      %dma_start3A_159 = tpu.memref_slice %arg21[%dma_start3A_149] : memref<8x!tpu.dma_semaphore, #tpu.memory_space<semaphore_mem>> -> memref<1x!tpu.dma_semaphore, #tpu.memory_space<semaphore_mem>>
      %dma_start3A_160 = tpu.memref_squeeze %dma_start3A_159 : memref<1x!tpu.dma_semaphore, #tpu.memory_space<semaphore_mem>> -> memref<!tpu.dma_semaphore, #tpu.memory_space<semaphore_mem>>
      tpu.enqueue_indirect_dma source(%dma_start3A_158 : memref<10000x128xf32, #tpu.memory_space<hbm>>) target(%dma_start3A_153 : memref<16x128xf32, #tpu.memory_space<vmem>>) offsets(%dma_start3A_155 : memref<16xi32, #tpu.memory_space<vmem>>) semaphore(%dma_start3A_160 : memref<!tpu.dma_semaphore, #tpu.memory_space<semaphore_mem>>)
      %dma_start3A_161 = arith.constant 1 : i32
      %dma_start3A_162 = arith.constant 1 : i32
      %dma_start3A_163 = arith.constant 0 : i32
      %dma_start3A_164 = arith.constant 0 : i32
      %dma_start3A_165 = tpu.memref_slice %arg16[%dma_start3A_161, %dma_start3A_163, %dma_start3A_164] : memref<8x16x128xf32, #tpu.memory_space<vmem>> -> memref<1x16x128xf32, #tpu.memory_space<vmem>>
      %dma_start3A_166 = tpu.memref_squeeze %dma_start3A_165 : memref<1x16x128xf32, #tpu.memory_space<vmem>> -> memref<16x128xf32, #tpu.memory_space<vmem>>
      %dma_start3A_167 = arith.constant 16 : i32
      %dma_start3A_168 = tpu.memref_slice %arg10[%dma_start3A_167] : memref<2000xi32, #tpu.memory_space<vmem>> -> memref<16xi32, #tpu.memory_space<vmem>>
      %dma_start3A_169 = arith.constant 0 : i32
      %dma_start3A_170 = arith.constant 0 : i32
      %dma_start3A_171 = tpu.memref_slice %arg2[%dma_start3A_169, %dma_start3A_170] : memref<10000x128xf32, #tpu.memory_space<hbm>> -> memref<10000x128xf32, #tpu.memory_space<hbm>>
      %dma_start3A_172 = tpu.memref_slice %arg21[%dma_start3A_162] : memref<8x!tpu.dma_semaphore, #tpu.memory_space<semaphore_mem>> -> memref<1x!tpu.dma_semaphore, #tpu.memory_space<semaphore_mem>>
      %dma_start3A_173 = tpu.memref_squeeze %dma_start3A_172 : memref<1x!tpu.dma_semaphore, #tpu.memory_space<semaphore_mem>> -> memref<!tpu.dma_semaphore, #tpu.memory_space<semaphore_mem>>
      tpu.enqueue_indirect_dma source(%dma_start3A_171 : memref<10000x128xf32, #tpu.memory_space<hbm>>) target(%dma_start3A_166 : memref<16x128xf32, #tpu.memory_space<vmem>>) offsets(%dma_start3A_168 : memref<16xi32, #tpu.memory_space<vmem>>) semaphore(%dma_start3A_173 : memref<!tpu.dma_semaphore, #tpu.memory_space<semaphore_mem>>)
      %dma_start3A_174 = arith.constant 2 : i32
      %dma_start3A_175 = arith.constant 2 : i32
      %dma_start3A_176 = arith.constant 0 : i32
      %dma_start3A_177 = arith.constant 0 : i32
      %dma_start3A_178 = tpu.memref_slice %arg16[%dma_start3A_174, %dma_start3A_176, %dma_start3A_177] : memref<8x16x128xf32, #tpu.memory_space<vmem>> -> memref<1x16x128xf32, #tpu.memory_space<vmem>>
      %dma_start3A_179 = tpu.memref_squeeze %dma_start3A_178 : memref<1x16x128xf32, #tpu.memory_space<vmem>> -> memref<16x128xf32, #tpu.memory_space<vmem>>
      %dma_start3A_180 = arith.constant 32 : i32
      %dma_start3A_181 = tpu.memref_slice %arg10[%dma_start3A_180] : memref<2000xi32, #tpu.memory_space<vmem>> -> memref<16xi32, #tpu.memory_space<vmem>>
      %dma_start3A_182 = arith.constant 0 : i32
      %dma_start3A_183 = arith.constant 0 : i32
      %dma_start3A_184 = tpu.memref_slice %arg2[%dma_start3A_182, %dma_start3A_183] : memref<10000x128xf32, #tpu.memory_space<hbm>> -> memref<10000x128xf32, #tpu.memory_space<hbm>>
      %dma_start3A_185 = tpu.memref_slice %arg21[%dma_start3A_175] : memref<8x!tpu.dma_semaphore, #tpu.memory_space<semaphore_mem>> -> memref<1x!tpu.dma_semaphore, #tpu.memory_space<semaphore_mem>>
      %dma_start3A_186 = tpu.memref_squeeze %dma_start3A_185 : memref<1x!tpu.dma_semaphore, #tpu.memory_space<semaphore_mem>> -> memref<!tpu.dma_semaphore, #tpu.memory_space<semaphore_mem>>
      tpu.enqueue_indirect_dma source(%dma_start3A_184 : memref<10000x128xf32, #tpu.memory_space<hbm>>) target(%dma_start3A_179 : memref<16x128xf32, #tpu.memory_space<vmem>>) offsets(%dma_start3A_181 : memref<16xi32, #tpu.memory_space<vmem>>) semaphore(%dma_start3A_186 : memref<!tpu.dma_semaphore, #tpu.memory_space<semaphore_mem>>)
      %dma_start3A_187 = arith.constant 3 : i32
      %dma_start3A_188 = arith.constant 3 : i32
      %dma_start3A_189 = arith.constant 0 : i32
      %dma_start3A_190 = arith.constant 0 : i32
      %dma_start3A_191 = tpu.memref_slice %arg16[%dma_start3A_187, %dma_start3A_189, %dma_start3A_190] : memref<8x16x128xf32, #tpu.memory_space<vmem>> -> memref<1x16x128xf32, #tpu.memory_space<vmem>>
      %dma_start3A_192 = tpu.memref_squeeze %dma_start3A_191 : memref<1x16x128xf32, #tpu.memory_space<vmem>> -> memref<16x128xf32, #tpu.memory_space<vmem>>
      %dma_start3A_193 = arith.constant 48 : i32
      %dma_start3A_194 = tpu.memref_slice %arg10[%dma_start3A_193] : memref<2000xi32, #tpu.memory_space<vmem>> -> memref<16xi32, #tpu.memory_space<vmem>>
      %dma_start3A_195 = arith.constant 0 : i32
      %dma_start3A_196 = arith.constant 0 : i32
      %dma_start3A_197 = tpu.memref_slice %arg2[%dma_start3A_195, %dma_start3A_196] : memref<10000x128xf32, #tpu.memory_space<hbm>> -> memref<10000x128xf32, #tpu.memory_space<hbm>>
      %dma_start3A_198 = tpu.memref_slice %arg21[%dma_start3A_188] : memref<8x!tpu.dma_semaphore, #tpu.memory_space<semaphore_mem>> -> memref<1x!tpu.dma_semaphore, #tpu.memory_space<semaphore_mem>>
      %dma_start3A_199 = tpu.memref_squeeze %dma_start3A_198 : memref<1x!tpu.dma_semaphore, #tpu.memory_space<semaphore_mem>> -> memref<!tpu.dma_semaphore, #tpu.memory_space<semaphore_mem>>
      tpu.enqueue_indirect_dma source(%dma_start3A_197 : memref<10000x128xf32, #tpu.memory_space<hbm>>) target(%dma_start3A_192 : memref<16x128xf32, #tpu.memory_space<vmem>>) offsets(%dma_start3A_194 : memref<16xi32, #tpu.memory_space<vmem>>) semaphore(%dma_start3A_199 : memref<!tpu.dma_semaphore, #tpu.memory_space<semaphore_mem>>)
      %scan3A_200 = arith.constant 0 : i32
      %scan3A_201 = arith.constant 0 : i32
      %scan3A_202 = arith.constant 125 : i32
      %scan3A_203 = arith.addi %scan3A_201, %scan3A_202 : i32
      %scan3A_204 = arith.constant 1 : i32
      scf.for %scan3A_387 = %scan3A_201 to %scan3A_203 step %scan3A_204  : i32 {
        %mul3A_388 = arith.constant 16 : i32
        %mul3A_389 = arith.muli %mul3A_388, %scan3A_387 : i32
        %get3A_390 = arith.index_cast %mul3A_389 : i32 to index
        %get3A_391 = tpu.vector_load %arg10[%get3A_390] {strides = array<i32>} : memref<2000xi32, #tpu.memory_space<vmem>>, vector<16xi32>,
        %mul3A_392 = arith.constant 16 : i32
        %mul3A_393 = arith.muli %mul3A_392, %scan3A_387 : i32
        %get3A_394 = arith.index_cast %mul3A_393 : i32 to index
        %get3A_395 = tpu.vector_load %arg11[%get3A_394] {strides = array<i32>} : memref<2000xi32, #tpu.memory_space<vmem>>, vector<16xi32>,
        %gather3A = tpu.vector_load_idx %arg13[%get3A_391] : memref<10000xf32, #tpu.memory_space<vmem>>[vector<16xi32>], vector<16xf32>,
        %gather3A_396 = tpu.vector_load_idx %arg14[%get3A_395] : memref<10000xf32, #tpu.memory_space<vmem>>[vector<16xi32>], vector<16xf32>,
        %add3A_397 = arith.addf %gather3A, %gather3A_396 : vector<16xf32>
        %ge3A = arith.constant 0.000000e+00 : f32
        %ge3A_398 = vector.broadcast %ge3A : f32 to vector<16xf32>
        %ge3A_399 = arith.cmpf oge, %add3A_397, %ge3A_398 : vector<16xf32>
        %mul3A_400 = arith.constant 0.00999999977 : f32
        %mul3A_401 = vector.broadcast %mul3A_400 : f32 to vector<16xf32>
        %mul3A_402 = arith.mulf %add3A_397, %mul3A_401 : vector<16xf32>
        %select_n3A = arith.select %ge3A_399, %add3A_397, %mul3A_402 : vector<16xi1>, vector<16xf32>
        %sub3A = arith.subf %select_n3A, %get3A_55 : vector<16xf32>
        %exp3A = math.exp %sub3A : vector<16xf32>
        %mul3A_403 = arith.constant 16 : i32
        %mul3A_404 = arith.muli %mul3A_403, %scan3A_387 : i32
        %swap3A = arith.index_cast %mul3A_404 : i32 to index
        %swap3A_405 = tpu.vector_load %arg12[%swap3A] {strides = array<i32>} : memref<2000xf32, #tpu.memory_space<vmem>>, vector<16xf32>,
        tpu.vector_store %arg12[%swap3A], %exp3A {strides = array<i32>} : memref<2000xf32, #tpu.memory_space<vmem>>, vector<16xf32>,
      }
      %scan3A_205 = arith.constant 125 : i32
      %scan3A_206 = arith.constant 0 : i32
      %scan3A_207 = arith.constant 0 : i32
      %scan3A_208 = arith.constant 125 : i32
      %scan3A_209 = arith.addi %scan3A_207, %scan3A_208 : i32
      %scan3A_210 = arith.constant 1 : i32
      scf.for %scan3A_387 = %scan3A_207 to %scan3A_209 step %scan3A_210  : i32 {
        %mul3A_388 = arith.constant 16 : i32
        %mul3A_389 = arith.muli %scan3A_387, %mul3A_388 : i32
        %and3A = arith.constant 7 : i32
        %and3A_390 = arith.andi %scan3A_387, %and3A : i32
        %broadcast_in_dim3A_391 = vector.broadcast %and3A_390 : i32 to vector<16xi32>
        %add3A_392 = arith.constant 4 : i32
        %add3A_393 = arith.addi %scan3A_387, %add3A_392 : i32
        %lt3A = arith.constant 125 : i32
        %lt3A_394 = arith.cmpi slt, %add3A_393, %lt3A : i32
        %convert_element_type3A = arith.extui %lt3A_394 : i1 to i32
        %cond3A = arith.constant 0 : i32
        %cond3A_395 = arith.cmpi ne, %convert_element_type3A, %cond3A : i32
        scf.if %cond3A_395 {
          %add3A_426 = arith.constant 4 : i32
          %add3A_427 = arith.addi %scan3A_387, %add3A_426 : i32
          %and3A_428 = arith.constant 7 : i32
          %and3A_429 = arith.andi %add3A_427, %and3A_428 : i32
          %add3A_430 = arith.constant 4 : i32
          %add3A_431 = arith.addi %scan3A_387, %add3A_430 : i32
          %mul3A_432 = arith.constant 16 : i32
          %mul3A_433 = arith.muli %add3A_431, %mul3A_432 : i32
          %ge3A = arith.constant 4 : i32
          %ge3A_434 = arith.cmpi sge, %scan3A_387, %ge3A : i32
          %convert_element_type3A_435 = arith.extui %ge3A_434 : i1 to i32
          %cond3A_436 = arith.constant 0 : i32
          %cond3A_437 = arith.cmpi ne, %convert_element_type3A_435, %cond3A_436 : i32
          scf.if %cond3A_437 {
            %sub3A = arith.constant 4 : i32
            %sub3A_448 = arith.subi %scan3A_387, %sub3A : i32
            %mul3A_449 = arith.constant 16 : i32
            %mul3A_450 = arith.muli %sub3A_448, %mul3A_449 : i32
            %dma_wait3A_451 = arith.constant 0 : i32
            %dma_wait3A_452 = arith.constant 0 : i32
            %dma_wait3A_453 = tpu.memref_slice %arg16[%and3A_429, %dma_wait3A_451, %dma_wait3A_452] : memref<8x16x128xf32, #tpu.memory_space<vmem>> -> memref<1x16x128xf32, #tpu.memory_space<vmem>>
            %dma_wait3A_454 = tpu.memref_squeeze %dma_wait3A_453 : memref<1x16x128xf32, #tpu.memory_space<vmem>> -> memref<16x128xf32, #tpu.memory_space<vmem>>
            %dma_wait3A_455 = tpu.memref_slice %arg11[%mul3A_450] : memref<2000xi32, #tpu.memory_space<vmem>> -> memref<16xi32, #tpu.memory_space<vmem>>
            %dma_wait3A_456 = arith.constant 0 : i32
            %dma_wait3A_457 = arith.constant 0 : i32
            %dma_wait3A_458 = tpu.memref_slice %arg19[%dma_wait3A_456, %dma_wait3A_457] : memref<10240x128xf32, #tpu.memory_space<vmem_shared>> -> memref<10240x128xf32, #tpu.memory_space<vmem_shared>>
            %dma_wait3A_459 = tpu.memref_slice %arg22[%and3A_429] : memref<8x!tpu.dma_semaphore, #tpu.memory_space<semaphore_mem>> -> memref<1x!tpu.dma_semaphore, #tpu.memory_space<semaphore_mem>>
            %dma_wait3A_460 = tpu.memref_squeeze %dma_wait3A_459 : memref<1x!tpu.dma_semaphore, #tpu.memory_space<semaphore_mem>> -> memref<!tpu.dma_semaphore, #tpu.memory_space<semaphore_mem>>
            tpu.wait_indirect_dma semaphore(%dma_wait3A_460 : memref<!tpu.dma_semaphore, #tpu.memory_space<semaphore_mem>>) src(%dma_wait3A_454 : memref<16x128xf32, #tpu.memory_space<vmem>>) dst(%dma_wait3A_458 : memref<10240x128xf32, #tpu.memory_space<vmem_shared>>)
            %dma_wait3A_461 = tpu.memref_slice %arg12[%mul3A_450] : memref<2000xf32, #tpu.memory_space<vmem>> -> memref<16xf32, #tpu.memory_space<vmem>>
            %dma_wait3A_462 = tpu.memref_slice %arg11[%mul3A_450] : memref<2000xi32, #tpu.memory_space<vmem>> -> memref<16xi32, #tpu.memory_space<vmem>>
            %dma_wait3A_463 = arith.constant 0 : i32
            %dma_wait3A_464 = tpu.memref_slice %arg20[%dma_wait3A_463] : memref<10240xf32, #tpu.memory_space<vmem_shared>> -> memref<10240xf32, #tpu.memory_space<vmem_shared>>
            %dma_wait3A_465 = tpu.memref_slice %arg22[%and3A_429] : memref<8x!tpu.dma_semaphore, #tpu.memory_space<semaphore_mem>> -> memref<1x!tpu.dma_semaphore, #tpu.memory_space<semaphore_mem>>
            %dma_wait3A_466 = tpu.memref_squeeze %dma_wait3A_465 : memref<1x!tpu.dma_semaphore, #tpu.memory_space<semaphore_mem>> -> memref<!tpu.dma_semaphore, #tpu.memory_space<semaphore_mem>>
            tpu.wait_indirect_dma semaphore(%dma_wait3A_466 : memref<!tpu.dma_semaphore, #tpu.memory_space<semaphore_mem>>) src(%dma_wait3A_461 : memref<16xf32, #tpu.memory_space<vmem>>) dst(%dma_wait3A_464 : memref<10240xf32, #tpu.memory_space<vmem_shared>>)
          } else {
          }
          %dma_start3A_438 = arith.constant 0 : i32
          %dma_start3A_439 = arith.constant 0 : i32
          %dma_start3A_440 = tpu.memref_slice %arg16[%and3A_429, %dma_start3A_438, %dma_start3A_439] : memref<8x16x128xf32, #tpu.memory_space<vmem>> -> memref<1x16x128xf32, #tpu.memory_space<vmem>>
          %dma_start3A_441 = tpu.memref_squeeze %dma_start3A_440 : memref<1x16x128xf32, #tpu.memory_space<vmem>> -> memref<16x128xf32, #tpu.memory_space<vmem>>
          %dma_start3A_442 = tpu.memref_slice %arg10[%mul3A_433] : memref<2000xi32, #tpu.memory_space<vmem>> -> memref<16xi32, #tpu.memory_space<vmem>>
          %dma_start3A_443 = arith.constant 0 : i32
          %dma_start3A_444 = arith.constant 0 : i32
          %dma_start3A_445 = tpu.memref_slice %arg2[%dma_start3A_443, %dma_start3A_444] : memref<10000x128xf32, #tpu.memory_space<hbm>> -> memref<10000x128xf32, #tpu.memory_space<hbm>>
          %dma_start3A_446 = tpu.memref_slice %arg21[%and3A_429] : memref<8x!tpu.dma_semaphore, #tpu.memory_space<semaphore_mem>> -> memref<1x!tpu.dma_semaphore, #tpu.memory_space<semaphore_mem>>
          %dma_start3A_447 = tpu.memref_squeeze %dma_start3A_446 : memref<1x!tpu.dma_semaphore, #tpu.memory_space<semaphore_mem>> -> memref<!tpu.dma_semaphore, #tpu.memory_space<semaphore_mem>>
          tpu.enqueue_indirect_dma source(%dma_start3A_445 : memref<10000x128xf32, #tpu.memory_space<hbm>>) target(%dma_start3A_441 : memref<16x128xf32, #tpu.memory_space<vmem>>) offsets(%dma_start3A_442 : memref<16xi32, #tpu.memory_space<vmem>>) semaphore(%dma_start3A_447 : memref<!tpu.dma_semaphore, #tpu.memory_space<semaphore_mem>>)
        } else {
        }
        %dma_wait3A_396 = arith.constant 0 : i32
        %dma_wait3A_397 = arith.constant 0 : i32
        %dma_wait3A_398 = tpu.memref_slice %arg16[%and3A_390, %dma_wait3A_396, %dma_wait3A_397] : memref<8x16x128xf32, #tpu.memory_space<vmem>> -> memref<1x16x128xf32, #tpu.memory_space<vmem>>
        %dma_wait3A_399 = tpu.memref_squeeze %dma_wait3A_398 : memref<1x16x128xf32, #tpu.memory_space<vmem>> -> memref<16x128xf32, #tpu.memory_space<vmem>>
        %dma_wait3A_400 = tpu.memref_slice %arg10[%mul3A_389] : memref<2000xi32, #tpu.memory_space<vmem>> -> memref<16xi32, #tpu.memory_space<vmem>>
        %dma_wait3A_401 = arith.constant 0 : i32
        %dma_wait3A_402 = arith.constant 0 : i32
        %dma_wait3A_403 = tpu.memref_slice %arg2[%dma_wait3A_401, %dma_wait3A_402] : memref<10000x128xf32, #tpu.memory_space<hbm>> -> memref<10000x128xf32, #tpu.memory_space<hbm>>
        %dma_wait3A_404 = tpu.memref_slice %arg21[%and3A_390] : memref<8x!tpu.dma_semaphore, #tpu.memory_space<semaphore_mem>> -> memref<1x!tpu.dma_semaphore, #tpu.memory_space<semaphore_mem>>
        %dma_wait3A_405 = tpu.memref_squeeze %dma_wait3A_404 : memref<1x!tpu.dma_semaphore, #tpu.memory_space<semaphore_mem>> -> memref<!tpu.dma_semaphore, #tpu.memory_space<semaphore_mem>>
        tpu.wait_indirect_dma semaphore(%dma_wait3A_405 : memref<!tpu.dma_semaphore, #tpu.memory_space<semaphore_mem>>) src(%dma_wait3A_403 : memref<10000x128xf32, #tpu.memory_space<hbm>>) dst(%dma_wait3A_399 : memref<16x128xf32, #tpu.memory_space<vmem>>)
        %get3A_406 = arith.index_cast %mul3A_389 : i32 to index
        %get3A_407 = tpu.vector_load %arg12[%get3A_406] {strides = array<i32>} : memref<2000xf32, #tpu.memory_space<vmem>>, vector<16xf32>,
        %parallel_loop3A = arith.constant 0 : i32
        %parallel_loop3A_408 = arith.constant 16 : i32
        %parallel_loop3A_409 = arith.constant 1 : i32
        scf.for %parallel_loop3A_426 = %parallel_loop3A to %parallel_loop3A_408 step %parallel_loop3A_409  : i32 {
          %parallel_loop3A_427 = vector.broadcast %parallel_loop3A_426 : i32 to vector<16xi32>
          %parallel_loop3A_428 = arith.constant 0 : i32
          %parallel_loop3A_429 = vector.broadcast %parallel_loop3A_428 : i32 to vector<16xi32>
          %parallel_loop3A_430 = arith.cmpi slt, %parallel_loop3A_427, %parallel_loop3A_429 : vector<16xi32>
          %parallel_loop3A_431 = arith.constant 16 : i32
          %parallel_loop3A_432 = vector.broadcast %parallel_loop3A_431 : i32 to vector<16xi32>
          %parallel_loop3A_433 = arith.addi %parallel_loop3A_427, %parallel_loop3A_432 : vector<16xi32>
          %parallel_loop3A_434 = arith.select %parallel_loop3A_430, %parallel_loop3A_433, %parallel_loop3A_427 : vector<16xi1>, vector<16xi32>
          %parallel_loop3A_435 = vector.shape_cast %parallel_loop3A_434 : vector<16xi32> to vector<16x1xi32>
          %parallel_loop3A_436 = vector.shape_cast %parallel_loop3A_435 : vector<16x1xi32> to vector<16xi32>
          %parallel_loop3A_437 = tpu.dynamic_gather %get3A_407[%parallel_loop3A_436] in [0] : vector<16xf32>, vector<16xi32> -> vector<16xf32>
          %parallel_loop3A_438 = vector.broadcast %parallel_loop3A_426 : i32 to vector<16xi32>
          %parallel_loop3A_439 = arith.constant 0 : i32
          %parallel_loop3A_440 = vector.broadcast %parallel_loop3A_439 : i32 to vector<16xi32>
          %parallel_loop3A_441 = arith.addi %iota3A, %parallel_loop3A_440 : vector<16xi32>
          %parallel_loop3A_442 = tpu.vector_load_idx %arg16[%broadcast_in_dim3A_391, %parallel_loop3A_438, %parallel_loop3A_441] : memref<8x16x128xf32, #tpu.memory_space<vmem>>[vector<16xi32>, vector<16xi32>, vector<16xi32>], vector<16xf32>,
          %parallel_loop3A_443 = arith.mulf %parallel_loop3A_442, %parallel_loop3A_437 : vector<16xf32>
          tpu.vector_store_idx %arg16[%broadcast_in_dim3A_391, %parallel_loop3A_438, %parallel_loop3A_441], %parallel_loop3A_443 : memref<8x16x128xf32, #tpu.memory_space<vmem>>[vector<16xi32>, vector<16xi32>, vector<16xi32>], vector<16xf32>,
          %parallel_loop3A_444 = arith.constant 16 : i32
          %parallel_loop3A_445 = vector.broadcast %parallel_loop3A_444 : i32 to vector<16xi32>
          %parallel_loop3A_446 = arith.addi %iota3A, %parallel_loop3A_445 : vector<16xi32>
          %parallel_loop3A_447 = tpu.vector_load_idx %arg16[%broadcast_in_dim3A_391, %parallel_loop3A_438, %parallel_loop3A_446] : memref<8x16x128xf32, #tpu.memory_space<vmem>>[vector<16xi32>, vector<16xi32>, vector<16xi32>], vector<16xf32>,
          %parallel_loop3A_448 = arith.mulf %parallel_loop3A_447, %parallel_loop3A_437 : vector<16xf32>
          tpu.vector_store_idx %arg16[%broadcast_in_dim3A_391, %parallel_loop3A_438, %parallel_loop3A_446], %parallel_loop3A_448 : memref<8x16x128xf32, #tpu.memory_space<vmem>>[vector<16xi32>, vector<16xi32>, vector<16xi32>], vector<16xf32>,
          %parallel_loop3A_449 = arith.constant 32 : i32
          %parallel_loop3A_450 = vector.broadcast %parallel_loop3A_449 : i32 to vector<16xi32>
          %parallel_loop3A_451 = arith.addi %iota3A, %parallel_loop3A_450 : vector<16xi32>
          %parallel_loop3A_452 = tpu.vector_load_idx %arg16[%broadcast_in_dim3A_391, %parallel_loop3A_438, %parallel_loop3A_451] : memref<8x16x128xf32, #tpu.memory_space<vmem>>[vector<16xi32>, vector<16xi32>, vector<16xi32>], vector<16xf32>,
          %parallel_loop3A_453 = arith.mulf %parallel_loop3A_452, %parallel_loop3A_437 : vector<16xf32>
          tpu.vector_store_idx %arg16[%broadcast_in_dim3A_391, %parallel_loop3A_438, %parallel_loop3A_451], %parallel_loop3A_453 : memref<8x16x128xf32, #tpu.memory_space<vmem>>[vector<16xi32>, vector<16xi32>, vector<16xi32>], vector<16xf32>,
          %parallel_loop3A_454 = arith.constant 48 : i32
          %parallel_loop3A_455 = vector.broadcast %parallel_loop3A_454 : i32 to vector<16xi32>
          %parallel_loop3A_456 = arith.addi %iota3A, %parallel_loop3A_455 : vector<16xi32>
          %parallel_loop3A_457 = tpu.vector_load_idx %arg16[%broadcast_in_dim3A_391, %parallel_loop3A_438, %parallel_loop3A_456] : memref<8x16x128xf32, #tpu.memory_space<vmem>>[vector<16xi32>, vector<16xi32>, vector<16xi32>], vector<16xf32>,
          %parallel_loop3A_458 = arith.mulf %parallel_loop3A_457, %parallel_loop3A_437 : vector<16xf32>
          tpu.vector_store_idx %arg16[%broadcast_in_dim3A_391, %parallel_loop3A_438, %parallel_loop3A_456], %parallel_loop3A_458 : memref<8x16x128xf32, #tpu.memory_space<vmem>>[vector<16xi32>, vector<16xi32>, vector<16xi32>], vector<16xf32>,
          %parallel_loop3A_459 = arith.constant 64 : i32
          %parallel_loop3A_460 = vector.broadcast %parallel_loop3A_459 : i32 to vector<16xi32>
          %parallel_loop3A_461 = arith.addi %iota3A, %parallel_loop3A_460 : vector<16xi32>
          %parallel_loop3A_462 = tpu.vector_load_idx %arg16[%broadcast_in_dim3A_391, %parallel_loop3A_438, %parallel_loop3A_461] : memref<8x16x128xf32, #tpu.memory_space<vmem>>[vector<16xi32>, vector<16xi32>, vector<16xi32>], vector<16xf32>,
          %parallel_loop3A_463 = arith.mulf %parallel_loop3A_462, %parallel_loop3A_437 : vector<16xf32>
          tpu.vector_store_idx %arg16[%broadcast_in_dim3A_391, %parallel_loop3A_438, %parallel_loop3A_461], %parallel_loop3A_463 : memref<8x16x128xf32, #tpu.memory_space<vmem>>[vector<16xi32>, vector<16xi32>, vector<16xi32>], vector<16xf32>,
          %parallel_loop3A_464 = arith.constant 80 : i32
          %parallel_loop3A_465 = vector.broadcast %parallel_loop3A_464 : i32 to vector<16xi32>
          %parallel_loop3A_466 = arith.addi %iota3A, %parallel_loop3A_465 : vector<16xi32>
          %parallel_loop3A_467 = tpu.vector_load_idx %arg16[%broadcast_in_dim3A_391, %parallel_loop3A_438, %parallel_loop3A_466] : memref<8x16x128xf32, #tpu.memory_space<vmem>>[vector<16xi32>, vector<16xi32>, vector<16xi32>], vector<16xf32>,
          %parallel_loop3A_468 = arith.mulf %parallel_loop3A_467, %parallel_loop3A_437 : vector<16xf32>
          tpu.vector_store_idx %arg16[%broadcast_in_dim3A_391, %parallel_loop3A_438, %parallel_loop3A_466], %parallel_loop3A_468 : memref<8x16x128xf32, #tpu.memory_space<vmem>>[vector<16xi32>, vector<16xi32>, vector<16xi32>], vector<16xf32>,
          %parallel_loop3A_469 = arith.constant 96 : i32
          %parallel_loop3A_470 = vector.broadcast %parallel_loop3A_469 : i32 to vector<16xi32>
          %parallel_loop3A_471 = arith.addi %iota3A, %parallel_loop3A_470 : vector<16xi32>
          %parallel_loop3A_472 = tpu.vector_load_idx %arg16[%broadcast_in_dim3A_391, %parallel_loop3A_438, %parallel_loop3A_471] : memref<8x16x128xf32, #tpu.memory_space<vmem>>[vector<16xi32>, vector<16xi32>, vector<16xi32>], vector<16xf32>,
          %parallel_loop3A_473 = arith.mulf %parallel_loop3A_472, %parallel_loop3A_437 : vector<16xf32>
          tpu.vector_store_idx %arg16[%broadcast_in_dim3A_391, %parallel_loop3A_438, %parallel_loop3A_471], %parallel_loop3A_473 : memref<8x16x128xf32, #tpu.memory_space<vmem>>[vector<16xi32>, vector<16xi32>, vector<16xi32>], vector<16xf32>,
          %parallel_loop3A_474 = arith.constant 112 : i32
          %parallel_loop3A_475 = vector.broadcast %parallel_loop3A_474 : i32 to vector<16xi32>
          %parallel_loop3A_476 = arith.addi %iota3A, %parallel_loop3A_475 : vector<16xi32>
          %parallel_loop3A_477 = tpu.vector_load_idx %arg16[%broadcast_in_dim3A_391, %parallel_loop3A_438, %parallel_loop3A_476] : memref<8x16x128xf32, #tpu.memory_space<vmem>>[vector<16xi32>, vector<16xi32>, vector<16xi32>], vector<16xf32>,
          %parallel_loop3A_478 = arith.mulf %parallel_loop3A_477, %parallel_loop3A_437 : vector<16xf32>
          tpu.vector_store_idx %arg16[%broadcast_in_dim3A_391, %parallel_loop3A_438, %parallel_loop3A_476], %parallel_loop3A_478 : memref<8x16x128xf32, #tpu.memory_space<vmem>>[vector<16xi32>, vector<16xi32>, vector<16xi32>], vector<16xf32>,
        } {sc.loop_unroll_factor = 2 : i64, sc.parallel_access}
        %dma_start3A_410 = arith.constant 0 : i32
        %dma_start3A_411 = arith.constant 0 : i32
        %dma_start3A_412 = tpu.memref_slice %arg16[%and3A_390, %dma_start3A_410, %dma_start3A_411] : memref<8x16x128xf32, #tpu.memory_space<vmem>> -> memref<1x16x128xf32, #tpu.memory_space<vmem>>
        %dma_start3A_413 = tpu.memref_squeeze %dma_start3A_412 : memref<1x16x128xf32, #tpu.memory_space<vmem>> -> memref<16x128xf32, #tpu.memory_space<vmem>>
        %dma_start3A_414 = tpu.memref_slice %arg11[%mul3A_389] : memref<2000xi32, #tpu.memory_space<vmem>> -> memref<16xi32, #tpu.memory_space<vmem>>
        %dma_start3A_415 = arith.constant 0 : i32
        %dma_start3A_416 = arith.constant 0 : i32
        %dma_start3A_417 = tpu.memref_slice %arg19[%dma_start3A_415, %dma_start3A_416] : memref<10240x128xf32, #tpu.memory_space<vmem_shared>> -> memref<10240x128xf32, #tpu.memory_space<vmem_shared>>
        %dma_start3A_418 = tpu.memref_slice %arg22[%and3A_390] : memref<8x!tpu.dma_semaphore, #tpu.memory_space<semaphore_mem>> -> memref<1x!tpu.dma_semaphore, #tpu.memory_space<semaphore_mem>>
        %dma_start3A_419 = tpu.memref_squeeze %dma_start3A_418 : memref<1x!tpu.dma_semaphore, #tpu.memory_space<semaphore_mem>> -> memref<!tpu.dma_semaphore, #tpu.memory_space<semaphore_mem>>
        tpu.enqueue_indirect_dma source(%dma_start3A_413 : memref<16x128xf32, #tpu.memory_space<vmem>>) target(%dma_start3A_417 : memref<10240x128xf32, #tpu.memory_space<vmem_shared>>) offsets(%dma_start3A_414 : memref<16xi32, #tpu.memory_space<vmem>>) semaphore(%dma_start3A_419 : memref<!tpu.dma_semaphore, #tpu.memory_space<semaphore_mem>>) {add = true}
        %dma_start3A_420 = tpu.memref_slice %arg12[%mul3A_389] : memref<2000xf32, #tpu.memory_space<vmem>> -> memref<16xf32, #tpu.memory_space<vmem>>
        %dma_start3A_421 = tpu.memref_slice %arg11[%mul3A_389] : memref<2000xi32, #tpu.memory_space<vmem>> -> memref<16xi32, #tpu.memory_space<vmem>>
        %dma_start3A_422 = arith.constant 0 : i32
        %dma_start3A_423 = tpu.memref_slice %arg20[%dma_start3A_422] : memref<10240xf32, #tpu.memory_space<vmem_shared>> -> memref<10240xf32, #tpu.memory_space<vmem_shared>>
        %dma_start3A_424 = tpu.memref_slice %arg22[%and3A_390] : memref<8x!tpu.dma_semaphore, #tpu.memory_space<semaphore_mem>> -> memref<1x!tpu.dma_semaphore, #tpu.memory_space<semaphore_mem>>
        %dma_start3A_425 = tpu.memref_squeeze %dma_start3A_424 : memref<1x!tpu.dma_semaphore, #tpu.memory_space<semaphore_mem>> -> memref<!tpu.dma_semaphore, #tpu.memory_space<semaphore_mem>>
        tpu.enqueue_indirect_dma source(%dma_start3A_420 : memref<16xf32, #tpu.memory_space<vmem>>) target(%dma_start3A_423 : memref<10240xf32, #tpu.memory_space<vmem_shared>>) offsets(%dma_start3A_421 : memref<16xi32, #tpu.memory_space<vmem>>) semaphore(%dma_start3A_425 : memref<!tpu.dma_semaphore, #tpu.memory_space<semaphore_mem>>) {add = true}
      }
      %scan3A_211 = arith.constant 125 : i32
      %dma_wait3A = arith.constant 5 : i32
      %dma_wait3A_212 = arith.constant 5 : i32
      %dma_wait3A_213 = arith.constant 0 : i32
      %dma_wait3A_214 = arith.constant 0 : i32
      %dma_wait3A_215 = tpu.memref_slice %arg16[%dma_wait3A, %dma_wait3A_213, %dma_wait3A_214] : memref<8x16x128xf32, #tpu.memory_space<vmem>> -> memref<1x16x128xf32, #tpu.memory_space<vmem>>
      %dma_wait3A_216 = tpu.memref_squeeze %dma_wait3A_215 : memref<1x16x128xf32, #tpu.memory_space<vmem>> -> memref<16x128xf32, #tpu.memory_space<vmem>>
      %dma_wait3A_217 = arith.constant 1872 : i32
      %dma_wait3A_218 = tpu.memref_slice %arg11[%dma_wait3A_217] : memref<2000xi32, #tpu.memory_space<vmem>> -> memref<16xi32, #tpu.memory_space<vmem>>
      %dma_wait3A_219 = arith.constant 0 : i32
      %dma_wait3A_220 = arith.constant 0 : i32
      %dma_wait3A_221 = tpu.memref_slice %arg19[%dma_wait3A_219, %dma_wait3A_220] : memref<10240x128xf32, #tpu.memory_space<vmem_shared>> -> memref<10240x128xf32, #tpu.memory_space<vmem_shared>>
      %dma_wait3A_222 = tpu.memref_slice %arg22[%dma_wait3A_212] : memref<8x!tpu.dma_semaphore, #tpu.memory_space<semaphore_mem>> -> memref<1x!tpu.dma_semaphore, #tpu.memory_space<semaphore_mem>>
      %dma_wait3A_223 = tpu.memref_squeeze %dma_wait3A_222 : memref<1x!tpu.dma_semaphore, #tpu.memory_space<semaphore_mem>> -> memref<!tpu.dma_semaphore, #tpu.memory_space<semaphore_mem>>
      tpu.wait_indirect_dma semaphore(%dma_wait3A_223 : memref<!tpu.dma_semaphore, #tpu.memory_space<semaphore_mem>>) src(%dma_wait3A_216 : memref<16x128xf32, #tpu.memory_space<vmem>>) dst(%dma_wait3A_221 : memref<10240x128xf32, #tpu.memory_space<vmem_shared>>)
      %dma_wait3A_224 = arith.constant 5 : i32
      %dma_wait3A_225 = arith.constant 1872 : i32
      %dma_wait3A_226 = tpu.memref_slice %arg12[%dma_wait3A_225] : memref<2000xf32, #tpu.memory_space<vmem>> -> memref<16xf32, #tpu.memory_space<vmem>>
      %dma_wait3A_227 = arith.constant 1872 : i32
      %dma_wait3A_228 = tpu.memref_slice %arg11[%dma_wait3A_227] : memref<2000xi32, #tpu.memory_space<vmem>> -> memref<16xi32, #tpu.memory_space<vmem>>
      %dma_wait3A_229 = arith.constant 0 : i32
      %dma_wait3A_230 = tpu.memref_slice %arg20[%dma_wait3A_229] : memref<10240xf32, #tpu.memory_space<vmem_shared>> -> memref<10240xf32, #tpu.memory_space<vmem_shared>>
      %dma_wait3A_231 = tpu.memref_slice %arg22[%dma_wait3A_224] : memref<8x!tpu.dma_semaphore, #tpu.memory_space<semaphore_mem>> -> memref<1x!tpu.dma_semaphore, #tpu.memory_space<semaphore_mem>>
      %dma_wait3A_232 = tpu.memref_squeeze %dma_wait3A_231 : memref<1x!tpu.dma_semaphore, #tpu.memory_space<semaphore_mem>> -> memref<!tpu.dma_semaphore, #tpu.memory_space<semaphore_mem>>
      tpu.wait_indirect_dma semaphore(%dma_wait3A_232 : memref<!tpu.dma_semaphore, #tpu.memory_space<semaphore_mem>>) src(%dma_wait3A_226 : memref<16xf32, #tpu.memory_space<vmem>>) dst(%dma_wait3A_230 : memref<10240xf32, #tpu.memory_space<vmem_shared>>)
      %dma_wait3A_233 = arith.constant 6 : i32
      %dma_wait3A_234 = arith.constant 6 : i32
      %dma_wait3A_235 = arith.constant 0 : i32
      %dma_wait3A_236 = arith.constant 0 : i32
      %dma_wait3A_237 = tpu.memref_slice %arg16[%dma_wait3A_233, %dma_wait3A_235, %dma_wait3A_236] : memref<8x16x128xf32, #tpu.memory_space<vmem>> -> memref<1x16x128xf32, #tpu.memory_space<vmem>>
      %dma_wait3A_238 = tpu.memref_squeeze %dma_wait3A_237 : memref<1x16x128xf32, #tpu.memory_space<vmem>> -> memref<16x128xf32, #tpu.memory_space<vmem>>
      %dma_wait3A_239 = arith.constant 1888 : i32
      %dma_wait3A_240 = tpu.memref_slice %arg11[%dma_wait3A_239] : memref<2000xi32, #tpu.memory_space<vmem>> -> memref<16xi32, #tpu.memory_space<vmem>>
      %dma_wait3A_241 = arith.constant 0 : i32
      %dma_wait3A_242 = arith.constant 0 : i32
      %dma_wait3A_243 = tpu.memref_slice %arg19[%dma_wait3A_241, %dma_wait3A_242] : memref<10240x128xf32, #tpu.memory_space<vmem_shared>> -> memref<10240x128xf32, #tpu.memory_space<vmem_shared>>
      %dma_wait3A_244 = tpu.memref_slice %arg22[%dma_wait3A_234] : memref<8x!tpu.dma_semaphore, #tpu.memory_space<semaphore_mem>> -> memref<1x!tpu.dma_semaphore, #tpu.memory_space<semaphore_mem>>
      %dma_wait3A_245 = tpu.memref_squeeze %dma_wait3A_244 : memref<1x!tpu.dma_semaphore, #tpu.memory_space<semaphore_mem>> -> memref<!tpu.dma_semaphore, #tpu.memory_space<semaphore_mem>>
      tpu.wait_indirect_dma semaphore(%dma_wait3A_245 : memref<!tpu.dma_semaphore, #tpu.memory_space<semaphore_mem>>) src(%dma_wait3A_238 : memref<16x128xf32, #tpu.memory_space<vmem>>) dst(%dma_wait3A_243 : memref<10240x128xf32, #tpu.memory_space<vmem_shared>>)
      %dma_wait3A_246 = arith.constant 6 : i32
      %dma_wait3A_247 = arith.constant 1888 : i32
      %dma_wait3A_248 = tpu.memref_slice %arg12[%dma_wait3A_247] : memref<2000xf32, #tpu.memory_space<vmem>> -> memref<16xf32, #tpu.memory_space<vmem>>
      %dma_wait3A_249 = arith.constant 1888 : i32
      %dma_wait3A_250 = tpu.memref_slice %arg11[%dma_wait3A_249] : memref<2000xi32, #tpu.memory_space<vmem>> -> memref<16xi32, #tpu.memory_space<vmem>>
      %dma_wait3A_251 = arith.constant 0 : i32
      %dma_wait3A_252 = tpu.memref_slice %arg20[%dma_wait3A_251] : memref<10240xf32, #tpu.memory_space<vmem_shared>> -> memref<10240xf32, #tpu.memory_space<vmem_shared>>
      %dma_wait3A_253 = tpu.memref_slice %arg22[%dma_wait3A_246] : memref<8x!tpu.dma_semaphore, #tpu.memory_space<semaphore_mem>> -> memref<1x!tpu.dma_semaphore, #tpu.memory_space<semaphore_mem>>
      %dma_wait3A_254 = tpu.memref_squeeze %dma_wait3A_253 : memref<1x!tpu.dma_semaphore, #tpu.memory_space<semaphore_mem>> -> memref<!tpu.dma_semaphore, #tpu.memory_space<semaphore_mem>>
      tpu.wait_indirect_dma semaphore(%dma_wait3A_254 : memref<!tpu.dma_semaphore, #tpu.memory_space<semaphore_mem>>) src(%dma_wait3A_248 : memref<16xf32, #tpu.memory_space<vmem>>) dst(%dma_wait3A_252 : memref<10240xf32, #tpu.memory_space<vmem_shared>>)
      %dma_wait3A_255 = arith.constant 7 : i32
      %dma_wait3A_256 = arith.constant 7 : i32
      %dma_wait3A_257 = arith.constant 0 : i32
      %dma_wait3A_258 = arith.constant 0 : i32
      %dma_wait3A_259 = tpu.memref_slice %arg16[%dma_wait3A_255, %dma_wait3A_257, %dma_wait3A_258] : memref<8x16x128xf32, #tpu.memory_space<vmem>> -> memref<1x16x128xf32, #tpu.memory_space<vmem>>
      %dma_wait3A_260 = tpu.memref_squeeze %dma_wait3A_259 : memref<1x16x128xf32, #tpu.memory_space<vmem>> -> memref<16x128xf32, #tpu.memory_space<vmem>>
      %dma_wait3A_261 = arith.constant 1904 : i32
      %dma_wait3A_262 = tpu.memref_slice %arg11[%dma_wait3A_261] : memref<2000xi32, #tpu.memory_space<vmem>> -> memref<16xi32, #tpu.memory_space<vmem>>
      %dma_wait3A_263 = arith.constant 0 : i32
      %dma_wait3A_264 = arith.constant 0 : i32
      %dma_wait3A_265 = tpu.memref_slice %arg19[%dma_wait3A_263, %dma_wait3A_264] : memref<10240x128xf32, #tpu.memory_space<vmem_shared>> -> memref<10240x128xf32, #tpu.memory_space<vmem_shared>>
      %dma_wait3A_266 = tpu.memref_slice %arg22[%dma_wait3A_256] : memref<8x!tpu.dma_semaphore, #tpu.memory_space<semaphore_mem>> -> memref<1x!tpu.dma_semaphore, #tpu.memory_space<semaphore_mem>>
      %dma_wait3A_267 = tpu.memref_squeeze %dma_wait3A_266 : memref<1x!tpu.dma_semaphore, #tpu.memory_space<semaphore_mem>> -> memref<!tpu.dma_semaphore, #tpu.memory_space<semaphore_mem>>
      tpu.wait_indirect_dma semaphore(%dma_wait3A_267 : memref<!tpu.dma_semaphore, #tpu.memory_space<semaphore_mem>>) src(%dma_wait3A_260 : memref<16x128xf32, #tpu.memory_space<vmem>>) dst(%dma_wait3A_265 : memref<10240x128xf32, #tpu.memory_space<vmem_shared>>)
      %dma_wait3A_268 = arith.constant 7 : i32
      %dma_wait3A_269 = arith.constant 1904 : i32
      %dma_wait3A_270 = tpu.memref_slice %arg12[%dma_wait3A_269] : memref<2000xf32, #tpu.memory_space<vmem>> -> memref<16xf32, #tpu.memory_space<vmem>>
      %dma_wait3A_271 = arith.constant 1904 : i32
      %dma_wait3A_272 = tpu.memref_slice %arg11[%dma_wait3A_271] : memref<2000xi32, #tpu.memory_space<vmem>> -> memref<16xi32, #tpu.memory_space<vmem>>
      %dma_wait3A_273 = arith.constant 0 : i32
      %dma_wait3A_274 = tpu.memref_slice %arg20[%dma_wait3A_273] : memref<10240xf32, #tpu.memory_space<vmem_shared>> -> memref<10240xf32, #tpu.memory_space<vmem_shared>>
      %dma_wait3A_275 = tpu.memref_slice %arg22[%dma_wait3A_268] : memref<8x!tpu.dma_semaphore, #tpu.memory_space<semaphore_mem>> -> memref<1x!tpu.dma_semaphore, #tpu.memory_space<semaphore_mem>>
      %dma_wait3A_276 = tpu.memref_squeeze %dma_wait3A_275 : memref<1x!tpu.dma_semaphore, #tpu.memory_space<semaphore_mem>> -> memref<!tpu.dma_semaphore, #tpu.memory_space<semaphore_mem>>
      tpu.wait_indirect_dma semaphore(%dma_wait3A_276 : memref<!tpu.dma_semaphore, #tpu.memory_space<semaphore_mem>>) src(%dma_wait3A_270 : memref<16xf32, #tpu.memory_space<vmem>>) dst(%dma_wait3A_274 : memref<10240xf32, #tpu.memory_space<vmem_shared>>)
      %dma_wait3A_277 = arith.constant 0 : i32
      %dma_wait3A_278 = arith.constant 0 : i32
      %dma_wait3A_279 = arith.constant 0 : i32
      %dma_wait3A_280 = arith.constant 0 : i32
      %dma_wait3A_281 = tpu.memref_slice %arg16[%dma_wait3A_277, %dma_wait3A_279, %dma_wait3A_280] : memref<8x16x128xf32, #tpu.memory_space<vmem>> -> memref<1x16x128xf32, #tpu.memory_space<vmem>>
      %dma_wait3A_282 = tpu.memref_squeeze %dma_wait3A_281 : memref<1x16x128xf32, #tpu.memory_space<vmem>> -> memref<16x128xf32, #tpu.memory_space<vmem>>
      %dma_wait3A_283 = arith.constant 1920 : i32
      %dma_wait3A_284 = tpu.memref_slice %arg11[%dma_wait3A_283] : memref<2000xi32, #tpu.memory_space<vmem>> -> memref<16xi32, #tpu.memory_space<vmem>>
      %dma_wait3A_285 = arith.constant 0 : i32
      %dma_wait3A_286 = arith.constant 0 : i32
      %dma_wait3A_287 = tpu.memref_slice %arg19[%dma_wait3A_285, %dma_wait3A_286] : memref<10240x128xf32, #tpu.memory_space<vmem_shared>> -> memref<10240x128xf32, #tpu.memory_space<vmem_shared>>
      %dma_wait3A_288 = tpu.memref_slice %arg22[%dma_wait3A_278] : memref<8x!tpu.dma_semaphore, #tpu.memory_space<semaphore_mem>> -> memref<1x!tpu.dma_semaphore, #tpu.memory_space<semaphore_mem>>
      %dma_wait3A_289 = tpu.memref_squeeze %dma_wait3A_288 : memref<1x!tpu.dma_semaphore, #tpu.memory_space<semaphore_mem>> -> memref<!tpu.dma_semaphore, #tpu.memory_space<semaphore_mem>>
      tpu.wait_indirect_dma semaphore(%dma_wait3A_289 : memref<!tpu.dma_semaphore, #tpu.memory_space<semaphore_mem>>) src(%dma_wait3A_282 : memref<16x128xf32, #tpu.memory_space<vmem>>) dst(%dma_wait3A_287 : memref<10240x128xf32, #tpu.memory_space<vmem_shared>>)
      %dma_wait3A_290 = arith.constant 0 : i32
      %dma_wait3A_291 = arith.constant 1920 : i32
      %dma_wait3A_292 = tpu.memref_slice %arg12[%dma_wait3A_291] : memref<2000xf32, #tpu.memory_space<vmem>> -> memref<16xf32, #tpu.memory_space<vmem>>
      %dma_wait3A_293 = arith.constant 1920 : i32
      %dma_wait3A_294 = tpu.memref_slice %arg11[%dma_wait3A_293] : memref<2000xi32, #tpu.memory_space<vmem>> -> memref<16xi32, #tpu.memory_space<vmem>>
      %dma_wait3A_295 = arith.constant 0 : i32
      %dma_wait3A_296 = tpu.memref_slice %arg20[%dma_wait3A_295] : memref<10240xf32, #tpu.memory_space<vmem_shared>> -> memref<10240xf32, #tpu.memory_space<vmem_shared>>
      %dma_wait3A_297 = tpu.memref_slice %arg22[%dma_wait3A_290] : memref<8x!tpu.dma_semaphore, #tpu.memory_space<semaphore_mem>> -> memref<1x!tpu.dma_semaphore, #tpu.memory_space<semaphore_mem>>
      %dma_wait3A_298 = tpu.memref_squeeze %dma_wait3A_297 : memref<1x!tpu.dma_semaphore, #tpu.memory_space<semaphore_mem>> -> memref<!tpu.dma_semaphore, #tpu.memory_space<semaphore_mem>>
      tpu.wait_indirect_dma semaphore(%dma_wait3A_298 : memref<!tpu.dma_semaphore, #tpu.memory_space<semaphore_mem>>) src(%dma_wait3A_292 : memref<16xf32, #tpu.memory_space<vmem>>) dst(%dma_wait3A_296 : memref<10240xf32, #tpu.memory_space<vmem_shared>>)
      %dma_wait3A_299 = arith.constant 1 : i32
      %dma_wait3A_300 = arith.constant 1 : i32
      %dma_wait3A_301 = arith.constant 0 : i32
      %dma_wait3A_302 = arith.constant 0 : i32
      %dma_wait3A_303 = tpu.memref_slice %arg16[%dma_wait3A_299, %dma_wait3A_301, %dma_wait3A_302] : memref<8x16x128xf32, #tpu.memory_space<vmem>> -> memref<1x16x128xf32, #tpu.memory_space<vmem>>
      %dma_wait3A_304 = tpu.memref_squeeze %dma_wait3A_303 : memref<1x16x128xf32, #tpu.memory_space<vmem>> -> memref<16x128xf32, #tpu.memory_space<vmem>>
      %dma_wait3A_305 = arith.constant 1936 : i32
      %dma_wait3A_306 = tpu.memref_slice %arg11[%dma_wait3A_305] : memref<2000xi32, #tpu.memory_space<vmem>> -> memref<16xi32, #tpu.memory_space<vmem>>
      %dma_wait3A_307 = arith.constant 0 : i32
      %dma_wait3A_308 = arith.constant 0 : i32
      %dma_wait3A_309 = tpu.memref_slice %arg19[%dma_wait3A_307, %dma_wait3A_308] : memref<10240x128xf32, #tpu.memory_space<vmem_shared>> -> memref<10240x128xf32, #tpu.memory_space<vmem_shared>>
      %dma_wait3A_310 = tpu.memref_slice %arg22[%dma_wait3A_300] : memref<8x!tpu.dma_semaphore, #tpu.memory_space<semaphore_mem>> -> memref<1x!tpu.dma_semaphore, #tpu.memory_space<semaphore_mem>>
      %dma_wait3A_311 = tpu.memref_squeeze %dma_wait3A_310 : memref<1x!tpu.dma_semaphore, #tpu.memory_space<semaphore_mem>> -> memref<!tpu.dma_semaphore, #tpu.memory_space<semaphore_mem>>
      tpu.wait_indirect_dma semaphore(%dma_wait3A_311 : memref<!tpu.dma_semaphore, #tpu.memory_space<semaphore_mem>>) src(%dma_wait3A_304 : memref<16x128xf32, #tpu.memory_space<vmem>>) dst(%dma_wait3A_309 : memref<10240x128xf32, #tpu.memory_space<vmem_shared>>)
      %dma_wait3A_312 = arith.constant 1 : i32
      %dma_wait3A_313 = arith.constant 1936 : i32
      %dma_wait3A_314 = tpu.memref_slice %arg12[%dma_wait3A_313] : memref<2000xf32, #tpu.memory_space<vmem>> -> memref<16xf32, #tpu.memory_space<vmem>>
      %dma_wait3A_315 = arith.constant 1936 : i32
      %dma_wait3A_316 = tpu.memref_slice %arg11[%dma_wait3A_315] : memref<2000xi32, #tpu.memory_space<vmem>> -> memref<16xi32, #tpu.memory_space<vmem>>
      %dma_wait3A_317 = arith.constant 0 : i32
      %dma_wait3A_318 = tpu.memref_slice %arg20[%dma_wait3A_317] : memref<10240xf32, #tpu.memory_space<vmem_shared>> -> memref<10240xf32, #tpu.memory_space<vmem_shared>>
      %dma_wait3A_319 = tpu.memref_slice %arg22[%dma_wait3A_312] : memref<8x!tpu.dma_semaphore, #tpu.memory_space<semaphore_mem>> -> memref<1x!tpu.dma_semaphore, #tpu.memory_space<semaphore_mem>>
      %dma_wait3A_320 = tpu.memref_squeeze %dma_wait3A_319 : memref<1x!tpu.dma_semaphore, #tpu.memory_space<semaphore_mem>> -> memref<!tpu.dma_semaphore, #tpu.memory_space<semaphore_mem>>
      tpu.wait_indirect_dma semaphore(%dma_wait3A_320 : memref<!tpu.dma_semaphore, #tpu.memory_space<semaphore_mem>>) src(%dma_wait3A_314 : memref<16xf32, #tpu.memory_space<vmem>>) dst(%dma_wait3A_318 : memref<10240xf32, #tpu.memory_space<vmem_shared>>)
      %dma_wait3A_321 = arith.constant 2 : i32
      %dma_wait3A_322 = arith.constant 2 : i32
      %dma_wait3A_323 = arith.constant 0 : i32
      %dma_wait3A_324 = arith.constant 0 : i32
      %dma_wait3A_325 = tpu.memref_slice %arg16[%dma_wait3A_321, %dma_wait3A_323, %dma_wait3A_324] : memref<8x16x128xf32, #tpu.memory_space<vmem>> -> memref<1x16x128xf32, #tpu.memory_space<vmem>>
      %dma_wait3A_326 = tpu.memref_squeeze %dma_wait3A_325 : memref<1x16x128xf32, #tpu.memory_space<vmem>> -> memref<16x128xf32, #tpu.memory_space<vmem>>
      %dma_wait3A_327 = arith.constant 1952 : i32
      %dma_wait3A_328 = tpu.memref_slice %arg11[%dma_wait3A_327] : memref<2000xi32, #tpu.memory_space<vmem>> -> memref<16xi32, #tpu.memory_space<vmem>>
      %dma_wait3A_329 = arith.constant 0 : i32
      %dma_wait3A_330 = arith.constant 0 : i32
      %dma_wait3A_331 = tpu.memref_slice %arg19[%dma_wait3A_329, %dma_wait3A_330] : memref<10240x128xf32, #tpu.memory_space<vmem_shared>> -> memref<10240x128xf32, #tpu.memory_space<vmem_shared>>
      %dma_wait3A_332 = tpu.memref_slice %arg22[%dma_wait3A_322] : memref<8x!tpu.dma_semaphore, #tpu.memory_space<semaphore_mem>> -> memref<1x!tpu.dma_semaphore, #tpu.memory_space<semaphore_mem>>
      %dma_wait3A_333 = tpu.memref_squeeze %dma_wait3A_332 : memref<1x!tpu.dma_semaphore, #tpu.memory_space<semaphore_mem>> -> memref<!tpu.dma_semaphore, #tpu.memory_space<semaphore_mem>>
      tpu.wait_indirect_dma semaphore(%dma_wait3A_333 : memref<!tpu.dma_semaphore, #tpu.memory_space<semaphore_mem>>) src(%dma_wait3A_326 : memref<16x128xf32, #tpu.memory_space<vmem>>) dst(%dma_wait3A_331 : memref<10240x128xf32, #tpu.memory_space<vmem_shared>>)
      %dma_wait3A_334 = arith.constant 2 : i32
      %dma_wait3A_335 = arith.constant 1952 : i32
      %dma_wait3A_336 = tpu.memref_slice %arg12[%dma_wait3A_335] : memref<2000xf32, #tpu.memory_space<vmem>> -> memref<16xf32, #tpu.memory_space<vmem>>
      %dma_wait3A_337 = arith.constant 1952 : i32
      %dma_wait3A_338 = tpu.memref_slice %arg11[%dma_wait3A_337] : memref<2000xi32, #tpu.memory_space<vmem>> -> memref<16xi32, #tpu.memory_space<vmem>>
      %dma_wait3A_339 = arith.constant 0 : i32
      %dma_wait3A_340 = tpu.memref_slice %arg20[%dma_wait3A_339] : memref<10240xf32, #tpu.memory_space<vmem_shared>> -> memref<10240xf32, #tpu.memory_space<vmem_shared>>
      %dma_wait3A_341 = tpu.memref_slice %arg22[%dma_wait3A_334] : memref<8x!tpu.dma_semaphore, #tpu.memory_space<semaphore_mem>> -> memref<1x!tpu.dma_semaphore, #tpu.memory_space<semaphore_mem>>
      %dma_wait3A_342 = tpu.memref_squeeze %dma_wait3A_341 : memref<1x!tpu.dma_semaphore, #tpu.memory_space<semaphore_mem>> -> memref<!tpu.dma_semaphore, #tpu.memory_space<semaphore_mem>>
      tpu.wait_indirect_dma semaphore(%dma_wait3A_342 : memref<!tpu.dma_semaphore, #tpu.memory_space<semaphore_mem>>) src(%dma_wait3A_336 : memref<16xf32, #tpu.memory_space<vmem>>) dst(%dma_wait3A_340 : memref<10240xf32, #tpu.memory_space<vmem_shared>>)
      %dma_wait3A_343 = arith.constant 3 : i32
      %dma_wait3A_344 = arith.constant 3 : i32
      %dma_wait3A_345 = arith.constant 0 : i32
      %dma_wait3A_346 = arith.constant 0 : i32
      %dma_wait3A_347 = tpu.memref_slice %arg16[%dma_wait3A_343, %dma_wait3A_345, %dma_wait3A_346] : memref<8x16x128xf32, #tpu.memory_space<vmem>> -> memref<1x16x128xf32, #tpu.memory_space<vmem>>
      %dma_wait3A_348 = tpu.memref_squeeze %dma_wait3A_347 : memref<1x16x128xf32, #tpu.memory_space<vmem>> -> memref<16x128xf32, #tpu.memory_space<vmem>>
      %dma_wait3A_349 = arith.constant 1968 : i32
      %dma_wait3A_350 = tpu.memref_slice %arg11[%dma_wait3A_349] : memref<2000xi32, #tpu.memory_space<vmem>> -> memref<16xi32, #tpu.memory_space<vmem>>
      %dma_wait3A_351 = arith.constant 0 : i32
      %dma_wait3A_352 = arith.constant 0 : i32
      %dma_wait3A_353 = tpu.memref_slice %arg19[%dma_wait3A_351, %dma_wait3A_352] : memref<10240x128xf32, #tpu.memory_space<vmem_shared>> -> memref<10240x128xf32, #tpu.memory_space<vmem_shared>>
      %dma_wait3A_354 = tpu.memref_slice %arg22[%dma_wait3A_344] : memref<8x!tpu.dma_semaphore, #tpu.memory_space<semaphore_mem>> -> memref<1x!tpu.dma_semaphore, #tpu.memory_space<semaphore_mem>>
      %dma_wait3A_355 = tpu.memref_squeeze %dma_wait3A_354 : memref<1x!tpu.dma_semaphore, #tpu.memory_space<semaphore_mem>> -> memref<!tpu.dma_semaphore, #tpu.memory_space<semaphore_mem>>
      tpu.wait_indirect_dma semaphore(%dma_wait3A_355 : memref<!tpu.dma_semaphore, #tpu.memory_space<semaphore_mem>>) src(%dma_wait3A_348 : memref<16x128xf32, #tpu.memory_space<vmem>>) dst(%dma_wait3A_353 : memref<10240x128xf32, #tpu.memory_space<vmem_shared>>)
      %dma_wait3A_356 = arith.constant 3 : i32
      %dma_wait3A_357 = arith.constant 1968 : i32
      %dma_wait3A_358 = tpu.memref_slice %arg12[%dma_wait3A_357] : memref<2000xf32, #tpu.memory_space<vmem>> -> memref<16xf32, #tpu.memory_space<vmem>>
      %dma_wait3A_359 = arith.constant 1968 : i32
      %dma_wait3A_360 = tpu.memref_slice %arg11[%dma_wait3A_359] : memref<2000xi32, #tpu.memory_space<vmem>> -> memref<16xi32, #tpu.memory_space<vmem>>
      %dma_wait3A_361 = arith.constant 0 : i32
      %dma_wait3A_362 = tpu.memref_slice %arg20[%dma_wait3A_361] : memref<10240xf32, #tpu.memory_space<vmem_shared>> -> memref<10240xf32, #tpu.memory_space<vmem_shared>>
      %dma_wait3A_363 = tpu.memref_slice %arg22[%dma_wait3A_356] : memref<8x!tpu.dma_semaphore, #tpu.memory_space<semaphore_mem>> -> memref<1x!tpu.dma_semaphore, #tpu.memory_space<semaphore_mem>>
      %dma_wait3A_364 = tpu.memref_squeeze %dma_wait3A_363 : memref<1x!tpu.dma_semaphore, #tpu.memory_space<semaphore_mem>> -> memref<!tpu.dma_semaphore, #tpu.memory_space<semaphore_mem>>
      tpu.wait_indirect_dma semaphore(%dma_wait3A_364 : memref<!tpu.dma_semaphore, #tpu.memory_space<semaphore_mem>>) src(%dma_wait3A_358 : memref<16xf32, #tpu.memory_space<vmem>>) dst(%dma_wait3A_362 : memref<10240xf32, #tpu.memory_space<vmem_shared>>)
      %dma_wait3A_365 = arith.constant 4 : i32
      %dma_wait3A_366 = arith.constant 4 : i32
      %dma_wait3A_367 = arith.constant 0 : i32
      %dma_wait3A_368 = arith.constant 0 : i32
      %dma_wait3A_369 = tpu.memref_slice %arg16[%dma_wait3A_365, %dma_wait3A_367, %dma_wait3A_368] : memref<8x16x128xf32, #tpu.memory_space<vmem>> -> memref<1x16x128xf32, #tpu.memory_space<vmem>>
      %dma_wait3A_370 = tpu.memref_squeeze %dma_wait3A_369 : memref<1x16x128xf32, #tpu.memory_space<vmem>> -> memref<16x128xf32, #tpu.memory_space<vmem>>
      %dma_wait3A_371 = arith.constant 1984 : i32
      %dma_wait3A_372 = tpu.memref_slice %arg11[%dma_wait3A_371] : memref<2000xi32, #tpu.memory_space<vmem>> -> memref<16xi32, #tpu.memory_space<vmem>>
      %dma_wait3A_373 = arith.constant 0 : i32
      %dma_wait3A_374 = arith.constant 0 : i32
      %dma_wait3A_375 = tpu.memref_slice %arg19[%dma_wait3A_373, %dma_wait3A_374] : memref<10240x128xf32, #tpu.memory_space<vmem_shared>> -> memref<10240x128xf32, #tpu.memory_space<vmem_shared>>
      %dma_wait3A_376 = tpu.memref_slice %arg22[%dma_wait3A_366] : memref<8x!tpu.dma_semaphore, #tpu.memory_space<semaphore_mem>> -> memref<1x!tpu.dma_semaphore, #tpu.memory_space<semaphore_mem>>
      %dma_wait3A_377 = tpu.memref_squeeze %dma_wait3A_376 : memref<1x!tpu.dma_semaphore, #tpu.memory_space<semaphore_mem>> -> memref<!tpu.dma_semaphore, #tpu.memory_space<semaphore_mem>>
      tpu.wait_indirect_dma semaphore(%dma_wait3A_377 : memref<!tpu.dma_semaphore, #tpu.memory_space<semaphore_mem>>) src(%dma_wait3A_370 : memref<16x128xf32, #tpu.memory_space<vmem>>) dst(%dma_wait3A_375 : memref<10240x128xf32, #tpu.memory_space<vmem_shared>>)
      %dma_wait3A_378 = arith.constant 4 : i32
      %dma_wait3A_379 = arith.constant 1984 : i32
      %dma_wait3A_380 = tpu.memref_slice %arg12[%dma_wait3A_379] : memref<2000xf32, #tpu.memory_space<vmem>> -> memref<16xf32, #tpu.memory_space<vmem>>
      %dma_wait3A_381 = arith.constant 1984 : i32
      %dma_wait3A_382 = tpu.memref_slice %arg11[%dma_wait3A_381] : memref<2000xi32, #tpu.memory_space<vmem>> -> memref<16xi32, #tpu.memory_space<vmem>>
      %dma_wait3A_383 = arith.constant 0 : i32
      %dma_wait3A_384 = tpu.memref_slice %arg20[%dma_wait3A_383] : memref<10240xf32, #tpu.memory_space<vmem_shared>> -> memref<10240xf32, #tpu.memory_space<vmem_shared>>
      %dma_wait3A_385 = tpu.memref_slice %arg22[%dma_wait3A_378] : memref<8x!tpu.dma_semaphore, #tpu.memory_space<semaphore_mem>> -> memref<1x!tpu.dma_semaphore, #tpu.memory_space<semaphore_mem>>
      %dma_wait3A_386 = tpu.memref_squeeze %dma_wait3A_385 : memref<1x!tpu.dma_semaphore, #tpu.memory_space<semaphore_mem>> -> memref<!tpu.dma_semaphore, #tpu.memory_space<semaphore_mem>>
      tpu.wait_indirect_dma semaphore(%dma_wait3A_386 : memref<!tpu.dma_semaphore, #tpu.memory_space<semaphore_mem>>) src(%dma_wait3A_380 : memref<16xf32, #tpu.memory_space<vmem>>) dst(%dma_wait3A_384 : memref<10240xf32, #tpu.memory_space<vmem_shared>>)
    }
    %scan3A_61 = arith.constant 5 : i32
    %barrier3A_62 = arith.constant 0 : index
    tpu.barrier barrier_id(%barrier3A_62)
    %add3A_63 = arith.constant 0 : i32
    %add3A_64 = arith.addi %mul3A_2, %add3A_63 : i32
    "tpu.region"() ({
      %run_scoped3A_143 = tpu.sem_alloc : memref<!tpu.dma_semaphore, #tpu.memory_space<semaphore_mem>>
      %dma_start3A = arith.constant 0 : i32
      %dma_start3A_144 = tpu.memref_slice %arg19[%add3A_64, %dma_start3A] : memref<10240x128xf32, #tpu.memory_space<vmem_shared>> -> memref<32x128xf32, #tpu.memory_space<vmem_shared>>
      %dma_start3A_145 = arith.constant 0 : i32
      %dma_start3A_146 = tpu.memref_slice %arg19[%add3A_64, %dma_start3A_145] : memref<10240x128xf32, #tpu.memory_space<vmem_shared>> -> memref<32x128xf32, #tpu.memory_space<vmem_shared>>
      tpu.enqueue_dma source(%dma_start3A_146 : memref<32x128xf32, #tpu.memory_space<vmem_shared>>) target(%arg17 : memref<32x128xf32, #tpu.memory_space<vmem>>) target_semaphore(%run_scoped3A_143 : memref<!tpu.dma_semaphore, #tpu.memory_space<semaphore_mem>>)
      %dma_wait3A = arith.constant 0 : i32
      %dma_wait3A_147 = tpu.memref_slice %arg19[%add3A_64, %dma_wait3A] : memref<10240x128xf32, #tpu.memory_space<vmem_shared>> -> memref<32x128xf32, #tpu.memory_space<vmem_shared>>
      %dma_wait3A_148 = arith.constant 0 : i32
      %dma_wait3A_149 = tpu.memref_slice %arg19[%add3A_64, %dma_wait3A_148] : memref<10240x128xf32, #tpu.memory_space<vmem_shared>> -> memref<32x128xf32, #tpu.memory_space<vmem_shared>>
      tpu.wait_dma2 semaphore(%run_scoped3A_143 : memref<!tpu.dma_semaphore, #tpu.memory_space<semaphore_mem>>) src(%dma_wait3A_149 : memref<32x128xf32, #tpu.memory_space<vmem_shared>>) dst(%arg17 : memref<32x128xf32, #tpu.memory_space<vmem>>)
      tpu.yield
    }) : () -> ()
    %add3A_65 = arith.constant 0 : i32
    %add3A_66 = arith.addi %mul3A_2, %add3A_65 : i32
    "tpu.region"() ({
      %run_scoped3A_143 = tpu.sem_alloc : memref<!tpu.dma_semaphore, #tpu.memory_space<semaphore_mem>>
      %dma_start3A = arith.constant 0 : i32
      %dma_start3A_144 = tpu.memref_slice %arg8[%arg0, %add3A_66, %dma_start3A] : memref<2x10240x128xf32, #tpu.memory_space<hbm>> -> memref<1x32x128xf32, #tpu.memory_space<hbm>>
      %dma_start3A_145 = tpu.memref_squeeze %dma_start3A_144 : memref<1x32x128xf32, #tpu.memory_space<hbm>> -> memref<32x128xf32, #tpu.memory_space<hbm>>
      %dma_start3A_146 = arith.constant 0 : i32
      %dma_start3A_147 = tpu.memref_slice %arg8[%arg0, %add3A_66, %dma_start3A_146] : memref<2x10240x128xf32, #tpu.memory_space<hbm>> -> memref<1x32x128xf32, #tpu.memory_space<hbm>>
      %dma_start3A_148 = tpu.memref_squeeze %dma_start3A_147 : memref<1x32x128xf32, #tpu.memory_space<hbm>> -> memref<32x128xf32, #tpu.memory_space<hbm>>
      tpu.enqueue_dma source(%arg17 : memref<32x128xf32, #tpu.memory_space<vmem>>) target(%dma_start3A_148 : memref<32x128xf32, #tpu.memory_space<hbm>>) target_semaphore(%run_scoped3A_143 : memref<!tpu.dma_semaphore, #tpu.memory_space<semaphore_mem>>)
      %dma_wait3A = arith.constant 0 : i32
      %dma_wait3A_149 = tpu.memref_slice %arg8[%arg0, %add3A_66, %dma_wait3A] : memref<2x10240x128xf32, #tpu.memory_space<hbm>> -> memref<1x32x128xf32, #tpu.memory_space<hbm>>
      %dma_wait3A_150 = tpu.memref_squeeze %dma_wait3A_149 : memref<1x32x128xf32, #tpu.memory_space<hbm>> -> memref<32x128xf32, #tpu.memory_space<hbm>>
      %dma_wait3A_151 = arith.constant 0 : i32
      %dma_wait3A_152 = tpu.memref_slice %arg8[%arg0, %add3A_66, %dma_wait3A_151] : memref<2x10240x128xf32, #tpu.memory_space<hbm>> -> memref<1x32x128xf32, #tpu.memory_space<hbm>>
      %dma_wait3A_153 = tpu.memref_squeeze %dma_wait3A_152 : memref<1x32x128xf32, #tpu.memory_space<hbm>> -> memref<32x128xf32, #tpu.memory_space<hbm>>
      tpu.wait_dma2 semaphore(%run_scoped3A_143 : memref<!tpu.dma_semaphore, #tpu.memory_space<semaphore_mem>>) src(%arg17 : memref<32x128xf32, #tpu.memory_space<vmem>>) dst(%dma_wait3A_153 : memref<32x128xf32, #tpu.memory_space<hbm>>)
      tpu.yield
    }) : () -> ()
    %add3A_67 = arith.constant 32 : i32
    %add3A_68 = arith.addi %mul3A_2, %add3A_67 : i32
    "tpu.region"() ({
      %run_scoped3A_143 = tpu.sem_alloc : memref<!tpu.dma_semaphore, #tpu.memory_space<semaphore_mem>>
      %dma_start3A = arith.constant 0 : i32
      %dma_start3A_144 = tpu.memref_slice %arg19[%add3A_68, %dma_start3A] : memref<10240x128xf32, #tpu.memory_space<vmem_shared>> -> memref<32x128xf32, #tpu.memory_space<vmem_shared>>
      %dma_start3A_145 = arith.constant 0 : i32
      %dma_start3A_146 = tpu.memref_slice %arg19[%add3A_68, %dma_start3A_145] : memref<10240x128xf32, #tpu.memory_space<vmem_shared>> -> memref<32x128xf32, #tpu.memory_space<vmem_shared>>
      tpu.enqueue_dma source(%dma_start3A_146 : memref<32x128xf32, #tpu.memory_space<vmem_shared>>) target(%arg17 : memref<32x128xf32, #tpu.memory_space<vmem>>) target_semaphore(%run_scoped3A_143 : memref<!tpu.dma_semaphore, #tpu.memory_space<semaphore_mem>>)
      %dma_wait3A = arith.constant 0 : i32
      %dma_wait3A_147 = tpu.memref_slice %arg19[%add3A_68, %dma_wait3A] : memref<10240x128xf32, #tpu.memory_space<vmem_shared>> -> memref<32x128xf32, #tpu.memory_space<vmem_shared>>
      %dma_wait3A_148 = arith.constant 0 : i32
      %dma_wait3A_149 = tpu.memref_slice %arg19[%add3A_68, %dma_wait3A_148] : memref<10240x128xf32, #tpu.memory_space<vmem_shared>> -> memref<32x128xf32, #tpu.memory_space<vmem_shared>>
      tpu.wait_dma2 semaphore(%run_scoped3A_143 : memref<!tpu.dma_semaphore, #tpu.memory_space<semaphore_mem>>) src(%dma_wait3A_149 : memref<32x128xf32, #tpu.memory_space<vmem_shared>>) dst(%arg17 : memref<32x128xf32, #tpu.memory_space<vmem>>)
      tpu.yield
    }) : () -> ()
    %add3A_69 = arith.constant 32 : i32
    %add3A_70 = arith.addi %mul3A_2, %add3A_69 : i32
    "tpu.region"() ({
      %run_scoped3A_143 = tpu.sem_alloc : memref<!tpu.dma_semaphore, #tpu.memory_space<semaphore_mem>>
      %dma_start3A = arith.constant 0 : i32
      %dma_start3A_144 = tpu.memref_slice %arg8[%arg0, %add3A_70, %dma_start3A] : memref<2x10240x128xf32, #tpu.memory_space<hbm>> -> memref<1x32x128xf32, #tpu.memory_space<hbm>>
      %dma_start3A_145 = tpu.memref_squeeze %dma_start3A_144 : memref<1x32x128xf32, #tpu.memory_space<hbm>> -> memref<32x128xf32, #tpu.memory_space<hbm>>
      %dma_start3A_146 = arith.constant 0 : i32
      %dma_start3A_147 = tpu.memref_slice %arg8[%arg0, %add3A_70, %dma_start3A_146] : memref<2x10240x128xf32, #tpu.memory_space<hbm>> -> memref<1x32x128xf32, #tpu.memory_space<hbm>>
      %dma_start3A_148 = tpu.memref_squeeze %dma_start3A_147 : memref<1x32x128xf32, #tpu.memory_space<hbm>> -> memref<32x128xf32, #tpu.memory_space<hbm>>
      tpu.enqueue_dma source(%arg17 : memref<32x128xf32, #tpu.memory_space<vmem>>) target(%dma_start3A_148 : memref<32x128xf32, #tpu.memory_space<hbm>>) target_semaphore(%run_scoped3A_143 : memref<!tpu.dma_semaphore, #tpu.memory_space<semaphore_mem>>)
      %dma_wait3A = arith.constant 0 : i32
      %dma_wait3A_149 = tpu.memref_slice %arg8[%arg0, %add3A_70, %dma_wait3A] : memref<2x10240x128xf32, #tpu.memory_space<hbm>> -> memref<1x32x128xf32, #tpu.memory_space<hbm>>
      %dma_wait3A_150 = tpu.memref_squeeze %dma_wait3A_149 : memref<1x32x128xf32, #tpu.memory_space<hbm>> -> memref<32x128xf32, #tpu.memory_space<hbm>>
      %dma_wait3A_151 = arith.constant 0 : i32
      %dma_wait3A_152 = tpu.memref_slice %arg8[%arg0, %add3A_70, %dma_wait3A_151] : memref<2x10240x128xf32, #tpu.memory_space<hbm>> -> memref<1x32x128xf32, #tpu.memory_space<hbm>>
      %dma_wait3A_153 = tpu.memref_squeeze %dma_wait3A_152 : memref<1x32x128xf32, #tpu.memory_space<hbm>> -> memref<32x128xf32, #tpu.memory_space<hbm>>
      tpu.wait_dma2 semaphore(%run_scoped3A_143 : memref<!tpu.dma_semaphore, #tpu.memory_space<semaphore_mem>>) src(%arg17 : memref<32x128xf32, #tpu.memory_space<vmem>>) dst(%dma_wait3A_153 : memref<32x128xf32, #tpu.memory_space<hbm>>)
      tpu.yield
    }) : () -> ()
    %add3A_71 = arith.constant 64 : i32
    %add3A_72 = arith.addi %mul3A_2, %add3A_71 : i32
    "tpu.region"() ({
      %run_scoped3A_143 = tpu.sem_alloc : memref<!tpu.dma_semaphore, #tpu.memory_space<semaphore_mem>>
      %dma_start3A = arith.constant 0 : i32
      %dma_start3A_144 = tpu.memref_slice %arg19[%add3A_72, %dma_start3A] : memref<10240x128xf32, #tpu.memory_space<vmem_shared>> -> memref<32x128xf32, #tpu.memory_space<vmem_shared>>
      %dma_start3A_145 = arith.constant 0 : i32
      %dma_start3A_146 = tpu.memref_slice %arg19[%add3A_72, %dma_start3A_145] : memref<10240x128xf32, #tpu.memory_space<vmem_shared>> -> memref<32x128xf32, #tpu.memory_space<vmem_shared>>
      tpu.enqueue_dma source(%dma_start3A_146 : memref<32x128xf32, #tpu.memory_space<vmem_shared>>) target(%arg17 : memref<32x128xf32, #tpu.memory_space<vmem>>) target_semaphore(%run_scoped3A_143 : memref<!tpu.dma_semaphore, #tpu.memory_space<semaphore_mem>>)
      %dma_wait3A = arith.constant 0 : i32
      %dma_wait3A_147 = tpu.memref_slice %arg19[%add3A_72, %dma_wait3A] : memref<10240x128xf32, #tpu.memory_space<vmem_shared>> -> memref<32x128xf32, #tpu.memory_space<vmem_shared>>
      %dma_wait3A_148 = arith.constant 0 : i32
      %dma_wait3A_149 = tpu.memref_slice %arg19[%add3A_72, %dma_wait3A_148] : memref<10240x128xf32, #tpu.memory_space<vmem_shared>> -> memref<32x128xf32, #tpu.memory_space<vmem_shared>>
      tpu.wait_dma2 semaphore(%run_scoped3A_143 : memref<!tpu.dma_semaphore, #tpu.memory_space<semaphore_mem>>) src(%dma_wait3A_149 : memref<32x128xf32, #tpu.memory_space<vmem_shared>>) dst(%arg17 : memref<32x128xf32, #tpu.memory_space<vmem>>)
      tpu.yield
    }) : () -> ()
    %add3A_73 = arith.constant 64 : i32
    %add3A_74 = arith.addi %mul3A_2, %add3A_73 : i32
    "tpu.region"() ({
      %run_scoped3A_143 = tpu.sem_alloc : memref<!tpu.dma_semaphore, #tpu.memory_space<semaphore_mem>>
      %dma_start3A = arith.constant 0 : i32
      %dma_start3A_144 = tpu.memref_slice %arg8[%arg0, %add3A_74, %dma_start3A] : memref<2x10240x128xf32, #tpu.memory_space<hbm>> -> memref<1x32x128xf32, #tpu.memory_space<hbm>>
      %dma_start3A_145 = tpu.memref_squeeze %dma_start3A_144 : memref<1x32x128xf32, #tpu.memory_space<hbm>> -> memref<32x128xf32, #tpu.memory_space<hbm>>
      %dma_start3A_146 = arith.constant 0 : i32
      %dma_start3A_147 = tpu.memref_slice %arg8[%arg0, %add3A_74, %dma_start3A_146] : memref<2x10240x128xf32, #tpu.memory_space<hbm>> -> memref<1x32x128xf32, #tpu.memory_space<hbm>>
      %dma_start3A_148 = tpu.memref_squeeze %dma_start3A_147 : memref<1x32x128xf32, #tpu.memory_space<hbm>> -> memref<32x128xf32, #tpu.memory_space<hbm>>
      tpu.enqueue_dma source(%arg17 : memref<32x128xf32, #tpu.memory_space<vmem>>) target(%dma_start3A_148 : memref<32x128xf32, #tpu.memory_space<hbm>>) target_semaphore(%run_scoped3A_143 : memref<!tpu.dma_semaphore, #tpu.memory_space<semaphore_mem>>)
      %dma_wait3A = arith.constant 0 : i32
      %dma_wait3A_149 = tpu.memref_slice %arg8[%arg0, %add3A_74, %dma_wait3A] : memref<2x10240x128xf32, #tpu.memory_space<hbm>> -> memref<1x32x128xf32, #tpu.memory_space<hbm>>
      %dma_wait3A_150 = tpu.memref_squeeze %dma_wait3A_149 : memref<1x32x128xf32, #tpu.memory_space<hbm>> -> memref<32x128xf32, #tpu.memory_space<hbm>>
      %dma_wait3A_151 = arith.constant 0 : i32
      %dma_wait3A_152 = tpu.memref_slice %arg8[%arg0, %add3A_74, %dma_wait3A_151] : memref<2x10240x128xf32, #tpu.memory_space<hbm>> -> memref<1x32x128xf32, #tpu.memory_space<hbm>>
      %dma_wait3A_153 = tpu.memref_squeeze %dma_wait3A_152 : memref<1x32x128xf32, #tpu.memory_space<hbm>> -> memref<32x128xf32, #tpu.memory_space<hbm>>
      tpu.wait_dma2 semaphore(%run_scoped3A_143 : memref<!tpu.dma_semaphore, #tpu.memory_space<semaphore_mem>>) src(%arg17 : memref<32x128xf32, #tpu.memory_space<vmem>>) dst(%dma_wait3A_153 : memref<32x128xf32, #tpu.memory_space<hbm>>)
      tpu.yield
    }) : () -> ()
    %add3A_75 = arith.constant 96 : i32
    %add3A_76 = arith.addi %mul3A_2, %add3A_75 : i32
    "tpu.region"() ({
      %run_scoped3A_143 = tpu.sem_alloc : memref<!tpu.dma_semaphore, #tpu.memory_space<semaphore_mem>>
      %dma_start3A = arith.constant 0 : i32
      %dma_start3A_144 = tpu.memref_slice %arg19[%add3A_76, %dma_start3A] : memref<10240x128xf32, #tpu.memory_space<vmem_shared>> -> memref<32x128xf32, #tpu.memory_space<vmem_shared>>
      %dma_start3A_145 = arith.constant 0 : i32
      %dma_start3A_146 = tpu.memref_slice %arg19[%add3A_76, %dma_start3A_145] : memref<10240x128xf32, #tpu.memory_space<vmem_shared>> -> memref<32x128xf32, #tpu.memory_space<vmem_shared>>
      tpu.enqueue_dma source(%dma_start3A_146 : memref<32x128xf32, #tpu.memory_space<vmem_shared>>) target(%arg17 : memref<32x128xf32, #tpu.memory_space<vmem>>) target_semaphore(%run_scoped3A_143 : memref<!tpu.dma_semaphore, #tpu.memory_space<semaphore_mem>>)
      %dma_wait3A = arith.constant 0 : i32
      %dma_wait3A_147 = tpu.memref_slice %arg19[%add3A_76, %dma_wait3A] : memref<10240x128xf32, #tpu.memory_space<vmem_shared>> -> memref<32x128xf32, #tpu.memory_space<vmem_shared>>
      %dma_wait3A_148 = arith.constant 0 : i32
      %dma_wait3A_149 = tpu.memref_slice %arg19[%add3A_76, %dma_wait3A_148] : memref<10240x128xf32, #tpu.memory_space<vmem_shared>> -> memref<32x128xf32, #tpu.memory_space<vmem_shared>>
      tpu.wait_dma2 semaphore(%run_scoped3A_143 : memref<!tpu.dma_semaphore, #tpu.memory_space<semaphore_mem>>) src(%dma_wait3A_149 : memref<32x128xf32, #tpu.memory_space<vmem_shared>>) dst(%arg17 : memref<32x128xf32, #tpu.memory_space<vmem>>)
      tpu.yield
    }) : () -> ()
    %add3A_77 = arith.constant 96 : i32
    %add3A_78 = arith.addi %mul3A_2, %add3A_77 : i32
    "tpu.region"() ({
      %run_scoped3A_143 = tpu.sem_alloc : memref<!tpu.dma_semaphore, #tpu.memory_space<semaphore_mem>>
      %dma_start3A = arith.constant 0 : i32
      %dma_start3A_144 = tpu.memref_slice %arg8[%arg0, %add3A_78, %dma_start3A] : memref<2x10240x128xf32, #tpu.memory_space<hbm>> -> memref<1x32x128xf32, #tpu.memory_space<hbm>>
      %dma_start3A_145 = tpu.memref_squeeze %dma_start3A_144 : memref<1x32x128xf32, #tpu.memory_space<hbm>> -> memref<32x128xf32, #tpu.memory_space<hbm>>
      %dma_start3A_146 = arith.constant 0 : i32
      %dma_start3A_147 = tpu.memref_slice %arg8[%arg0, %add3A_78, %dma_start3A_146] : memref<2x10240x128xf32, #tpu.memory_space<hbm>> -> memref<1x32x128xf32, #tpu.memory_space<hbm>>
      %dma_start3A_148 = tpu.memref_squeeze %dma_start3A_147 : memref<1x32x128xf32, #tpu.memory_space<hbm>> -> memref<32x128xf32, #tpu.memory_space<hbm>>
      tpu.enqueue_dma source(%arg17 : memref<32x128xf32, #tpu.memory_space<vmem>>) target(%dma_start3A_148 : memref<32x128xf32, #tpu.memory_space<hbm>>) target_semaphore(%run_scoped3A_143 : memref<!tpu.dma_semaphore, #tpu.memory_space<semaphore_mem>>)
      %dma_wait3A = arith.constant 0 : i32
      %dma_wait3A_149 = tpu.memref_slice %arg8[%arg0, %add3A_78, %dma_wait3A] : memref<2x10240x128xf32, #tpu.memory_space<hbm>> -> memref<1x32x128xf32, #tpu.memory_space<hbm>>
      %dma_wait3A_150 = tpu.memref_squeeze %dma_wait3A_149 : memref<1x32x128xf32, #tpu.memory_space<hbm>> -> memref<32x128xf32, #tpu.memory_space<hbm>>
      %dma_wait3A_151 = arith.constant 0 : i32
      %dma_wait3A_152 = tpu.memref_slice %arg8[%arg0, %add3A_78, %dma_wait3A_151] : memref<2x10240x128xf32, #tpu.memory_space<hbm>> -> memref<1x32x128xf32, #tpu.memory_space<hbm>>
      %dma_wait3A_153 = tpu.memref_squeeze %dma_wait3A_152 : memref<1x32x128xf32, #tpu.memory_space<hbm>> -> memref<32x128xf32, #tpu.memory_space<hbm>>
      tpu.wait_dma2 semaphore(%run_scoped3A_143 : memref<!tpu.dma_semaphore, #tpu.memory_space<semaphore_mem>>) src(%arg17 : memref<32x128xf32, #tpu.memory_space<vmem>>) dst(%dma_wait3A_153 : memref<32x128xf32, #tpu.memory_space<hbm>>)
      tpu.yield
    }) : () -> ()
    %add3A_79 = arith.constant 128 : i32
    %add3A_80 = arith.addi %mul3A_2, %add3A_79 : i32
    "tpu.region"() ({
      %run_scoped3A_143 = tpu.sem_alloc : memref<!tpu.dma_semaphore, #tpu.memory_space<semaphore_mem>>
      %dma_start3A = arith.constant 0 : i32
      %dma_start3A_144 = tpu.memref_slice %arg19[%add3A_80, %dma_start3A] : memref<10240x128xf32, #tpu.memory_space<vmem_shared>> -> memref<32x128xf32, #tpu.memory_space<vmem_shared>>
      %dma_start3A_145 = arith.constant 0 : i32
      %dma_start3A_146 = tpu.memref_slice %arg19[%add3A_80, %dma_start3A_145] : memref<10240x128xf32, #tpu.memory_space<vmem_shared>> -> memref<32x128xf32, #tpu.memory_space<vmem_shared>>
      tpu.enqueue_dma source(%dma_start3A_146 : memref<32x128xf32, #tpu.memory_space<vmem_shared>>) target(%arg17 : memref<32x128xf32, #tpu.memory_space<vmem>>) target_semaphore(%run_scoped3A_143 : memref<!tpu.dma_semaphore, #tpu.memory_space<semaphore_mem>>)
      %dma_wait3A = arith.constant 0 : i32
      %dma_wait3A_147 = tpu.memref_slice %arg19[%add3A_80, %dma_wait3A] : memref<10240x128xf32, #tpu.memory_space<vmem_shared>> -> memref<32x128xf32, #tpu.memory_space<vmem_shared>>
      %dma_wait3A_148 = arith.constant 0 : i32
      %dma_wait3A_149 = tpu.memref_slice %arg19[%add3A_80, %dma_wait3A_148] : memref<10240x128xf32, #tpu.memory_space<vmem_shared>> -> memref<32x128xf32, #tpu.memory_space<vmem_shared>>
      tpu.wait_dma2 semaphore(%run_scoped3A_143 : memref<!tpu.dma_semaphore, #tpu.memory_space<semaphore_mem>>) src(%dma_wait3A_149 : memref<32x128xf32, #tpu.memory_space<vmem_shared>>) dst(%arg17 : memref<32x128xf32, #tpu.memory_space<vmem>>)
      tpu.yield
    }) : () -> ()
    %add3A_81 = arith.constant 128 : i32
    %add3A_82 = arith.addi %mul3A_2, %add3A_81 : i32
    "tpu.region"() ({
      %run_scoped3A_143 = tpu.sem_alloc : memref<!tpu.dma_semaphore, #tpu.memory_space<semaphore_mem>>
      %dma_start3A = arith.constant 0 : i32
      %dma_start3A_144 = tpu.memref_slice %arg8[%arg0, %add3A_82, %dma_start3A] : memref<2x10240x128xf32, #tpu.memory_space<hbm>> -> memref<1x32x128xf32, #tpu.memory_space<hbm>>
      %dma_start3A_145 = tpu.memref_squeeze %dma_start3A_144 : memref<1x32x128xf32, #tpu.memory_space<hbm>> -> memref<32x128xf32, #tpu.memory_space<hbm>>
      %dma_start3A_146 = arith.constant 0 : i32
      %dma_start3A_147 = tpu.memref_slice %arg8[%arg0, %add3A_82, %dma_start3A_146] : memref<2x10240x128xf32, #tpu.memory_space<hbm>> -> memref<1x32x128xf32, #tpu.memory_space<hbm>>
      %dma_start3A_148 = tpu.memref_squeeze %dma_start3A_147 : memref<1x32x128xf32, #tpu.memory_space<hbm>> -> memref<32x128xf32, #tpu.memory_space<hbm>>
      tpu.enqueue_dma source(%arg17 : memref<32x128xf32, #tpu.memory_space<vmem>>) target(%dma_start3A_148 : memref<32x128xf32, #tpu.memory_space<hbm>>) target_semaphore(%run_scoped3A_143 : memref<!tpu.dma_semaphore, #tpu.memory_space<semaphore_mem>>)
      %dma_wait3A = arith.constant 0 : i32
      %dma_wait3A_149 = tpu.memref_slice %arg8[%arg0, %add3A_82, %dma_wait3A] : memref<2x10240x128xf32, #tpu.memory_space<hbm>> -> memref<1x32x128xf32, #tpu.memory_space<hbm>>
      %dma_wait3A_150 = tpu.memref_squeeze %dma_wait3A_149 : memref<1x32x128xf32, #tpu.memory_space<hbm>> -> memref<32x128xf32, #tpu.memory_space<hbm>>
      %dma_wait3A_151 = arith.constant 0 : i32
      %dma_wait3A_152 = tpu.memref_slice %arg8[%arg0, %add3A_82, %dma_wait3A_151] : memref<2x10240x128xf32, #tpu.memory_space<hbm>> -> memref<1x32x128xf32, #tpu.memory_space<hbm>>
      %dma_wait3A_153 = tpu.memref_squeeze %dma_wait3A_152 : memref<1x32x128xf32, #tpu.memory_space<hbm>> -> memref<32x128xf32, #tpu.memory_space<hbm>>
      tpu.wait_dma2 semaphore(%run_scoped3A_143 : memref<!tpu.dma_semaphore, #tpu.memory_space<semaphore_mem>>) src(%arg17 : memref<32x128xf32, #tpu.memory_space<vmem>>) dst(%dma_wait3A_153 : memref<32x128xf32, #tpu.memory_space<hbm>>)
      tpu.yield
    }) : () -> ()
    %add3A_83 = arith.constant 160 : i32
    %add3A_84 = arith.addi %mul3A_2, %add3A_83 : i32
    "tpu.region"() ({
      %run_scoped3A_143 = tpu.sem_alloc : memref<!tpu.dma_semaphore, #tpu.memory_space<semaphore_mem>>
      %dma_start3A = arith.constant 0 : i32
      %dma_start3A_144 = tpu.memref_slice %arg19[%add3A_84, %dma_start3A] : memref<10240x128xf32, #tpu.memory_space<vmem_shared>> -> memref<32x128xf32, #tpu.memory_space<vmem_shared>>
      %dma_start3A_145 = arith.constant 0 : i32
      %dma_start3A_146 = tpu.memref_slice %arg19[%add3A_84, %dma_start3A_145] : memref<10240x128xf32, #tpu.memory_space<vmem_shared>> -> memref<32x128xf32, #tpu.memory_space<vmem_shared>>
      tpu.enqueue_dma source(%dma_start3A_146 : memref<32x128xf32, #tpu.memory_space<vmem_shared>>) target(%arg17 : memref<32x128xf32, #tpu.memory_space<vmem>>) target_semaphore(%run_scoped3A_143 : memref<!tpu.dma_semaphore, #tpu.memory_space<semaphore_mem>>)
      %dma_wait3A = arith.constant 0 : i32
      %dma_wait3A_147 = tpu.memref_slice %arg19[%add3A_84, %dma_wait3A] : memref<10240x128xf32, #tpu.memory_space<vmem_shared>> -> memref<32x128xf32, #tpu.memory_space<vmem_shared>>
      %dma_wait3A_148 = arith.constant 0 : i32
      %dma_wait3A_149 = tpu.memref_slice %arg19[%add3A_84, %dma_wait3A_148] : memref<10240x128xf32, #tpu.memory_space<vmem_shared>> -> memref<32x128xf32, #tpu.memory_space<vmem_shared>>
      tpu.wait_dma2 semaphore(%run_scoped3A_143 : memref<!tpu.dma_semaphore, #tpu.memory_space<semaphore_mem>>) src(%dma_wait3A_149 : memref<32x128xf32, #tpu.memory_space<vmem_shared>>) dst(%arg17 : memref<32x128xf32, #tpu.memory_space<vmem>>)
      tpu.yield
    }) : () -> ()
    %add3A_85 = arith.constant 160 : i32
    %add3A_86 = arith.addi %mul3A_2, %add3A_85 : i32
    "tpu.region"() ({
      %run_scoped3A_143 = tpu.sem_alloc : memref<!tpu.dma_semaphore, #tpu.memory_space<semaphore_mem>>
      %dma_start3A = arith.constant 0 : i32
      %dma_start3A_144 = tpu.memref_slice %arg8[%arg0, %add3A_86, %dma_start3A] : memref<2x10240x128xf32, #tpu.memory_space<hbm>> -> memref<1x32x128xf32, #tpu.memory_space<hbm>>
      %dma_start3A_145 = tpu.memref_squeeze %dma_start3A_144 : memref<1x32x128xf32, #tpu.memory_space<hbm>> -> memref<32x128xf32, #tpu.memory_space<hbm>>
      %dma_start3A_146 = arith.constant 0 : i32
      %dma_start3A_147 = tpu.memref_slice %arg8[%arg0, %add3A_86, %dma_start3A_146] : memref<2x10240x128xf32, #tpu.memory_space<hbm>> -> memref<1x32x128xf32, #tpu.memory_space<hbm>>
      %dma_start3A_148 = tpu.memref_squeeze %dma_start3A_147 : memref<1x32x128xf32, #tpu.memory_space<hbm>> -> memref<32x128xf32, #tpu.memory_space<hbm>>
      tpu.enqueue_dma source(%arg17 : memref<32x128xf32, #tpu.memory_space<vmem>>) target(%dma_start3A_148 : memref<32x128xf32, #tpu.memory_space<hbm>>) target_semaphore(%run_scoped3A_143 : memref<!tpu.dma_semaphore, #tpu.memory_space<semaphore_mem>>)
      %dma_wait3A = arith.constant 0 : i32
      %dma_wait3A_149 = tpu.memref_slice %arg8[%arg0, %add3A_86, %dma_wait3A] : memref<2x10240x128xf32, #tpu.memory_space<hbm>> -> memref<1x32x128xf32, #tpu.memory_space<hbm>>
      %dma_wait3A_150 = tpu.memref_squeeze %dma_wait3A_149 : memref<1x32x128xf32, #tpu.memory_space<hbm>> -> memref<32x128xf32, #tpu.memory_space<hbm>>
      %dma_wait3A_151 = arith.constant 0 : i32
      %dma_wait3A_152 = tpu.memref_slice %arg8[%arg0, %add3A_86, %dma_wait3A_151] : memref<2x10240x128xf32, #tpu.memory_space<hbm>> -> memref<1x32x128xf32, #tpu.memory_space<hbm>>
      %dma_wait3A_153 = tpu.memref_squeeze %dma_wait3A_152 : memref<1x32x128xf32, #tpu.memory_space<hbm>> -> memref<32x128xf32, #tpu.memory_space<hbm>>
      tpu.wait_dma2 semaphore(%run_scoped3A_143 : memref<!tpu.dma_semaphore, #tpu.memory_space<semaphore_mem>>) src(%arg17 : memref<32x128xf32, #tpu.memory_space<vmem>>) dst(%dma_wait3A_153 : memref<32x128xf32, #tpu.memory_space<hbm>>)
      tpu.yield
    }) : () -> ()
    %add3A_87 = arith.constant 192 : i32
    %add3A_88 = arith.addi %mul3A_2, %add3A_87 : i32
    "tpu.region"() ({
      %run_scoped3A_143 = tpu.sem_alloc : memref<!tpu.dma_semaphore, #tpu.memory_space<semaphore_mem>>
      %dma_start3A = arith.constant 0 : i32
      %dma_start3A_144 = tpu.memref_slice %arg19[%add3A_88, %dma_start3A] : memref<10240x128xf32, #tpu.memory_space<vmem_shared>> -> memref<32x128xf32, #tpu.memory_space<vmem_shared>>
      %dma_start3A_145 = arith.constant 0 : i32
      %dma_start3A_146 = tpu.memref_slice %arg19[%add3A_88, %dma_start3A_145] : memref<10240x128xf32, #tpu.memory_space<vmem_shared>> -> memref<32x128xf32, #tpu.memory_space<vmem_shared>>
      tpu.enqueue_dma source(%dma_start3A_146 : memref<32x128xf32, #tpu.memory_space<vmem_shared>>) target(%arg17 : memref<32x128xf32, #tpu.memory_space<vmem>>) target_semaphore(%run_scoped3A_143 : memref<!tpu.dma_semaphore, #tpu.memory_space<semaphore_mem>>)
      %dma_wait3A = arith.constant 0 : i32
      %dma_wait3A_147 = tpu.memref_slice %arg19[%add3A_88, %dma_wait3A] : memref<10240x128xf32, #tpu.memory_space<vmem_shared>> -> memref<32x128xf32, #tpu.memory_space<vmem_shared>>
      %dma_wait3A_148 = arith.constant 0 : i32
      %dma_wait3A_149 = tpu.memref_slice %arg19[%add3A_88, %dma_wait3A_148] : memref<10240x128xf32, #tpu.memory_space<vmem_shared>> -> memref<32x128xf32, #tpu.memory_space<vmem_shared>>
      tpu.wait_dma2 semaphore(%run_scoped3A_143 : memref<!tpu.dma_semaphore, #tpu.memory_space<semaphore_mem>>) src(%dma_wait3A_149 : memref<32x128xf32, #tpu.memory_space<vmem_shared>>) dst(%arg17 : memref<32x128xf32, #tpu.memory_space<vmem>>)
      tpu.yield
    }) : () -> ()
    %add3A_89 = arith.constant 192 : i32
    %add3A_90 = arith.addi %mul3A_2, %add3A_89 : i32
    "tpu.region"() ({
      %run_scoped3A_143 = tpu.sem_alloc : memref<!tpu.dma_semaphore, #tpu.memory_space<semaphore_mem>>
      %dma_start3A = arith.constant 0 : i32
      %dma_start3A_144 = tpu.memref_slice %arg8[%arg0, %add3A_90, %dma_start3A] : memref<2x10240x128xf32, #tpu.memory_space<hbm>> -> memref<1x32x128xf32, #tpu.memory_space<hbm>>
      %dma_start3A_145 = tpu.memref_squeeze %dma_start3A_144 : memref<1x32x128xf32, #tpu.memory_space<hbm>> -> memref<32x128xf32, #tpu.memory_space<hbm>>
      %dma_start3A_146 = arith.constant 0 : i32
      %dma_start3A_147 = tpu.memref_slice %arg8[%arg0, %add3A_90, %dma_start3A_146] : memref<2x10240x128xf32, #tpu.memory_space<hbm>> -> memref<1x32x128xf32, #tpu.memory_space<hbm>>
      %dma_start3A_148 = tpu.memref_squeeze %dma_start3A_147 : memref<1x32x128xf32, #tpu.memory_space<hbm>> -> memref<32x128xf32, #tpu.memory_space<hbm>>
      tpu.enqueue_dma source(%arg17 : memref<32x128xf32, #tpu.memory_space<vmem>>) target(%dma_start3A_148 : memref<32x128xf32, #tpu.memory_space<hbm>>) target_semaphore(%run_scoped3A_143 : memref<!tpu.dma_semaphore, #tpu.memory_space<semaphore_mem>>)
      %dma_wait3A = arith.constant 0 : i32
      %dma_wait3A_149 = tpu.memref_slice %arg8[%arg0, %add3A_90, %dma_wait3A] : memref<2x10240x128xf32, #tpu.memory_space<hbm>> -> memref<1x32x128xf32, #tpu.memory_space<hbm>>
      %dma_wait3A_150 = tpu.memref_squeeze %dma_wait3A_149 : memref<1x32x128xf32, #tpu.memory_space<hbm>> -> memref<32x128xf32, #tpu.memory_space<hbm>>
      %dma_wait3A_151 = arith.constant 0 : i32
      %dma_wait3A_152 = tpu.memref_slice %arg8[%arg0, %add3A_90, %dma_wait3A_151] : memref<2x10240x128xf32, #tpu.memory_space<hbm>> -> memref<1x32x128xf32, #tpu.memory_space<hbm>>
      %dma_wait3A_153 = tpu.memref_squeeze %dma_wait3A_152 : memref<1x32x128xf32, #tpu.memory_space<hbm>> -> memref<32x128xf32, #tpu.memory_space<hbm>>
      tpu.wait_dma2 semaphore(%run_scoped3A_143 : memref<!tpu.dma_semaphore, #tpu.memory_space<semaphore_mem>>) src(%arg17 : memref<32x128xf32, #tpu.memory_space<vmem>>) dst(%dma_wait3A_153 : memref<32x128xf32, #tpu.memory_space<hbm>>)
      tpu.yield
    }) : () -> ()
    %add3A_91 = arith.constant 224 : i32
    %add3A_92 = arith.addi %mul3A_2, %add3A_91 : i32
    "tpu.region"() ({
      %run_scoped3A_143 = tpu.sem_alloc : memref<!tpu.dma_semaphore, #tpu.memory_space<semaphore_mem>>
      %dma_start3A = arith.constant 0 : i32
      %dma_start3A_144 = tpu.memref_slice %arg19[%add3A_92, %dma_start3A] : memref<10240x128xf32, #tpu.memory_space<vmem_shared>> -> memref<32x128xf32, #tpu.memory_space<vmem_shared>>
      %dma_start3A_145 = arith.constant 0 : i32
      %dma_start3A_146 = tpu.memref_slice %arg19[%add3A_92, %dma_start3A_145] : memref<10240x128xf32, #tpu.memory_space<vmem_shared>> -> memref<32x128xf32, #tpu.memory_space<vmem_shared>>
      tpu.enqueue_dma source(%dma_start3A_146 : memref<32x128xf32, #tpu.memory_space<vmem_shared>>) target(%arg17 : memref<32x128xf32, #tpu.memory_space<vmem>>) target_semaphore(%run_scoped3A_143 : memref<!tpu.dma_semaphore, #tpu.memory_space<semaphore_mem>>)
      %dma_wait3A = arith.constant 0 : i32
      %dma_wait3A_147 = tpu.memref_slice %arg19[%add3A_92, %dma_wait3A] : memref<10240x128xf32, #tpu.memory_space<vmem_shared>> -> memref<32x128xf32, #tpu.memory_space<vmem_shared>>
      %dma_wait3A_148 = arith.constant 0 : i32
      %dma_wait3A_149 = tpu.memref_slice %arg19[%add3A_92, %dma_wait3A_148] : memref<10240x128xf32, #tpu.memory_space<vmem_shared>> -> memref<32x128xf32, #tpu.memory_space<vmem_shared>>
      tpu.wait_dma2 semaphore(%run_scoped3A_143 : memref<!tpu.dma_semaphore, #tpu.memory_space<semaphore_mem>>) src(%dma_wait3A_149 : memref<32x128xf32, #tpu.memory_space<vmem_shared>>) dst(%arg17 : memref<32x128xf32, #tpu.memory_space<vmem>>)
      tpu.yield
    }) : () -> ()
    %add3A_93 = arith.constant 224 : i32
    %add3A_94 = arith.addi %mul3A_2, %add3A_93 : i32
    "tpu.region"() ({
      %run_scoped3A_143 = tpu.sem_alloc : memref<!tpu.dma_semaphore, #tpu.memory_space<semaphore_mem>>
      %dma_start3A = arith.constant 0 : i32
      %dma_start3A_144 = tpu.memref_slice %arg8[%arg0, %add3A_94, %dma_start3A] : memref<2x10240x128xf32, #tpu.memory_space<hbm>> -> memref<1x32x128xf32, #tpu.memory_space<hbm>>
      %dma_start3A_145 = tpu.memref_squeeze %dma_start3A_144 : memref<1x32x128xf32, #tpu.memory_space<hbm>> -> memref<32x128xf32, #tpu.memory_space<hbm>>
      %dma_start3A_146 = arith.constant 0 : i32
      %dma_start3A_147 = tpu.memref_slice %arg8[%arg0, %add3A_94, %dma_start3A_146] : memref<2x10240x128xf32, #tpu.memory_space<hbm>> -> memref<1x32x128xf32, #tpu.memory_space<hbm>>
      %dma_start3A_148 = tpu.memref_squeeze %dma_start3A_147 : memref<1x32x128xf32, #tpu.memory_space<hbm>> -> memref<32x128xf32, #tpu.memory_space<hbm>>
      tpu.enqueue_dma source(%arg17 : memref<32x128xf32, #tpu.memory_space<vmem>>) target(%dma_start3A_148 : memref<32x128xf32, #tpu.memory_space<hbm>>) target_semaphore(%run_scoped3A_143 : memref<!tpu.dma_semaphore, #tpu.memory_space<semaphore_mem>>)
      %dma_wait3A = arith.constant 0 : i32
      %dma_wait3A_149 = tpu.memref_slice %arg8[%arg0, %add3A_94, %dma_wait3A] : memref<2x10240x128xf32, #tpu.memory_space<hbm>> -> memref<1x32x128xf32, #tpu.memory_space<hbm>>
      %dma_wait3A_150 = tpu.memref_squeeze %dma_wait3A_149 : memref<1x32x128xf32, #tpu.memory_space<hbm>> -> memref<32x128xf32, #tpu.memory_space<hbm>>
      %dma_wait3A_151 = arith.constant 0 : i32
      %dma_wait3A_152 = tpu.memref_slice %arg8[%arg0, %add3A_94, %dma_wait3A_151] : memref<2x10240x128xf32, #tpu.memory_space<hbm>> -> memref<1x32x128xf32, #tpu.memory_space<hbm>>
      %dma_wait3A_153 = tpu.memref_squeeze %dma_wait3A_152 : memref<1x32x128xf32, #tpu.memory_space<hbm>> -> memref<32x128xf32, #tpu.memory_space<hbm>>
      tpu.wait_dma2 semaphore(%run_scoped3A_143 : memref<!tpu.dma_semaphore, #tpu.memory_space<semaphore_mem>>) src(%arg17 : memref<32x128xf32, #tpu.memory_space<vmem>>) dst(%dma_wait3A_153 : memref<32x128xf32, #tpu.memory_space<hbm>>)
      tpu.yield
    }) : () -> ()
    %add3A_95 = arith.constant 256 : i32
    %add3A_96 = arith.addi %mul3A_2, %add3A_95 : i32
    "tpu.region"() ({
      %run_scoped3A_143 = tpu.sem_alloc : memref<!tpu.dma_semaphore, #tpu.memory_space<semaphore_mem>>
      %dma_start3A = arith.constant 0 : i32
      %dma_start3A_144 = tpu.memref_slice %arg19[%add3A_96, %dma_start3A] : memref<10240x128xf32, #tpu.memory_space<vmem_shared>> -> memref<32x128xf32, #tpu.memory_space<vmem_shared>>
      %dma_start3A_145 = arith.constant 0 : i32
      %dma_start3A_146 = tpu.memref_slice %arg19[%add3A_96, %dma_start3A_145] : memref<10240x128xf32, #tpu.memory_space<vmem_shared>> -> memref<32x128xf32, #tpu.memory_space<vmem_shared>>
      tpu.enqueue_dma source(%dma_start3A_146 : memref<32x128xf32, #tpu.memory_space<vmem_shared>>) target(%arg17 : memref<32x128xf32, #tpu.memory_space<vmem>>) target_semaphore(%run_scoped3A_143 : memref<!tpu.dma_semaphore, #tpu.memory_space<semaphore_mem>>)
      %dma_wait3A = arith.constant 0 : i32
      %dma_wait3A_147 = tpu.memref_slice %arg19[%add3A_96, %dma_wait3A] : memref<10240x128xf32, #tpu.memory_space<vmem_shared>> -> memref<32x128xf32, #tpu.memory_space<vmem_shared>>
      %dma_wait3A_148 = arith.constant 0 : i32
      %dma_wait3A_149 = tpu.memref_slice %arg19[%add3A_96, %dma_wait3A_148] : memref<10240x128xf32, #tpu.memory_space<vmem_shared>> -> memref<32x128xf32, #tpu.memory_space<vmem_shared>>
      tpu.wait_dma2 semaphore(%run_scoped3A_143 : memref<!tpu.dma_semaphore, #tpu.memory_space<semaphore_mem>>) src(%dma_wait3A_149 : memref<32x128xf32, #tpu.memory_space<vmem_shared>>) dst(%arg17 : memref<32x128xf32, #tpu.memory_space<vmem>>)
      tpu.yield
    }) : () -> ()
    %add3A_97 = arith.constant 256 : i32
    %add3A_98 = arith.addi %mul3A_2, %add3A_97 : i32
    "tpu.region"() ({
      %run_scoped3A_143 = tpu.sem_alloc : memref<!tpu.dma_semaphore, #tpu.memory_space<semaphore_mem>>
      %dma_start3A = arith.constant 0 : i32
      %dma_start3A_144 = tpu.memref_slice %arg8[%arg0, %add3A_98, %dma_start3A] : memref<2x10240x128xf32, #tpu.memory_space<hbm>> -> memref<1x32x128xf32, #tpu.memory_space<hbm>>
      %dma_start3A_145 = tpu.memref_squeeze %dma_start3A_144 : memref<1x32x128xf32, #tpu.memory_space<hbm>> -> memref<32x128xf32, #tpu.memory_space<hbm>>
      %dma_start3A_146 = arith.constant 0 : i32
      %dma_start3A_147 = tpu.memref_slice %arg8[%arg0, %add3A_98, %dma_start3A_146] : memref<2x10240x128xf32, #tpu.memory_space<hbm>> -> memref<1x32x128xf32, #tpu.memory_space<hbm>>
      %dma_start3A_148 = tpu.memref_squeeze %dma_start3A_147 : memref<1x32x128xf32, #tpu.memory_space<hbm>> -> memref<32x128xf32, #tpu.memory_space<hbm>>
      tpu.enqueue_dma source(%arg17 : memref<32x128xf32, #tpu.memory_space<vmem>>) target(%dma_start3A_148 : memref<32x128xf32, #tpu.memory_space<hbm>>) target_semaphore(%run_scoped3A_143 : memref<!tpu.dma_semaphore, #tpu.memory_space<semaphore_mem>>)
      %dma_wait3A = arith.constant 0 : i32
      %dma_wait3A_149 = tpu.memref_slice %arg8[%arg0, %add3A_98, %dma_wait3A] : memref<2x10240x128xf32, #tpu.memory_space<hbm>> -> memref<1x32x128xf32, #tpu.memory_space<hbm>>
      %dma_wait3A_150 = tpu.memref_squeeze %dma_wait3A_149 : memref<1x32x128xf32, #tpu.memory_space<hbm>> -> memref<32x128xf32, #tpu.memory_space<hbm>>
      %dma_wait3A_151 = arith.constant 0 : i32
      %dma_wait3A_152 = tpu.memref_slice %arg8[%arg0, %add3A_98, %dma_wait3A_151] : memref<2x10240x128xf32, #tpu.memory_space<hbm>> -> memref<1x32x128xf32, #tpu.memory_space<hbm>>
      %dma_wait3A_153 = tpu.memref_squeeze %dma_wait3A_152 : memref<1x32x128xf32, #tpu.memory_space<hbm>> -> memref<32x128xf32, #tpu.memory_space<hbm>>
      tpu.wait_dma2 semaphore(%run_scoped3A_143 : memref<!tpu.dma_semaphore, #tpu.memory_space<semaphore_mem>>) src(%arg17 : memref<32x128xf32, #tpu.memory_space<vmem>>) dst(%dma_wait3A_153 : memref<32x128xf32, #tpu.memory_space<hbm>>)
      tpu.yield
    }) : () -> ()
    %add3A_99 = arith.constant 288 : i32
    %add3A_100 = arith.addi %mul3A_2, %add3A_99 : i32
    "tpu.region"() ({
      %run_scoped3A_143 = tpu.sem_alloc : memref<!tpu.dma_semaphore, #tpu.memory_space<semaphore_mem>>
      %dma_start3A = arith.constant 0 : i32
      %dma_start3A_144 = tpu.memref_slice %arg19[%add3A_100, %dma_start3A] : memref<10240x128xf32, #tpu.memory_space<vmem_shared>> -> memref<32x128xf32, #tpu.memory_space<vmem_shared>>
      %dma_start3A_145 = arith.constant 0 : i32
      %dma_start3A_146 = tpu.memref_slice %arg19[%add3A_100, %dma_start3A_145] : memref<10240x128xf32, #tpu.memory_space<vmem_shared>> -> memref<32x128xf32, #tpu.memory_space<vmem_shared>>
      tpu.enqueue_dma source(%dma_start3A_146 : memref<32x128xf32, #tpu.memory_space<vmem_shared>>) target(%arg17 : memref<32x128xf32, #tpu.memory_space<vmem>>) target_semaphore(%run_scoped3A_143 : memref<!tpu.dma_semaphore, #tpu.memory_space<semaphore_mem>>)
      %dma_wait3A = arith.constant 0 : i32
      %dma_wait3A_147 = tpu.memref_slice %arg19[%add3A_100, %dma_wait3A] : memref<10240x128xf32, #tpu.memory_space<vmem_shared>> -> memref<32x128xf32, #tpu.memory_space<vmem_shared>>
      %dma_wait3A_148 = arith.constant 0 : i32
      %dma_wait3A_149 = tpu.memref_slice %arg19[%add3A_100, %dma_wait3A_148] : memref<10240x128xf32, #tpu.memory_space<vmem_shared>> -> memref<32x128xf32, #tpu.memory_space<vmem_shared>>
      tpu.wait_dma2 semaphore(%run_scoped3A_143 : memref<!tpu.dma_semaphore, #tpu.memory_space<semaphore_mem>>) src(%dma_wait3A_149 : memref<32x128xf32, #tpu.memory_space<vmem_shared>>) dst(%arg17 : memref<32x128xf32, #tpu.memory_space<vmem>>)
      tpu.yield
    }) : () -> ()
    %add3A_101 = arith.constant 288 : i32
    %add3A_102 = arith.addi %mul3A_2, %add3A_101 : i32
    "tpu.region"() ({
      %run_scoped3A_143 = tpu.sem_alloc : memref<!tpu.dma_semaphore, #tpu.memory_space<semaphore_mem>>
      %dma_start3A = arith.constant 0 : i32
      %dma_start3A_144 = tpu.memref_slice %arg8[%arg0, %add3A_102, %dma_start3A] : memref<2x10240x128xf32, #tpu.memory_space<hbm>> -> memref<1x32x128xf32, #tpu.memory_space<hbm>>
      %dma_start3A_145 = tpu.memref_squeeze %dma_start3A_144 : memref<1x32x128xf32, #tpu.memory_space<hbm>> -> memref<32x128xf32, #tpu.memory_space<hbm>>
      %dma_start3A_146 = arith.constant 0 : i32
      %dma_start3A_147 = tpu.memref_slice %arg8[%arg0, %add3A_102, %dma_start3A_146] : memref<2x10240x128xf32, #tpu.memory_space<hbm>> -> memref<1x32x128xf32, #tpu.memory_space<hbm>>
      %dma_start3A_148 = tpu.memref_squeeze %dma_start3A_147 : memref<1x32x128xf32, #tpu.memory_space<hbm>> -> memref<32x128xf32, #tpu.memory_space<hbm>>
      tpu.enqueue_dma source(%arg17 : memref<32x128xf32, #tpu.memory_space<vmem>>) target(%dma_start3A_148 : memref<32x128xf32, #tpu.memory_space<hbm>>) target_semaphore(%run_scoped3A_143 : memref<!tpu.dma_semaphore, #tpu.memory_space<semaphore_mem>>)
      %dma_wait3A = arith.constant 0 : i32
      %dma_wait3A_149 = tpu.memref_slice %arg8[%arg0, %add3A_102, %dma_wait3A] : memref<2x10240x128xf32, #tpu.memory_space<hbm>> -> memref<1x32x128xf32, #tpu.memory_space<hbm>>
      %dma_wait3A_150 = tpu.memref_squeeze %dma_wait3A_149 : memref<1x32x128xf32, #tpu.memory_space<hbm>> -> memref<32x128xf32, #tpu.memory_space<hbm>>
      %dma_wait3A_151 = arith.constant 0 : i32
      %dma_wait3A_152 = tpu.memref_slice %arg8[%arg0, %add3A_102, %dma_wait3A_151] : memref<2x10240x128xf32, #tpu.memory_space<hbm>> -> memref<1x32x128xf32, #tpu.memory_space<hbm>>
      %dma_wait3A_153 = tpu.memref_squeeze %dma_wait3A_152 : memref<1x32x128xf32, #tpu.memory_space<hbm>> -> memref<32x128xf32, #tpu.memory_space<hbm>>
      tpu.wait_dma2 semaphore(%run_scoped3A_143 : memref<!tpu.dma_semaphore, #tpu.memory_space<semaphore_mem>>) src(%arg17 : memref<32x128xf32, #tpu.memory_space<vmem>>) dst(%dma_wait3A_153 : memref<32x128xf32, #tpu.memory_space<hbm>>)
      tpu.yield
    }) : () -> ()
    %add3A_103 = arith.constant 320 : i32
    %add3A_104 = arith.addi %mul3A_2, %add3A_103 : i32
    "tpu.region"() ({
      %run_scoped3A_143 = tpu.sem_alloc : memref<!tpu.dma_semaphore, #tpu.memory_space<semaphore_mem>>
      %dma_start3A = arith.constant 0 : i32
      %dma_start3A_144 = tpu.memref_slice %arg19[%add3A_104, %dma_start3A] : memref<10240x128xf32, #tpu.memory_space<vmem_shared>> -> memref<32x128xf32, #tpu.memory_space<vmem_shared>>
      %dma_start3A_145 = arith.constant 0 : i32
      %dma_start3A_146 = tpu.memref_slice %arg19[%add3A_104, %dma_start3A_145] : memref<10240x128xf32, #tpu.memory_space<vmem_shared>> -> memref<32x128xf32, #tpu.memory_space<vmem_shared>>
      tpu.enqueue_dma source(%dma_start3A_146 : memref<32x128xf32, #tpu.memory_space<vmem_shared>>) target(%arg17 : memref<32x128xf32, #tpu.memory_space<vmem>>) target_semaphore(%run_scoped3A_143 : memref<!tpu.dma_semaphore, #tpu.memory_space<semaphore_mem>>)
      %dma_wait3A = arith.constant 0 : i32
      %dma_wait3A_147 = tpu.memref_slice %arg19[%add3A_104, %dma_wait3A] : memref<10240x128xf32, #tpu.memory_space<vmem_shared>> -> memref<32x128xf32, #tpu.memory_space<vmem_shared>>
      %dma_wait3A_148 = arith.constant 0 : i32
      %dma_wait3A_149 = tpu.memref_slice %arg19[%add3A_104, %dma_wait3A_148] : memref<10240x128xf32, #tpu.memory_space<vmem_shared>> -> memref<32x128xf32, #tpu.memory_space<vmem_shared>>
      tpu.wait_dma2 semaphore(%run_scoped3A_143 : memref<!tpu.dma_semaphore, #tpu.memory_space<semaphore_mem>>) src(%dma_wait3A_149 : memref<32x128xf32, #tpu.memory_space<vmem_shared>>) dst(%arg17 : memref<32x128xf32, #tpu.memory_space<vmem>>)
      tpu.yield
    }) : () -> ()
    %add3A_105 = arith.constant 320 : i32
    %add3A_106 = arith.addi %mul3A_2, %add3A_105 : i32
    "tpu.region"() ({
      %run_scoped3A_143 = tpu.sem_alloc : memref<!tpu.dma_semaphore, #tpu.memory_space<semaphore_mem>>
      %dma_start3A = arith.constant 0 : i32
      %dma_start3A_144 = tpu.memref_slice %arg8[%arg0, %add3A_106, %dma_start3A] : memref<2x10240x128xf32, #tpu.memory_space<hbm>> -> memref<1x32x128xf32, #tpu.memory_space<hbm>>
      %dma_start3A_145 = tpu.memref_squeeze %dma_start3A_144 : memref<1x32x128xf32, #tpu.memory_space<hbm>> -> memref<32x128xf32, #tpu.memory_space<hbm>>
      %dma_start3A_146 = arith.constant 0 : i32
      %dma_start3A_147 = tpu.memref_slice %arg8[%arg0, %add3A_106, %dma_start3A_146] : memref<2x10240x128xf32, #tpu.memory_space<hbm>> -> memref<1x32x128xf32, #tpu.memory_space<hbm>>
      %dma_start3A_148 = tpu.memref_squeeze %dma_start3A_147 : memref<1x32x128xf32, #tpu.memory_space<hbm>> -> memref<32x128xf32, #tpu.memory_space<hbm>>
      tpu.enqueue_dma source(%arg17 : memref<32x128xf32, #tpu.memory_space<vmem>>) target(%dma_start3A_148 : memref<32x128xf32, #tpu.memory_space<hbm>>) target_semaphore(%run_scoped3A_143 : memref<!tpu.dma_semaphore, #tpu.memory_space<semaphore_mem>>)
      %dma_wait3A = arith.constant 0 : i32
      %dma_wait3A_149 = tpu.memref_slice %arg8[%arg0, %add3A_106, %dma_wait3A] : memref<2x10240x128xf32, #tpu.memory_space<hbm>> -> memref<1x32x128xf32, #tpu.memory_space<hbm>>
      %dma_wait3A_150 = tpu.memref_squeeze %dma_wait3A_149 : memref<1x32x128xf32, #tpu.memory_space<hbm>> -> memref<32x128xf32, #tpu.memory_space<hbm>>
      %dma_wait3A_151 = arith.constant 0 : i32
      %dma_wait3A_152 = tpu.memref_slice %arg8[%arg0, %add3A_106, %dma_wait3A_151] : memref<2x10240x128xf32, #tpu.memory_space<hbm>> -> memref<1x32x128xf32, #tpu.memory_space<hbm>>
      %dma_wait3A_153 = tpu.memref_squeeze %dma_wait3A_152 : memref<1x32x128xf32, #tpu.memory_space<hbm>> -> memref<32x128xf32, #tpu.memory_space<hbm>>
      tpu.wait_dma2 semaphore(%run_scoped3A_143 : memref<!tpu.dma_semaphore, #tpu.memory_space<semaphore_mem>>) src(%arg17 : memref<32x128xf32, #tpu.memory_space<vmem>>) dst(%dma_wait3A_153 : memref<32x128xf32, #tpu.memory_space<hbm>>)
      tpu.yield
    }) : () -> ()
    %add3A_107 = arith.constant 352 : i32
    %add3A_108 = arith.addi %mul3A_2, %add3A_107 : i32
    "tpu.region"() ({
      %run_scoped3A_143 = tpu.sem_alloc : memref<!tpu.dma_semaphore, #tpu.memory_space<semaphore_mem>>
      %dma_start3A = arith.constant 0 : i32
      %dma_start3A_144 = tpu.memref_slice %arg19[%add3A_108, %dma_start3A] : memref<10240x128xf32, #tpu.memory_space<vmem_shared>> -> memref<32x128xf32, #tpu.memory_space<vmem_shared>>
      %dma_start3A_145 = arith.constant 0 : i32
      %dma_start3A_146 = tpu.memref_slice %arg19[%add3A_108, %dma_start3A_145] : memref<10240x128xf32, #tpu.memory_space<vmem_shared>> -> memref<32x128xf32, #tpu.memory_space<vmem_shared>>
      tpu.enqueue_dma source(%dma_start3A_146 : memref<32x128xf32, #tpu.memory_space<vmem_shared>>) target(%arg17 : memref<32x128xf32, #tpu.memory_space<vmem>>) target_semaphore(%run_scoped3A_143 : memref<!tpu.dma_semaphore, #tpu.memory_space<semaphore_mem>>)
      %dma_wait3A = arith.constant 0 : i32
      %dma_wait3A_147 = tpu.memref_slice %arg19[%add3A_108, %dma_wait3A] : memref<10240x128xf32, #tpu.memory_space<vmem_shared>> -> memref<32x128xf32, #tpu.memory_space<vmem_shared>>
      %dma_wait3A_148 = arith.constant 0 : i32
      %dma_wait3A_149 = tpu.memref_slice %arg19[%add3A_108, %dma_wait3A_148] : memref<10240x128xf32, #tpu.memory_space<vmem_shared>> -> memref<32x128xf32, #tpu.memory_space<vmem_shared>>
      tpu.wait_dma2 semaphore(%run_scoped3A_143 : memref<!tpu.dma_semaphore, #tpu.memory_space<semaphore_mem>>) src(%dma_wait3A_149 : memref<32x128xf32, #tpu.memory_space<vmem_shared>>) dst(%arg17 : memref<32x128xf32, #tpu.memory_space<vmem>>)
      tpu.yield
    }) : () -> ()
    %add3A_109 = arith.constant 352 : i32
    %add3A_110 = arith.addi %mul3A_2, %add3A_109 : i32
    "tpu.region"() ({
      %run_scoped3A_143 = tpu.sem_alloc : memref<!tpu.dma_semaphore, #tpu.memory_space<semaphore_mem>>
      %dma_start3A = arith.constant 0 : i32
      %dma_start3A_144 = tpu.memref_slice %arg8[%arg0, %add3A_110, %dma_start3A] : memref<2x10240x128xf32, #tpu.memory_space<hbm>> -> memref<1x32x128xf32, #tpu.memory_space<hbm>>
      %dma_start3A_145 = tpu.memref_squeeze %dma_start3A_144 : memref<1x32x128xf32, #tpu.memory_space<hbm>> -> memref<32x128xf32, #tpu.memory_space<hbm>>
      %dma_start3A_146 = arith.constant 0 : i32
      %dma_start3A_147 = tpu.memref_slice %arg8[%arg0, %add3A_110, %dma_start3A_146] : memref<2x10240x128xf32, #tpu.memory_space<hbm>> -> memref<1x32x128xf32, #tpu.memory_space<hbm>>
      %dma_start3A_148 = tpu.memref_squeeze %dma_start3A_147 : memref<1x32x128xf32, #tpu.memory_space<hbm>> -> memref<32x128xf32, #tpu.memory_space<hbm>>
      tpu.enqueue_dma source(%arg17 : memref<32x128xf32, #tpu.memory_space<vmem>>) target(%dma_start3A_148 : memref<32x128xf32, #tpu.memory_space<hbm>>) target_semaphore(%run_scoped3A_143 : memref<!tpu.dma_semaphore, #tpu.memory_space<semaphore_mem>>)
      %dma_wait3A = arith.constant 0 : i32
      %dma_wait3A_149 = tpu.memref_slice %arg8[%arg0, %add3A_110, %dma_wait3A] : memref<2x10240x128xf32, #tpu.memory_space<hbm>> -> memref<1x32x128xf32, #tpu.memory_space<hbm>>
      %dma_wait3A_150 = tpu.memref_squeeze %dma_wait3A_149 : memref<1x32x128xf32, #tpu.memory_space<hbm>> -> memref<32x128xf32, #tpu.memory_space<hbm>>
      %dma_wait3A_151 = arith.constant 0 : i32
      %dma_wait3A_152 = tpu.memref_slice %arg8[%arg0, %add3A_110, %dma_wait3A_151] : memref<2x10240x128xf32, #tpu.memory_space<hbm>> -> memref<1x32x128xf32, #tpu.memory_space<hbm>>
      %dma_wait3A_153 = tpu.memref_squeeze %dma_wait3A_152 : memref<1x32x128xf32, #tpu.memory_space<hbm>> -> memref<32x128xf32, #tpu.memory_space<hbm>>
      tpu.wait_dma2 semaphore(%run_scoped3A_143 : memref<!tpu.dma_semaphore, #tpu.memory_space<semaphore_mem>>) src(%arg17 : memref<32x128xf32, #tpu.memory_space<vmem>>) dst(%dma_wait3A_153 : memref<32x128xf32, #tpu.memory_space<hbm>>)
      tpu.yield
    }) : () -> ()
    %add3A_111 = arith.constant 384 : i32
    %add3A_112 = arith.addi %mul3A_2, %add3A_111 : i32
    "tpu.region"() ({
      %run_scoped3A_143 = tpu.sem_alloc : memref<!tpu.dma_semaphore, #tpu.memory_space<semaphore_mem>>
      %dma_start3A = arith.constant 0 : i32
      %dma_start3A_144 = tpu.memref_slice %arg19[%add3A_112, %dma_start3A] : memref<10240x128xf32, #tpu.memory_space<vmem_shared>> -> memref<32x128xf32, #tpu.memory_space<vmem_shared>>
      %dma_start3A_145 = arith.constant 0 : i32
      %dma_start3A_146 = tpu.memref_slice %arg19[%add3A_112, %dma_start3A_145] : memref<10240x128xf32, #tpu.memory_space<vmem_shared>> -> memref<32x128xf32, #tpu.memory_space<vmem_shared>>
      tpu.enqueue_dma source(%dma_start3A_146 : memref<32x128xf32, #tpu.memory_space<vmem_shared>>) target(%arg17 : memref<32x128xf32, #tpu.memory_space<vmem>>) target_semaphore(%run_scoped3A_143 : memref<!tpu.dma_semaphore, #tpu.memory_space<semaphore_mem>>)
      %dma_wait3A = arith.constant 0 : i32
      %dma_wait3A_147 = tpu.memref_slice %arg19[%add3A_112, %dma_wait3A] : memref<10240x128xf32, #tpu.memory_space<vmem_shared>> -> memref<32x128xf32, #tpu.memory_space<vmem_shared>>
      %dma_wait3A_148 = arith.constant 0 : i32
      %dma_wait3A_149 = tpu.memref_slice %arg19[%add3A_112, %dma_wait3A_148] : memref<10240x128xf32, #tpu.memory_space<vmem_shared>> -> memref<32x128xf32, #tpu.memory_space<vmem_shared>>
      tpu.wait_dma2 semaphore(%run_scoped3A_143 : memref<!tpu.dma_semaphore, #tpu.memory_space<semaphore_mem>>) src(%dma_wait3A_149 : memref<32x128xf32, #tpu.memory_space<vmem_shared>>) dst(%arg17 : memref<32x128xf32, #tpu.memory_space<vmem>>)
      tpu.yield
    }) : () -> ()
    %add3A_113 = arith.constant 384 : i32
    %add3A_114 = arith.addi %mul3A_2, %add3A_113 : i32
    "tpu.region"() ({
      %run_scoped3A_143 = tpu.sem_alloc : memref<!tpu.dma_semaphore, #tpu.memory_space<semaphore_mem>>
      %dma_start3A = arith.constant 0 : i32
      %dma_start3A_144 = tpu.memref_slice %arg8[%arg0, %add3A_114, %dma_start3A] : memref<2x10240x128xf32, #tpu.memory_space<hbm>> -> memref<1x32x128xf32, #tpu.memory_space<hbm>>
      %dma_start3A_145 = tpu.memref_squeeze %dma_start3A_144 : memref<1x32x128xf32, #tpu.memory_space<hbm>> -> memref<32x128xf32, #tpu.memory_space<hbm>>
      %dma_start3A_146 = arith.constant 0 : i32
      %dma_start3A_147 = tpu.memref_slice %arg8[%arg0, %add3A_114, %dma_start3A_146] : memref<2x10240x128xf32, #tpu.memory_space<hbm>> -> memref<1x32x128xf32, #tpu.memory_space<hbm>>
      %dma_start3A_148 = tpu.memref_squeeze %dma_start3A_147 : memref<1x32x128xf32, #tpu.memory_space<hbm>> -> memref<32x128xf32, #tpu.memory_space<hbm>>
      tpu.enqueue_dma source(%arg17 : memref<32x128xf32, #tpu.memory_space<vmem>>) target(%dma_start3A_148 : memref<32x128xf32, #tpu.memory_space<hbm>>) target_semaphore(%run_scoped3A_143 : memref<!tpu.dma_semaphore, #tpu.memory_space<semaphore_mem>>)
      %dma_wait3A = arith.constant 0 : i32
      %dma_wait3A_149 = tpu.memref_slice %arg8[%arg0, %add3A_114, %dma_wait3A] : memref<2x10240x128xf32, #tpu.memory_space<hbm>> -> memref<1x32x128xf32, #tpu.memory_space<hbm>>
      %dma_wait3A_150 = tpu.memref_squeeze %dma_wait3A_149 : memref<1x32x128xf32, #tpu.memory_space<hbm>> -> memref<32x128xf32, #tpu.memory_space<hbm>>
      %dma_wait3A_151 = arith.constant 0 : i32
      %dma_wait3A_152 = tpu.memref_slice %arg8[%arg0, %add3A_114, %dma_wait3A_151] : memref<2x10240x128xf32, #tpu.memory_space<hbm>> -> memref<1x32x128xf32, #tpu.memory_space<hbm>>
      %dma_wait3A_153 = tpu.memref_squeeze %dma_wait3A_152 : memref<1x32x128xf32, #tpu.memory_space<hbm>> -> memref<32x128xf32, #tpu.memory_space<hbm>>
      tpu.wait_dma2 semaphore(%run_scoped3A_143 : memref<!tpu.dma_semaphore, #tpu.memory_space<semaphore_mem>>) src(%arg17 : memref<32x128xf32, #tpu.memory_space<vmem>>) dst(%dma_wait3A_153 : memref<32x128xf32, #tpu.memory_space<hbm>>)
      tpu.yield
    }) : () -> ()
    %add3A_115 = arith.constant 416 : i32
    %add3A_116 = arith.addi %mul3A_2, %add3A_115 : i32
    "tpu.region"() ({
      %run_scoped3A_143 = tpu.sem_alloc : memref<!tpu.dma_semaphore, #tpu.memory_space<semaphore_mem>>
      %dma_start3A = arith.constant 0 : i32
      %dma_start3A_144 = tpu.memref_slice %arg19[%add3A_116, %dma_start3A] : memref<10240x128xf32, #tpu.memory_space<vmem_shared>> -> memref<32x128xf32, #tpu.memory_space<vmem_shared>>
      %dma_start3A_145 = arith.constant 0 : i32
      %dma_start3A_146 = tpu.memref_slice %arg19[%add3A_116, %dma_start3A_145] : memref<10240x128xf32, #tpu.memory_space<vmem_shared>> -> memref<32x128xf32, #tpu.memory_space<vmem_shared>>
      tpu.enqueue_dma source(%dma_start3A_146 : memref<32x128xf32, #tpu.memory_space<vmem_shared>>) target(%arg17 : memref<32x128xf32, #tpu.memory_space<vmem>>) target_semaphore(%run_scoped3A_143 : memref<!tpu.dma_semaphore, #tpu.memory_space<semaphore_mem>>)
      %dma_wait3A = arith.constant 0 : i32
      %dma_wait3A_147 = tpu.memref_slice %arg19[%add3A_116, %dma_wait3A] : memref<10240x128xf32, #tpu.memory_space<vmem_shared>> -> memref<32x128xf32, #tpu.memory_space<vmem_shared>>
      %dma_wait3A_148 = arith.constant 0 : i32
      %dma_wait3A_149 = tpu.memref_slice %arg19[%add3A_116, %dma_wait3A_148] : memref<10240x128xf32, #tpu.memory_space<vmem_shared>> -> memref<32x128xf32, #tpu.memory_space<vmem_shared>>
      tpu.wait_dma2 semaphore(%run_scoped3A_143 : memref<!tpu.dma_semaphore, #tpu.memory_space<semaphore_mem>>) src(%dma_wait3A_149 : memref<32x128xf32, #tpu.memory_space<vmem_shared>>) dst(%arg17 : memref<32x128xf32, #tpu.memory_space<vmem>>)
      tpu.yield
    }) : () -> ()
    %add3A_117 = arith.constant 416 : i32
    %add3A_118 = arith.addi %mul3A_2, %add3A_117 : i32
    "tpu.region"() ({
      %run_scoped3A_143 = tpu.sem_alloc : memref<!tpu.dma_semaphore, #tpu.memory_space<semaphore_mem>>
      %dma_start3A = arith.constant 0 : i32
      %dma_start3A_144 = tpu.memref_slice %arg8[%arg0, %add3A_118, %dma_start3A] : memref<2x10240x128xf32, #tpu.memory_space<hbm>> -> memref<1x32x128xf32, #tpu.memory_space<hbm>>
      %dma_start3A_145 = tpu.memref_squeeze %dma_start3A_144 : memref<1x32x128xf32, #tpu.memory_space<hbm>> -> memref<32x128xf32, #tpu.memory_space<hbm>>
      %dma_start3A_146 = arith.constant 0 : i32
      %dma_start3A_147 = tpu.memref_slice %arg8[%arg0, %add3A_118, %dma_start3A_146] : memref<2x10240x128xf32, #tpu.memory_space<hbm>> -> memref<1x32x128xf32, #tpu.memory_space<hbm>>
      %dma_start3A_148 = tpu.memref_squeeze %dma_start3A_147 : memref<1x32x128xf32, #tpu.memory_space<hbm>> -> memref<32x128xf32, #tpu.memory_space<hbm>>
      tpu.enqueue_dma source(%arg17 : memref<32x128xf32, #tpu.memory_space<vmem>>) target(%dma_start3A_148 : memref<32x128xf32, #tpu.memory_space<hbm>>) target_semaphore(%run_scoped3A_143 : memref<!tpu.dma_semaphore, #tpu.memory_space<semaphore_mem>>)
      %dma_wait3A = arith.constant 0 : i32
      %dma_wait3A_149 = tpu.memref_slice %arg8[%arg0, %add3A_118, %dma_wait3A] : memref<2x10240x128xf32, #tpu.memory_space<hbm>> -> memref<1x32x128xf32, #tpu.memory_space<hbm>>
      %dma_wait3A_150 = tpu.memref_squeeze %dma_wait3A_149 : memref<1x32x128xf32, #tpu.memory_space<hbm>> -> memref<32x128xf32, #tpu.memory_space<hbm>>
      %dma_wait3A_151 = arith.constant 0 : i32
      %dma_wait3A_152 = tpu.memref_slice %arg8[%arg0, %add3A_118, %dma_wait3A_151] : memref<2x10240x128xf32, #tpu.memory_space<hbm>> -> memref<1x32x128xf32, #tpu.memory_space<hbm>>
      %dma_wait3A_153 = tpu.memref_squeeze %dma_wait3A_152 : memref<1x32x128xf32, #tpu.memory_space<hbm>> -> memref<32x128xf32, #tpu.memory_space<hbm>>
      tpu.wait_dma2 semaphore(%run_scoped3A_143 : memref<!tpu.dma_semaphore, #tpu.memory_space<semaphore_mem>>) src(%arg17 : memref<32x128xf32, #tpu.memory_space<vmem>>) dst(%dma_wait3A_153 : memref<32x128xf32, #tpu.memory_space<hbm>>)
      tpu.yield
    }) : () -> ()
    %add3A_119 = arith.constant 448 : i32
    %add3A_120 = arith.addi %mul3A_2, %add3A_119 : i32
    "tpu.region"() ({
      %run_scoped3A_143 = tpu.sem_alloc : memref<!tpu.dma_semaphore, #tpu.memory_space<semaphore_mem>>
      %dma_start3A = arith.constant 0 : i32
      %dma_start3A_144 = tpu.memref_slice %arg19[%add3A_120, %dma_start3A] : memref<10240x128xf32, #tpu.memory_space<vmem_shared>> -> memref<32x128xf32, #tpu.memory_space<vmem_shared>>
      %dma_start3A_145 = arith.constant 0 : i32
      %dma_start3A_146 = tpu.memref_slice %arg19[%add3A_120, %dma_start3A_145] : memref<10240x128xf32, #tpu.memory_space<vmem_shared>> -> memref<32x128xf32, #tpu.memory_space<vmem_shared>>
      tpu.enqueue_dma source(%dma_start3A_146 : memref<32x128xf32, #tpu.memory_space<vmem_shared>>) target(%arg17 : memref<32x128xf32, #tpu.memory_space<vmem>>) target_semaphore(%run_scoped3A_143 : memref<!tpu.dma_semaphore, #tpu.memory_space<semaphore_mem>>)
      %dma_wait3A = arith.constant 0 : i32
      %dma_wait3A_147 = tpu.memref_slice %arg19[%add3A_120, %dma_wait3A] : memref<10240x128xf32, #tpu.memory_space<vmem_shared>> -> memref<32x128xf32, #tpu.memory_space<vmem_shared>>
      %dma_wait3A_148 = arith.constant 0 : i32
      %dma_wait3A_149 = tpu.memref_slice %arg19[%add3A_120, %dma_wait3A_148] : memref<10240x128xf32, #tpu.memory_space<vmem_shared>> -> memref<32x128xf32, #tpu.memory_space<vmem_shared>>
      tpu.wait_dma2 semaphore(%run_scoped3A_143 : memref<!tpu.dma_semaphore, #tpu.memory_space<semaphore_mem>>) src(%dma_wait3A_149 : memref<32x128xf32, #tpu.memory_space<vmem_shared>>) dst(%arg17 : memref<32x128xf32, #tpu.memory_space<vmem>>)
      tpu.yield
    }) : () -> ()
    %add3A_121 = arith.constant 448 : i32
    %add3A_122 = arith.addi %mul3A_2, %add3A_121 : i32
    "tpu.region"() ({
      %run_scoped3A_143 = tpu.sem_alloc : memref<!tpu.dma_semaphore, #tpu.memory_space<semaphore_mem>>
      %dma_start3A = arith.constant 0 : i32
      %dma_start3A_144 = tpu.memref_slice %arg8[%arg0, %add3A_122, %dma_start3A] : memref<2x10240x128xf32, #tpu.memory_space<hbm>> -> memref<1x32x128xf32, #tpu.memory_space<hbm>>
      %dma_start3A_145 = tpu.memref_squeeze %dma_start3A_144 : memref<1x32x128xf32, #tpu.memory_space<hbm>> -> memref<32x128xf32, #tpu.memory_space<hbm>>
      %dma_start3A_146 = arith.constant 0 : i32
      %dma_start3A_147 = tpu.memref_slice %arg8[%arg0, %add3A_122, %dma_start3A_146] : memref<2x10240x128xf32, #tpu.memory_space<hbm>> -> memref<1x32x128xf32, #tpu.memory_space<hbm>>
      %dma_start3A_148 = tpu.memref_squeeze %dma_start3A_147 : memref<1x32x128xf32, #tpu.memory_space<hbm>> -> memref<32x128xf32, #tpu.memory_space<hbm>>
      tpu.enqueue_dma source(%arg17 : memref<32x128xf32, #tpu.memory_space<vmem>>) target(%dma_start3A_148 : memref<32x128xf32, #tpu.memory_space<hbm>>) target_semaphore(%run_scoped3A_143 : memref<!tpu.dma_semaphore, #tpu.memory_space<semaphore_mem>>)
      %dma_wait3A = arith.constant 0 : i32
      %dma_wait3A_149 = tpu.memref_slice %arg8[%arg0, %add3A_122, %dma_wait3A] : memref<2x10240x128xf32, #tpu.memory_space<hbm>> -> memref<1x32x128xf32, #tpu.memory_space<hbm>>
      %dma_wait3A_150 = tpu.memref_squeeze %dma_wait3A_149 : memref<1x32x128xf32, #tpu.memory_space<hbm>> -> memref<32x128xf32, #tpu.memory_space<hbm>>
      %dma_wait3A_151 = arith.constant 0 : i32
      %dma_wait3A_152 = tpu.memref_slice %arg8[%arg0, %add3A_122, %dma_wait3A_151] : memref<2x10240x128xf32, #tpu.memory_space<hbm>> -> memref<1x32x128xf32, #tpu.memory_space<hbm>>
      %dma_wait3A_153 = tpu.memref_squeeze %dma_wait3A_152 : memref<1x32x128xf32, #tpu.memory_space<hbm>> -> memref<32x128xf32, #tpu.memory_space<hbm>>
      tpu.wait_dma2 semaphore(%run_scoped3A_143 : memref<!tpu.dma_semaphore, #tpu.memory_space<semaphore_mem>>) src(%arg17 : memref<32x128xf32, #tpu.memory_space<vmem>>) dst(%dma_wait3A_153 : memref<32x128xf32, #tpu.memory_space<hbm>>)
      tpu.yield
    }) : () -> ()
    %add3A_123 = arith.constant 480 : i32
    %add3A_124 = arith.addi %mul3A_2, %add3A_123 : i32
    "tpu.region"() ({
      %run_scoped3A_143 = tpu.sem_alloc : memref<!tpu.dma_semaphore, #tpu.memory_space<semaphore_mem>>
      %dma_start3A = arith.constant 0 : i32
      %dma_start3A_144 = tpu.memref_slice %arg19[%add3A_124, %dma_start3A] : memref<10240x128xf32, #tpu.memory_space<vmem_shared>> -> memref<32x128xf32, #tpu.memory_space<vmem_shared>>
      %dma_start3A_145 = arith.constant 0 : i32
      %dma_start3A_146 = tpu.memref_slice %arg19[%add3A_124, %dma_start3A_145] : memref<10240x128xf32, #tpu.memory_space<vmem_shared>> -> memref<32x128xf32, #tpu.memory_space<vmem_shared>>
      tpu.enqueue_dma source(%dma_start3A_146 : memref<32x128xf32, #tpu.memory_space<vmem_shared>>) target(%arg17 : memref<32x128xf32, #tpu.memory_space<vmem>>) target_semaphore(%run_scoped3A_143 : memref<!tpu.dma_semaphore, #tpu.memory_space<semaphore_mem>>)
      %dma_wait3A = arith.constant 0 : i32
      %dma_wait3A_147 = tpu.memref_slice %arg19[%add3A_124, %dma_wait3A] : memref<10240x128xf32, #tpu.memory_space<vmem_shared>> -> memref<32x128xf32, #tpu.memory_space<vmem_shared>>
      %dma_wait3A_148 = arith.constant 0 : i32
      %dma_wait3A_149 = tpu.memref_slice %arg19[%add3A_124, %dma_wait3A_148] : memref<10240x128xf32, #tpu.memory_space<vmem_shared>> -> memref<32x128xf32, #tpu.memory_space<vmem_shared>>
      tpu.wait_dma2 semaphore(%run_scoped3A_143 : memref<!tpu.dma_semaphore, #tpu.memory_space<semaphore_mem>>) src(%dma_wait3A_149 : memref<32x128xf32, #tpu.memory_space<vmem_shared>>) dst(%arg17 : memref<32x128xf32, #tpu.memory_space<vmem>>)
      tpu.yield
    }) : () -> ()
    %add3A_125 = arith.constant 480 : i32
    %add3A_126 = arith.addi %mul3A_2, %add3A_125 : i32
    "tpu.region"() ({
      %run_scoped3A_143 = tpu.sem_alloc : memref<!tpu.dma_semaphore, #tpu.memory_space<semaphore_mem>>
      %dma_start3A = arith.constant 0 : i32
      %dma_start3A_144 = tpu.memref_slice %arg8[%arg0, %add3A_126, %dma_start3A] : memref<2x10240x128xf32, #tpu.memory_space<hbm>> -> memref<1x32x128xf32, #tpu.memory_space<hbm>>
      %dma_start3A_145 = tpu.memref_squeeze %dma_start3A_144 : memref<1x32x128xf32, #tpu.memory_space<hbm>> -> memref<32x128xf32, #tpu.memory_space<hbm>>
      %dma_start3A_146 = arith.constant 0 : i32
      %dma_start3A_147 = tpu.memref_slice %arg8[%arg0, %add3A_126, %dma_start3A_146] : memref<2x10240x128xf32, #tpu.memory_space<hbm>> -> memref<1x32x128xf32, #tpu.memory_space<hbm>>
      %dma_start3A_148 = tpu.memref_squeeze %dma_start3A_147 : memref<1x32x128xf32, #tpu.memory_space<hbm>> -> memref<32x128xf32, #tpu.memory_space<hbm>>
      tpu.enqueue_dma source(%arg17 : memref<32x128xf32, #tpu.memory_space<vmem>>) target(%dma_start3A_148 : memref<32x128xf32, #tpu.memory_space<hbm>>) target_semaphore(%run_scoped3A_143 : memref<!tpu.dma_semaphore, #tpu.memory_space<semaphore_mem>>)
      %dma_wait3A = arith.constant 0 : i32
      %dma_wait3A_149 = tpu.memref_slice %arg8[%arg0, %add3A_126, %dma_wait3A] : memref<2x10240x128xf32, #tpu.memory_space<hbm>> -> memref<1x32x128xf32, #tpu.memory_space<hbm>>
      %dma_wait3A_150 = tpu.memref_squeeze %dma_wait3A_149 : memref<1x32x128xf32, #tpu.memory_space<hbm>> -> memref<32x128xf32, #tpu.memory_space<hbm>>
      %dma_wait3A_151 = arith.constant 0 : i32
      %dma_wait3A_152 = tpu.memref_slice %arg8[%arg0, %add3A_126, %dma_wait3A_151] : memref<2x10240x128xf32, #tpu.memory_space<hbm>> -> memref<1x32x128xf32, #tpu.memory_space<hbm>>
      %dma_wait3A_153 = tpu.memref_squeeze %dma_wait3A_152 : memref<1x32x128xf32, #tpu.memory_space<hbm>> -> memref<32x128xf32, #tpu.memory_space<hbm>>
      tpu.wait_dma2 semaphore(%run_scoped3A_143 : memref<!tpu.dma_semaphore, #tpu.memory_space<semaphore_mem>>) src(%arg17 : memref<32x128xf32, #tpu.memory_space<vmem>>) dst(%dma_wait3A_153 : memref<32x128xf32, #tpu.memory_space<hbm>>)
      tpu.yield
    }) : () -> ()
    %add3A_127 = arith.constant 512 : i32
    %add3A_128 = arith.addi %mul3A_2, %add3A_127 : i32
    "tpu.region"() ({
      %run_scoped3A_143 = tpu.sem_alloc : memref<!tpu.dma_semaphore, #tpu.memory_space<semaphore_mem>>
      %dma_start3A = arith.constant 0 : i32
      %dma_start3A_144 = tpu.memref_slice %arg19[%add3A_128, %dma_start3A] : memref<10240x128xf32, #tpu.memory_space<vmem_shared>> -> memref<32x128xf32, #tpu.memory_space<vmem_shared>>
      %dma_start3A_145 = arith.constant 0 : i32
      %dma_start3A_146 = tpu.memref_slice %arg19[%add3A_128, %dma_start3A_145] : memref<10240x128xf32, #tpu.memory_space<vmem_shared>> -> memref<32x128xf32, #tpu.memory_space<vmem_shared>>
      tpu.enqueue_dma source(%dma_start3A_146 : memref<32x128xf32, #tpu.memory_space<vmem_shared>>) target(%arg17 : memref<32x128xf32, #tpu.memory_space<vmem>>) target_semaphore(%run_scoped3A_143 : memref<!tpu.dma_semaphore, #tpu.memory_space<semaphore_mem>>)
      %dma_wait3A = arith.constant 0 : i32
      %dma_wait3A_147 = tpu.memref_slice %arg19[%add3A_128, %dma_wait3A] : memref<10240x128xf32, #tpu.memory_space<vmem_shared>> -> memref<32x128xf32, #tpu.memory_space<vmem_shared>>
      %dma_wait3A_148 = arith.constant 0 : i32
      %dma_wait3A_149 = tpu.memref_slice %arg19[%add3A_128, %dma_wait3A_148] : memref<10240x128xf32, #tpu.memory_space<vmem_shared>> -> memref<32x128xf32, #tpu.memory_space<vmem_shared>>
      tpu.wait_dma2 semaphore(%run_scoped3A_143 : memref<!tpu.dma_semaphore, #tpu.memory_space<semaphore_mem>>) src(%dma_wait3A_149 : memref<32x128xf32, #tpu.memory_space<vmem_shared>>) dst(%arg17 : memref<32x128xf32, #tpu.memory_space<vmem>>)
      tpu.yield
    }) : () -> ()
    %add3A_129 = arith.constant 512 : i32
    %add3A_130 = arith.addi %mul3A_2, %add3A_129 : i32
    "tpu.region"() ({
      %run_scoped3A_143 = tpu.sem_alloc : memref<!tpu.dma_semaphore, #tpu.memory_space<semaphore_mem>>
      %dma_start3A = arith.constant 0 : i32
      %dma_start3A_144 = tpu.memref_slice %arg8[%arg0, %add3A_130, %dma_start3A] : memref<2x10240x128xf32, #tpu.memory_space<hbm>> -> memref<1x32x128xf32, #tpu.memory_space<hbm>>
      %dma_start3A_145 = tpu.memref_squeeze %dma_start3A_144 : memref<1x32x128xf32, #tpu.memory_space<hbm>> -> memref<32x128xf32, #tpu.memory_space<hbm>>
      %dma_start3A_146 = arith.constant 0 : i32
      %dma_start3A_147 = tpu.memref_slice %arg8[%arg0, %add3A_130, %dma_start3A_146] : memref<2x10240x128xf32, #tpu.memory_space<hbm>> -> memref<1x32x128xf32, #tpu.memory_space<hbm>>
      %dma_start3A_148 = tpu.memref_squeeze %dma_start3A_147 : memref<1x32x128xf32, #tpu.memory_space<hbm>> -> memref<32x128xf32, #tpu.memory_space<hbm>>
      tpu.enqueue_dma source(%arg17 : memref<32x128xf32, #tpu.memory_space<vmem>>) target(%dma_start3A_148 : memref<32x128xf32, #tpu.memory_space<hbm>>) target_semaphore(%run_scoped3A_143 : memref<!tpu.dma_semaphore, #tpu.memory_space<semaphore_mem>>)
      %dma_wait3A = arith.constant 0 : i32
      %dma_wait3A_149 = tpu.memref_slice %arg8[%arg0, %add3A_130, %dma_wait3A] : memref<2x10240x128xf32, #tpu.memory_space<hbm>> -> memref<1x32x128xf32, #tpu.memory_space<hbm>>
      %dma_wait3A_150 = tpu.memref_squeeze %dma_wait3A_149 : memref<1x32x128xf32, #tpu.memory_space<hbm>> -> memref<32x128xf32, #tpu.memory_space<hbm>>
      %dma_wait3A_151 = arith.constant 0 : i32
      %dma_wait3A_152 = tpu.memref_slice %arg8[%arg0, %add3A_130, %dma_wait3A_151] : memref<2x10240x128xf32, #tpu.memory_space<hbm>> -> memref<1x32x128xf32, #tpu.memory_space<hbm>>
      %dma_wait3A_153 = tpu.memref_squeeze %dma_wait3A_152 : memref<1x32x128xf32, #tpu.memory_space<hbm>> -> memref<32x128xf32, #tpu.memory_space<hbm>>
      tpu.wait_dma2 semaphore(%run_scoped3A_143 : memref<!tpu.dma_semaphore, #tpu.memory_space<semaphore_mem>>) src(%arg17 : memref<32x128xf32, #tpu.memory_space<vmem>>) dst(%dma_wait3A_153 : memref<32x128xf32, #tpu.memory_space<hbm>>)
      tpu.yield
    }) : () -> ()
    %add3A_131 = arith.constant 544 : i32
    %add3A_132 = arith.addi %mul3A_2, %add3A_131 : i32
    "tpu.region"() ({
      %run_scoped3A_143 = tpu.sem_alloc : memref<!tpu.dma_semaphore, #tpu.memory_space<semaphore_mem>>
      %dma_start3A = arith.constant 0 : i32
      %dma_start3A_144 = tpu.memref_slice %arg19[%add3A_132, %dma_start3A] : memref<10240x128xf32, #tpu.memory_space<vmem_shared>> -> memref<32x128xf32, #tpu.memory_space<vmem_shared>>
      %dma_start3A_145 = arith.constant 0 : i32
      %dma_start3A_146 = tpu.memref_slice %arg19[%add3A_132, %dma_start3A_145] : memref<10240x128xf32, #tpu.memory_space<vmem_shared>> -> memref<32x128xf32, #tpu.memory_space<vmem_shared>>
      tpu.enqueue_dma source(%dma_start3A_146 : memref<32x128xf32, #tpu.memory_space<vmem_shared>>) target(%arg17 : memref<32x128xf32, #tpu.memory_space<vmem>>) target_semaphore(%run_scoped3A_143 : memref<!tpu.dma_semaphore, #tpu.memory_space<semaphore_mem>>)
      %dma_wait3A = arith.constant 0 : i32
      %dma_wait3A_147 = tpu.memref_slice %arg19[%add3A_132, %dma_wait3A] : memref<10240x128xf32, #tpu.memory_space<vmem_shared>> -> memref<32x128xf32, #tpu.memory_space<vmem_shared>>
      %dma_wait3A_148 = arith.constant 0 : i32
      %dma_wait3A_149 = tpu.memref_slice %arg19[%add3A_132, %dma_wait3A_148] : memref<10240x128xf32, #tpu.memory_space<vmem_shared>> -> memref<32x128xf32, #tpu.memory_space<vmem_shared>>
      tpu.wait_dma2 semaphore(%run_scoped3A_143 : memref<!tpu.dma_semaphore, #tpu.memory_space<semaphore_mem>>) src(%dma_wait3A_149 : memref<32x128xf32, #tpu.memory_space<vmem_shared>>) dst(%arg17 : memref<32x128xf32, #tpu.memory_space<vmem>>)
      tpu.yield
    }) : () -> ()
    %add3A_133 = arith.constant 544 : i32
    %add3A_134 = arith.addi %mul3A_2, %add3A_133 : i32
    "tpu.region"() ({
      %run_scoped3A_143 = tpu.sem_alloc : memref<!tpu.dma_semaphore, #tpu.memory_space<semaphore_mem>>
      %dma_start3A = arith.constant 0 : i32
      %dma_start3A_144 = tpu.memref_slice %arg8[%arg0, %add3A_134, %dma_start3A] : memref<2x10240x128xf32, #tpu.memory_space<hbm>> -> memref<1x32x128xf32, #tpu.memory_space<hbm>>
      %dma_start3A_145 = tpu.memref_squeeze %dma_start3A_144 : memref<1x32x128xf32, #tpu.memory_space<hbm>> -> memref<32x128xf32, #tpu.memory_space<hbm>>
      %dma_start3A_146 = arith.constant 0 : i32
      %dma_start3A_147 = tpu.memref_slice %arg8[%arg0, %add3A_134, %dma_start3A_146] : memref<2x10240x128xf32, #tpu.memory_space<hbm>> -> memref<1x32x128xf32, #tpu.memory_space<hbm>>
      %dma_start3A_148 = tpu.memref_squeeze %dma_start3A_147 : memref<1x32x128xf32, #tpu.memory_space<hbm>> -> memref<32x128xf32, #tpu.memory_space<hbm>>
      tpu.enqueue_dma source(%arg17 : memref<32x128xf32, #tpu.memory_space<vmem>>) target(%dma_start3A_148 : memref<32x128xf32, #tpu.memory_space<hbm>>) target_semaphore(%run_scoped3A_143 : memref<!tpu.dma_semaphore, #tpu.memory_space<semaphore_mem>>)
      %dma_wait3A = arith.constant 0 : i32
      %dma_wait3A_149 = tpu.memref_slice %arg8[%arg0, %add3A_134, %dma_wait3A] : memref<2x10240x128xf32, #tpu.memory_space<hbm>> -> memref<1x32x128xf32, #tpu.memory_space<hbm>>
      %dma_wait3A_150 = tpu.memref_squeeze %dma_wait3A_149 : memref<1x32x128xf32, #tpu.memory_space<hbm>> -> memref<32x128xf32, #tpu.memory_space<hbm>>
      %dma_wait3A_151 = arith.constant 0 : i32
      %dma_wait3A_152 = tpu.memref_slice %arg8[%arg0, %add3A_134, %dma_wait3A_151] : memref<2x10240x128xf32, #tpu.memory_space<hbm>> -> memref<1x32x128xf32, #tpu.memory_space<hbm>>
      %dma_wait3A_153 = tpu.memref_squeeze %dma_wait3A_152 : memref<1x32x128xf32, #tpu.memory_space<hbm>> -> memref<32x128xf32, #tpu.memory_space<hbm>>
      tpu.wait_dma2 semaphore(%run_scoped3A_143 : memref<!tpu.dma_semaphore, #tpu.memory_space<semaphore_mem>>) src(%arg17 : memref<32x128xf32, #tpu.memory_space<vmem>>) dst(%dma_wait3A_153 : memref<32x128xf32, #tpu.memory_space<hbm>>)
      tpu.yield
    }) : () -> ()
    %add3A_135 = arith.constant 576 : i32
    %add3A_136 = arith.addi %mul3A_2, %add3A_135 : i32
    "tpu.region"() ({
      %run_scoped3A_143 = tpu.sem_alloc : memref<!tpu.dma_semaphore, #tpu.memory_space<semaphore_mem>>
      %dma_start3A = arith.constant 0 : i32
      %dma_start3A_144 = tpu.memref_slice %arg19[%add3A_136, %dma_start3A] : memref<10240x128xf32, #tpu.memory_space<vmem_shared>> -> memref<32x128xf32, #tpu.memory_space<vmem_shared>>
      %dma_start3A_145 = arith.constant 0 : i32
      %dma_start3A_146 = tpu.memref_slice %arg19[%add3A_136, %dma_start3A_145] : memref<10240x128xf32, #tpu.memory_space<vmem_shared>> -> memref<32x128xf32, #tpu.memory_space<vmem_shared>>
      tpu.enqueue_dma source(%dma_start3A_146 : memref<32x128xf32, #tpu.memory_space<vmem_shared>>) target(%arg17 : memref<32x128xf32, #tpu.memory_space<vmem>>) target_semaphore(%run_scoped3A_143 : memref<!tpu.dma_semaphore, #tpu.memory_space<semaphore_mem>>)
      %dma_wait3A = arith.constant 0 : i32
      %dma_wait3A_147 = tpu.memref_slice %arg19[%add3A_136, %dma_wait3A] : memref<10240x128xf32, #tpu.memory_space<vmem_shared>> -> memref<32x128xf32, #tpu.memory_space<vmem_shared>>
      %dma_wait3A_148 = arith.constant 0 : i32
      %dma_wait3A_149 = tpu.memref_slice %arg19[%add3A_136, %dma_wait3A_148] : memref<10240x128xf32, #tpu.memory_space<vmem_shared>> -> memref<32x128xf32, #tpu.memory_space<vmem_shared>>
      tpu.wait_dma2 semaphore(%run_scoped3A_143 : memref<!tpu.dma_semaphore, #tpu.memory_space<semaphore_mem>>) src(%dma_wait3A_149 : memref<32x128xf32, #tpu.memory_space<vmem_shared>>) dst(%arg17 : memref<32x128xf32, #tpu.memory_space<vmem>>)
      tpu.yield
    }) : () -> ()
    %add3A_137 = arith.constant 576 : i32
    %add3A_138 = arith.addi %mul3A_2, %add3A_137 : i32
    "tpu.region"() ({
      %run_scoped3A_143 = tpu.sem_alloc : memref<!tpu.dma_semaphore, #tpu.memory_space<semaphore_mem>>
      %dma_start3A = arith.constant 0 : i32
      %dma_start3A_144 = tpu.memref_slice %arg8[%arg0, %add3A_138, %dma_start3A] : memref<2x10240x128xf32, #tpu.memory_space<hbm>> -> memref<1x32x128xf32, #tpu.memory_space<hbm>>
      %dma_start3A_145 = tpu.memref_squeeze %dma_start3A_144 : memref<1x32x128xf32, #tpu.memory_space<hbm>> -> memref<32x128xf32, #tpu.memory_space<hbm>>
      %dma_start3A_146 = arith.constant 0 : i32
      %dma_start3A_147 = tpu.memref_slice %arg8[%arg0, %add3A_138, %dma_start3A_146] : memref<2x10240x128xf32, #tpu.memory_space<hbm>> -> memref<1x32x128xf32, #tpu.memory_space<hbm>>
      %dma_start3A_148 = tpu.memref_squeeze %dma_start3A_147 : memref<1x32x128xf32, #tpu.memory_space<hbm>> -> memref<32x128xf32, #tpu.memory_space<hbm>>
      tpu.enqueue_dma source(%arg17 : memref<32x128xf32, #tpu.memory_space<vmem>>) target(%dma_start3A_148 : memref<32x128xf32, #tpu.memory_space<hbm>>) target_semaphore(%run_scoped3A_143 : memref<!tpu.dma_semaphore, #tpu.memory_space<semaphore_mem>>)
      %dma_wait3A = arith.constant 0 : i32
      %dma_wait3A_149 = tpu.memref_slice %arg8[%arg0, %add3A_138, %dma_wait3A] : memref<2x10240x128xf32, #tpu.memory_space<hbm>> -> memref<1x32x128xf32, #tpu.memory_space<hbm>>
      %dma_wait3A_150 = tpu.memref_squeeze %dma_wait3A_149 : memref<1x32x128xf32, #tpu.memory_space<hbm>> -> memref<32x128xf32, #tpu.memory_space<hbm>>
      %dma_wait3A_151 = arith.constant 0 : i32
      %dma_wait3A_152 = tpu.memref_slice %arg8[%arg0, %add3A_138, %dma_wait3A_151] : memref<2x10240x128xf32, #tpu.memory_space<hbm>> -> memref<1x32x128xf32, #tpu.memory_space<hbm>>
      %dma_wait3A_153 = tpu.memref_squeeze %dma_wait3A_152 : memref<1x32x128xf32, #tpu.memory_space<hbm>> -> memref<32x128xf32, #tpu.memory_space<hbm>>
      tpu.wait_dma2 semaphore(%run_scoped3A_143 : memref<!tpu.dma_semaphore, #tpu.memory_space<semaphore_mem>>) src(%arg17 : memref<32x128xf32, #tpu.memory_space<vmem>>) dst(%dma_wait3A_153 : memref<32x128xf32, #tpu.memory_space<hbm>>)
      tpu.yield
    }) : () -> ()
    %add3A_139 = arith.constant 608 : i32
    %add3A_140 = arith.addi %mul3A_2, %add3A_139 : i32
    "tpu.region"() ({
      %run_scoped3A_143 = tpu.sem_alloc : memref<!tpu.dma_semaphore, #tpu.memory_space<semaphore_mem>>
      %dma_start3A = arith.constant 0 : i32
      %dma_start3A_144 = tpu.memref_slice %arg19[%add3A_140, %dma_start3A] : memref<10240x128xf32, #tpu.memory_space<vmem_shared>> -> memref<32x128xf32, #tpu.memory_space<vmem_shared>>
      %dma_start3A_145 = arith.constant 0 : i32
      %dma_start3A_146 = tpu.memref_slice %arg19[%add3A_140, %dma_start3A_145] : memref<10240x128xf32, #tpu.memory_space<vmem_shared>> -> memref<32x128xf32, #tpu.memory_space<vmem_shared>>
      tpu.enqueue_dma source(%dma_start3A_146 : memref<32x128xf32, #tpu.memory_space<vmem_shared>>) target(%arg17 : memref<32x128xf32, #tpu.memory_space<vmem>>) target_semaphore(%run_scoped3A_143 : memref<!tpu.dma_semaphore, #tpu.memory_space<semaphore_mem>>)
      %dma_wait3A = arith.constant 0 : i32
      %dma_wait3A_147 = tpu.memref_slice %arg19[%add3A_140, %dma_wait3A] : memref<10240x128xf32, #tpu.memory_space<vmem_shared>> -> memref<32x128xf32, #tpu.memory_space<vmem_shared>>
      %dma_wait3A_148 = arith.constant 0 : i32
      %dma_wait3A_149 = tpu.memref_slice %arg19[%add3A_140, %dma_wait3A_148] : memref<10240x128xf32, #tpu.memory_space<vmem_shared>> -> memref<32x128xf32, #tpu.memory_space<vmem_shared>>
      tpu.wait_dma2 semaphore(%run_scoped3A_143 : memref<!tpu.dma_semaphore, #tpu.memory_space<semaphore_mem>>) src(%dma_wait3A_149 : memref<32x128xf32, #tpu.memory_space<vmem_shared>>) dst(%arg17 : memref<32x128xf32, #tpu.memory_space<vmem>>)
      tpu.yield
    }) : () -> ()
    %add3A_141 = arith.constant 608 : i32
    %add3A_142 = arith.addi %mul3A_2, %add3A_141 : i32
    "tpu.region"() ({
      %run_scoped3A_143 = tpu.sem_alloc : memref<!tpu.dma_semaphore, #tpu.memory_space<semaphore_mem>>
      %dma_start3A = arith.constant 0 : i32
      %dma_start3A_144 = tpu.memref_slice %arg8[%arg0, %add3A_142, %dma_start3A] : memref<2x10240x128xf32, #tpu.memory_space<hbm>> -> memref<1x32x128xf32, #tpu.memory_space<hbm>>
      %dma_start3A_145 = tpu.memref_squeeze %dma_start3A_144 : memref<1x32x128xf32, #tpu.memory_space<hbm>> -> memref<32x128xf32, #tpu.memory_space<hbm>>
      %dma_start3A_146 = arith.constant 0 : i32
      %dma_start3A_147 = tpu.memref_slice %arg8[%arg0, %add3A_142, %dma_start3A_146] : memref<2x10240x128xf32, #tpu.memory_space<hbm>> -> memref<1x32x128xf32, #tpu.memory_space<hbm>>
      %dma_start3A_148 = tpu.memref_squeeze %dma_start3A_147 : memref<1x32x128xf32, #tpu.memory_space<hbm>> -> memref<32x128xf32, #tpu.memory_space<hbm>>
      tpu.enqueue_dma source(%arg17 : memref<32x128xf32, #tpu.memory_space<vmem>>) target(%dma_start3A_148 : memref<32x128xf32, #tpu.memory_space<hbm>>) target_semaphore(%run_scoped3A_143 : memref<!tpu.dma_semaphore, #tpu.memory_space<semaphore_mem>>)
      %dma_wait3A = arith.constant 0 : i32
      %dma_wait3A_149 = tpu.memref_slice %arg8[%arg0, %add3A_142, %dma_wait3A] : memref<2x10240x128xf32, #tpu.memory_space<hbm>> -> memref<1x32x128xf32, #tpu.memory_space<hbm>>
      %dma_wait3A_150 = tpu.memref_squeeze %dma_wait3A_149 : memref<1x32x128xf32, #tpu.memory_space<hbm>> -> memref<32x128xf32, #tpu.memory_space<hbm>>
      %dma_wait3A_151 = arith.constant 0 : i32
      %dma_wait3A_152 = tpu.memref_slice %arg8[%arg0, %add3A_142, %dma_wait3A_151] : memref<2x10240x128xf32, #tpu.memory_space<hbm>> -> memref<1x32x128xf32, #tpu.memory_space<hbm>>
      %dma_wait3A_153 = tpu.memref_squeeze %dma_wait3A_152 : memref<1x32x128xf32, #tpu.memory_space<hbm>> -> memref<32x128xf32, #tpu.memory_space<hbm>>
      tpu.wait_dma2 semaphore(%run_scoped3A_143 : memref<!tpu.dma_semaphore, #tpu.memory_space<semaphore_mem>>) src(%arg17 : memref<32x128xf32, #tpu.memory_space<vmem>>) dst(%dma_wait3A_153 : memref<32x128xf32, #tpu.memory_space<hbm>>)
      tpu.yield
    }) : () -> ()
    "tpu.region"() ({
      %run_scoped3A_143 = tpu.sem_alloc : memref<!tpu.dma_semaphore, #tpu.memory_space<semaphore_mem>>
      %dma_start3A = tpu.memref_slice %arg20[%mul3A_2] : memref<10240xf32, #tpu.memory_space<vmem_shared>> -> memref<640xf32, #tpu.memory_space<vmem_shared>>
      %dma_start3A_144 = tpu.memref_slice %arg20[%mul3A_2] : memref<10240xf32, #tpu.memory_space<vmem_shared>> -> memref<640xf32, #tpu.memory_space<vmem_shared>>
      tpu.enqueue_dma source(%dma_start3A_144 : memref<640xf32, #tpu.memory_space<vmem_shared>>) target(%arg18 : memref<640xf32, #tpu.memory_space<vmem>>) target_semaphore(%run_scoped3A_143 : memref<!tpu.dma_semaphore, #tpu.memory_space<semaphore_mem>>)
      %dma_wait3A = tpu.memref_slice %arg20[%mul3A_2] : memref<10240xf32, #tpu.memory_space<vmem_shared>> -> memref<640xf32, #tpu.memory_space<vmem_shared>>
      %dma_wait3A_145 = tpu.memref_slice %arg20[%mul3A_2] : memref<10240xf32, #tpu.memory_space<vmem_shared>> -> memref<640xf32, #tpu.memory_space<vmem_shared>>
      tpu.wait_dma2 semaphore(%run_scoped3A_143 : memref<!tpu.dma_semaphore, #tpu.memory_space<semaphore_mem>>) src(%dma_wait3A_145 : memref<640xf32, #tpu.memory_space<vmem_shared>>) dst(%arg18 : memref<640xf32, #tpu.memory_space<vmem>>)
      tpu.yield
    }) : () -> ()
    "tpu.region"() ({
      %run_scoped3A_143 = tpu.sem_alloc : memref<!tpu.dma_semaphore, #tpu.memory_space<semaphore_mem>>
      %dma_start3A = tpu.memref_slice %arg9[%arg0, %mul3A_2] : memref<2x10240xf32, #tpu.memory_space<hbm>> -> memref<1x640xf32, #tpu.memory_space<hbm>>
      %dma_start3A_144 = tpu.memref_squeeze %dma_start3A : memref<1x640xf32, #tpu.memory_space<hbm>> -> memref<640xf32, #tpu.memory_space<hbm>>
      %dma_start3A_145 = tpu.memref_slice %arg9[%arg0, %mul3A_2] : memref<2x10240xf32, #tpu.memory_space<hbm>> -> memref<1x640xf32, #tpu.memory_space<hbm>>
      %dma_start3A_146 = tpu.memref_squeeze %dma_start3A_145 : memref<1x640xf32, #tpu.memory_space<hbm>> -> memref<640xf32, #tpu.memory_space<hbm>>
      tpu.enqueue_dma source(%arg18 : memref<640xf32, #tpu.memory_space<vmem>>) target(%dma_start3A_146 : memref<640xf32, #tpu.memory_space<hbm>>) target_semaphore(%run_scoped3A_143 : memref<!tpu.dma_semaphore, #tpu.memory_space<semaphore_mem>>)
      %dma_wait3A = tpu.memref_slice %arg9[%arg0, %mul3A_2] : memref<2x10240xf32, #tpu.memory_space<hbm>> -> memref<1x640xf32, #tpu.memory_space<hbm>>
      %dma_wait3A_147 = tpu.memref_squeeze %dma_wait3A : memref<1x640xf32, #tpu.memory_space<hbm>> -> memref<640xf32, #tpu.memory_space<hbm>>
      %dma_wait3A_148 = tpu.memref_slice %arg9[%arg0, %mul3A_2] : memref<2x10240xf32, #tpu.memory_space<hbm>> -> memref<1x640xf32, #tpu.memory_space<hbm>>
      %dma_wait3A_149 = tpu.memref_squeeze %dma_wait3A_148 : memref<1x640xf32, #tpu.memory_space<hbm>> -> memref<640xf32, #tpu.memory_space<hbm>>
      tpu.wait_dma2 semaphore(%run_scoped3A_143 : memref<!tpu.dma_semaphore, #tpu.memory_space<semaphore_mem>>) src(%arg18 : memref<640xf32, #tpu.memory_space<vmem>>) dst(%dma_wait3A_149 : memref<640xf32, #tpu.memory_space<hbm>>)
      tpu.yield
    }) : () -> ()
    return
  }
}

module attributes {stable_mosaic.version = 14 : i64} {
  func.func @_pq_body(%arg0: memref<10000x128xf32, #tpu.memory_space<vmem>>, %arg1: memref<2x128xf32, #tpu.memory_space<vmem>>, %arg2: memref<10000x2xf32, #tpu.memory_space<vmem>>, %arg3: memref<8x128xf32, #tpu.memory_space<vmem>>) attributes {dimension_semantics = [], scalar_prefetch = 0 : i64, scratch_operands = 0 : i64, tpu.core_type = #tpu.core_type<tc>} {
    %get3A = arith.constant 0 : index
    %get3A_0 = arith.constant 0 : index
    %get3A_1 = vector.load %arg0[%get3A, %get3A_0] : memref<10000x128xf32, #tpu.memory_space<vmem>>, vector<10000x128xf32>
    %get3A_2 = arith.constant 0 : index
    %get3A_3 = arith.constant 0 : index
    %get3A_4 = vector.load %arg1[%get3A_2, %get3A_3] : memref<2x128xf32, #tpu.memory_space<vmem>>, vector<2x128xf32>
    %dot_general3A = arith.constant dense<0.000000e+00> : vector<10000x2xf32>
    %dot_general3A_5 = tpu.matmul %get3A_1, %get3A_4, %dot_general3A {dimension_numbers = #tpu.dot_dimension_numbers<[1], [1], [0], [0], [0, 0, 1, 0], [], []>, transpose_lhs_hint = false} : vector<10000x128xf32>, vector<2x128xf32>, vector<10000x2xf32> -> vector<10000x2xf32>
    %swap3A = arith.constant 0 : index
    %swap3A_6 = arith.constant 0 : index
    %swap3A_7 = vector.load %arg2[%swap3A, %swap3A_6] : memref<10000x2xf32, #tpu.memory_space<vmem>>, vector<10000x2xf32>
    tpu.vector_store %arg2[%swap3A, %swap3A_6], %dot_general3A_5 {strides = array<i32>} : memref<10000x2xf32, #tpu.memory_space<vmem>>, vector<10000x2xf32>,
    %slice3A = vector.extract_strided_slice %dot_general3A_5 {offsets = [0, 0], sizes = [10000, 1], strides = [1, 1]} : vector<10000x2xf32> to vector<10000x1xf32>
    %squeeze3A = vector.shape_cast %slice3A : vector<10000x1xf32> to vector<10000xf32>
    %reduce_max3A = vector.shape_cast %squeeze3A : vector<10000xf32> to vector<1x10000xf32>
    %reduce_max3A_8 = arith.constant dense<0xFF800000> : vector<1xf32>
    %reduce_max3A_9 = vector.multi_reduction <maximumf>, %reduce_max3A, %reduce_max3A_8 [1] : vector<1x10000xf32> to vector<1xf32>
    %reduce_max3A_10 = vector.shape_cast %reduce_max3A_9 : vector<1xf32> to vector<1x1xf32>
    %reduce_max3A_11 = vector.extract %reduce_max3A_10[0, 0] : f32 from vector<1x1xf32>
    %slice3A_12 = vector.extract_strided_slice %dot_general3A_5 {offsets = [0, 1], sizes = [10000, 1], strides = [1, 1]} : vector<10000x2xf32> to vector<10000x1xf32>
    %squeeze3A_13 = vector.shape_cast %slice3A_12 : vector<10000x1xf32> to vector<10000xf32>
    %reduce_max3A_14 = vector.shape_cast %squeeze3A_13 : vector<10000xf32> to vector<1x10000xf32>
    %reduce_max3A_15 = arith.constant dense<0xFF800000> : vector<1xf32>
    %reduce_max3A_16 = vector.multi_reduction <maximumf>, %reduce_max3A_14, %reduce_max3A_15 [1] : vector<1x10000xf32> to vector<1xf32>
    %reduce_max3A_17 = vector.shape_cast %reduce_max3A_16 : vector<1xf32> to vector<1x1xf32>
    %reduce_max3A_18 = vector.extract %reduce_max3A_17[0, 0] : f32 from vector<1x1xf32>
    %add3A = arith.addf %reduce_max3A_11, %reduce_max3A_18 : f32
    %ge3A = arith.constant 0.000000e+00 : f32
    %ge3A_19 = arith.cmpf oge, %add3A, %ge3A : f32
    %mul3A = arith.constant 0.00999999977 : f32
    %mul3A_20 = arith.mulf %mul3A, %add3A : f32
    %select_n3A = arith.select %ge3A_19, %add3A, %mul3A_20 : f32
    %broadcast_in_dim3A = vector.broadcast %select_n3A : f32 to vector<8x128xf32>
    %swap3A_21 = arith.constant 0 : index
    %swap3A_22 = arith.constant 0 : index
    %swap3A_23 = vector.load %arg3[%swap3A_21, %swap3A_22] : memref<8x128xf32, #tpu.memory_space<vmem>>, vector<8x128xf32>
    tpu.vector_store %arg3[%swap3A_21, %swap3A_22], %broadcast_in_dim3A {strides = array<i32>} : memref<8x128xf32, #tpu.memory_space<vmem>>, vector<8x128xf32>,
    return
  }
}

module attributes {stable_mosaic.version = 14 : i64} {
  func.func @_div_body(%arg0: i32, %arg1: memref<2x1000x128xf32, #tpu.memory_space<vmem>>, %arg2: memref<1000x2xf32, #tpu.memory_space<vmem>>, %arg3: memref<1000x128xf32, #tpu.memory_space<vmem>>) attributes {dimension_semantics = [#tpu.dimension_semantics<arbitrary>], iteration_bounds = array<i64: 10>, scalar_prefetch = 0 : i64, scratch_operands = 0 : i64, tpu.core_type = #tpu.core_type<tc>, window_params = [{transform_indices = @transform_0, window_bounds = array<i64: 2, 1000, 128>}, {transform_indices = @transform_1, window_bounds = array<i64: 1000, 2>}, {transform_indices = @transform_2, window_bounds = array<i64: 1000, 128>}]} {
    %get3A = arith.constant 0 : index
    %get3A_0 = arith.constant 0 : index
    %get3A_1 = arith.constant 0 : index
    %get3A_2 = vector.load %arg1[%get3A, %get3A_0, %get3A_1] : memref<2x1000x128xf32, #tpu.memory_space<vmem>>, vector<1x1000x128xf32>
    %get3A_3 = vector.shape_cast %get3A_2 : vector<1x1000x128xf32> to vector<1000x128xf32>
    %get3A_4 = arith.constant 1 : index
    %get3A_5 = arith.constant 0 : index
    %get3A_6 = arith.constant 0 : index
    %get3A_7 = vector.load %arg1[%get3A_4, %get3A_5, %get3A_6] : memref<2x1000x128xf32, #tpu.memory_space<vmem>>, vector<1x1000x128xf32>
    %get3A_8 = vector.shape_cast %get3A_7 : vector<1x1000x128xf32> to vector<1000x128xf32>
    %add3A = arith.addf %get3A_3, %get3A_8 : vector<1000x128xf32>
    %get3A_9 = arith.constant 0 : index
    %get3A_10 = arith.constant 0 : index
    %get3A_11 = vector.load %arg2[%get3A_9, %get3A_10] : memref<1000x2xf32, #tpu.memory_space<vmem>>, vector<1000x2xf32>
    %slice3A = vector.extract_strided_slice %get3A_11 {offsets = [0, 0], sizes = [1000, 1], strides = [1, 1]} : vector<1000x2xf32> to vector<1000x1xf32>
    %slice3A_12 = vector.extract_strided_slice %get3A_11 {offsets = [0, 1], sizes = [1000, 1], strides = [1, 1]} : vector<1000x2xf32> to vector<1000x1xf32>
    %add3A_13 = arith.addf %slice3A, %slice3A_12 : vector<1000x1xf32>
    %gt3A = arith.constant 0.000000e+00 : f32
    %gt3A_14 = vector.broadcast %gt3A : f32 to vector<1000x1xf32>
    %gt3A_15 = arith.cmpf ogt, %add3A_13, %gt3A_14 : vector<1000x1xf32>
    %div3A = vector.broadcast %add3A_13 : vector<1000x1xf32> to vector<1000x128xf32>
    %div3A_16 = arith.divf %add3A, %div3A : vector<1000x128xf32>
    %jit3A = arith.constant 0.000000e+00 : f32
    %broadcast_in_dim3A = vector.shape_cast %gt3A_15 : vector<1000x1xi1> to vector<1000x1xi1>
    %broadcast_in_dim3A_17 = vector.broadcast %broadcast_in_dim3A : vector<1000x1xi1> to vector<1000x128xi1>
    %broadcast_in_dim3A_18 = vector.broadcast %jit3A : f32 to vector<1000x128xf32>
    %select_n3A = arith.select %broadcast_in_dim3A_17, %div3A_16, %broadcast_in_dim3A_18 : vector<1000x128xi1>, vector<1000x128xf32>
    %swap3A = arith.constant 0 : index
    %swap3A_19 = arith.constant 0 : index
    %swap3A_20 = vector.load %arg3[%swap3A, %swap3A_19] : memref<1000x128xf32, #tpu.memory_space<vmem>>, vector<1000x128xf32>
    tpu.vector_store %arg3[%swap3A, %swap3A_19], %select_n3A {strides = array<i32>} : memref<1000x128xf32, #tpu.memory_space<vmem>>, vector<1000x128xf32>,
    return
  }
  func.func @transform_0(%arg0: i32) -> (i32, i32, i32) {
    %c0_i32 = arith.constant 0 : i32
    %c0_i32_0 = arith.constant 0 : i32
    %c0_i32_1 = arith.constant 0 : i32
    return %c0_i32, %arg0, %c0_i32_0 : i32, i32, i32
  }
  func.func @transform_1(%arg0: i32) -> (i32, i32) {
    %c0_i32 = arith.constant 0 : i32
    %c0_i32_0 = arith.constant 0 : i32
    return %arg0, %c0_i32 : i32, i32
  }
  func.func @transform_2(%arg0: i32) -> (i32, i32) {
    %c0_i32 = arith.constant 0 : i32
    %c0_i32_0 = arith.constant 0 : i32
    return %arg0, %c0_i32 : i32, i32
  }
}

</mosaic_0001>

<sc_bundles>
// kernel: kernel.5.cloned.1.call-start
scs
__scs_entry_jumppad:
0x0: {  	(pc) =	sbr.rel $0x88, $3  }
0x1: {  	(tag) =	ssettag $0x0;
	lr =	simm.s32 $0x1  }
0x2: {  	[smem:$0x3F9E] =	sst lr;
	_ =	strace $0xD0000000  }
0x3: {  	_ = 	snop  }
0x4: {  	_ = 	snop  }
0x5: {  	_ = 	snop  }
0x6: {  	_ = 	snop  }
0x7: {  	_ = 	snop  }
__scs_overlays_trampoline_lowered:
0x8: {  	[smem:$0x3FAD] =	sst s0  }
0x9: {  	[smem:$0x3FAE] =	sst s1  }
0xa: {  	[smem:$0x3FAF] =	sst s2  }
0xb: {  	[smem:$0x3FB0] =	sst s3  }
0xc: {  	[smem:$0x3FB1] =	sst s4  }
0xd: {  	[smem:$0x3FB2] =	sst s5  }
0xe: {  	[smem:$0x3FB3] =	sst s6  }
0xf: {  	[smem:$0x3FB4] =	sst s7  }
0x10: {  	[smem:$0x3FB5] =	sst s8  }
0x11: {  	[smem:$0x3FB6] =	sst s9;
	s0 =	simm.s32 @!p0 $0x0  }
0x12: {  	s1 =	sld [smem:$0x3F9C];
	s0 =	simm.s32 @p0 $0x1  }
0x13: {  	[smem:$0x3FB7] =	sst s0;
	s0 =	simm.s32 @!p1 $0x0  }
0x14: {  	s2 =	sld [smem:$0x3F9B];
	s0 =	simm.s32 @p1 $0x1  }
0x15: {  	[smem:$0x3FB8] =	sst s0;
	s0 =	simm.s32 @!p2 $0x0  }
0x16: {  	s3 =	sld [smem:$0x3FDB];
	s0 =	simm.s32 @p2 $0x1  }
0x17: {  	s4 =	simm.s32 $0x1BF5;
	[smem:$0x3FBA] =	sst s0  }
0x18: {  	s0 =	sld [smem:$0x3F9D];
	_ =	swait.ge [sflag:s4], $0x0  }
0x19: {  	s7 =	sld [smem:$0x3F9E]  }
0x1a: {  	s8 =	sadd.s32 $0xFFFFE003, lr  }
0x1b: {  	s9 =	sadd.s32 $0xFFFFFEF7, lr;
	s5 =	simm.s32 $0xFFFFFFFF;
	p2 =	slt.u32 s8, $0xFFFFF086  }
0x1c: {  	p1 =	slt.u32 s9, $0xF7A;
	s5 =	simm.s32 @!p2 $0x0  }
0x1d: {  	s5 =	simm.s32 @p1 $0x1;
	p0 =	seq.s32 s7, s2  }
0x1e: {  	s7 =	smul.u32 @!p0 $0xF7A, s2;
	p2 =	seq.s32 @!p0 s5, $0x0  }
0x1f: {  	s9 =	smul.u32 $0xF7A, s1;
	s8 =	simm.s32 @!p0 $0x1BF5;
	p2 =	por !p2, p0  }
0x20: {  	[sflag:s8] =	ssyncset.s32 @!p0 $0xFFFFF086;
	s6 =	sadd.s32 @!p0 s3, s7;
	s7 =	simm.s32 @!p0 $0x108  }
0x21: {  	s3 =	sadd.s32 s3, s9;
	s6 =	sadd.s32 @!p0 $0x88, s6;
	s7 =	simm.s32 @p2 $0x1082  }
0x22: {  	[simem:s7], [sflag:s8] =	dma.local @!p0 [hbm:s6], $0xF7A  }
0x23: {  	s9 =	sor.u32 $0xD0000000, s2;
	s6 =	simm.s32 $0x108;
	_ =	swait.ge @!p0 [sflag:s8], $0x0  }
0x24: {  	s3 =	sadd.s32 $0x88, s3;
	s6 =	simm.s32 @!p1 $0x1082;
	[sflag:s4] =	ssyncset.s32 $0xFFFFF086  }
0x25: {  	[simem:s6], [sflag:s4] =	dma.local [hbm:s3], $0xF7A  }
0x26: {  	[smem:$0x3F9E] =	sst s1;
	(tag) =	ssettag s2;
	_ =	strace s9  }
0x27: {  	s1 =	sld [smem:$0x3FAE]  }
0x28: {  	s2 =	sld [smem:$0x3FAF]  }
0x29: {  	s4 =	sld [smem:$0x3FB1]  }
0x2a: {  	p0 =	seq.s32 s5, $0x0;
	s5 =	sld [smem:$0x3FB2]  }
0x2b: {  	s6 =	sld [smem:$0x3FB3]  }
0x2c: {  	s7 =	sld [smem:$0x3FB4]  }
0x2d: {  	s3 =	simm.s32 $0x108;
	s8 =	sld [smem:$0x3FB5]  }
0x2e: {  	s3 =	simm.s32 @!p0 $0x1082;
	s9 =	sld [smem:$0x3FB6]  }
0x2f: {  	lr =	sadd.s32 s0, s3;
	s0 =	sld [smem:$0x3FAD]  }
0x30: {  	s3 =	sld [smem:$0x3FB0]  }
0x31: {  	[smem:$0x3FB9] =	sst s10  }
0x32: {  	s10 =	sld [smem:$0x3FB7];
	_ =	sdelay $0x3  }
0x33: {  	p0 =	seq.s32 s10, $0x1;
	s10 =	sld [smem:$0x3FB9];
	_ =	sdelay $0x3  }
0x34: {  	[smem:$0x3FB9] =	sst s10  }
0x35: {  	s10 =	sld [smem:$0x3FB8];
	_ =	sdelay $0x3  }
0x36: {  	p1 =	seq.s32 s10, $0x1;
	s10 =	sld [smem:$0x3FB9];
	_ =	sdelay $0x3  }
0x37: {  	[smem:$0x3FB9] =	sst s10  }
0x38: {  	s10 =	sld [smem:$0x3FBA]  }
0x39: {  	_ = 	snop;
	(pc) =	sbr.ind lr, $3  }
0x3a: {  	_ = 	snop  }
0x3b: {  	_ = 	snop  }
0x3c: {  	p2 =	seq.s32 s10, $0x1;
	s10 =	sld [smem:$0x3FB9]  }
0x3d: {  	_ =	shalt  }
0x3e: {  	_ =	shalt  }
0x3f: {  	_ =	shalt  }
0x40: {  	_ =	shalt  }
0x41: {  	_ =	shalt  }
0x42: {  	_ =	shalt  }
0x43: {  	_ =	shalt  }
0x44: {  	_ =	shalt  }
0x45: {  	_ =	shalt  }
0x46: {  	_ =	shalt  }
0x47: {  	_ =	shalt  }
0x48: {  	_ =	shalt  }
0x49: {  	_ =	shalt  }
0x4a: {  	_ =	shalt  }
0x4b: {  	_ =	shalt  }
0x4c: {  	_ =	shalt  }
0x4d: {  	_ =	shalt  }
0x4e: {  	_ =	shalt  }
0x4f: {  	_ =	shalt  }
0x50: {  	_ =	shalt  }
0x51: {  	_ =	shalt  }
0x52: {  	_ =	shalt  }
0x53: {  	_ =	shalt  }
0x54: {  	_ =	shalt  }
0x55: {  	_ =	shalt  }
0x56: {  	_ =	shalt  }
0x57: {  	_ =	shalt  }
0x58: {  	_ =	shalt  }
0x59: {  	_ =	shalt  }
0x5a: {  	_ =	shalt  }
0x5b: {  	_ =	shalt  }
0x5c: {  	_ =	shalt  }
0x5d: {  	_ =	shalt  }
0x5e: {  	_ =	shalt  }
0x5f: {  	_ =	shalt  }
0x60: {  	_ =	shalt  }
0x61: {  	_ =	shalt  }
0x62: {  	_ =	shalt  }
0x63: {  	_ =	shalt  }
0x64: {  	_ =	shalt  }
0x65: {  	_ =	shalt  }
0x66: {  	_ =	shalt  }
0x67: {  	_ =	shalt  }
0x68: {  	_ =	shalt  }
0x69: {  	_ =	shalt  }
0x6a: {  	_ =	shalt  }
0x6b: {  	_ =	shalt  }
0x6c: {  	_ =	shalt  }
0x6d: {  	_ =	shalt  }
0x6e: {  	_ =	shalt  }
0x6f: {  	_ =	shalt  }
0x70: {  	_ =	shalt  }
0x71: {  	_ =	shalt  }
0x72: {  	_ =	shalt  }
0x73: {  	_ =	shalt  }
0x74: {  	_ =	shalt  }
0x75: {  	_ =	shalt  }
0x76: {  	_ =	shalt  }
0x77: {  	_ =	shalt  }
0x78: {  	_ =	shalt  }
0x79: {  	_ =	shalt  }
0x7a: {  	_ =	shalt  }
0x7b: {  	_ =	shalt  }
0x7c: {  	_ =	shalt  }
0x7d: {  	_ =	shalt  }
0x7e: {  	_ =	shalt  }
0x7f: {  	_ =	shalt  }
0x80: {  	_ =	shalt  }
0x81: {  	_ =	shalt  }
0x82: {  	_ =	shalt  }
0x83: {  	_ =	shalt  }
0x84: {  	_ =	shalt  }
0x85: {  	_ =	shalt  }
0x86: {  	_ =	shalt  }
0x87: {  	_ =	shalt  }
.Lfunc_end0:
.L_simem_size_0:
called_computation_lowered:
.L_overlay_start_0:
0x88: {  	s2 =	sld [smem:$0x3FD9]  }
0x89: {  	s3 =	sld [smem:$0x3FFE];
	_ =	sdelay $0x1  }
0x8a: {  	s1 =	srdreg.scid  }
0x8b: {  	s0 =	sand.u32 $0x1, s1  }
0x8c: {  	s17 =	sshll.u32 s0, $0xA;
	s2 =	sadd.s32 s3, s2  }
0x8d: {  	s2 =	sadd.s32 s2, s17  }
0x8e: {  	[smem:$0x3FC5] =	sst s2  }
0x8f: {  	_ = 	snop  }
0x90: {  	s2 =	sld [smem:$0x3FC9]  }
0x91: {  	s18 =	sld [smem:$0x3FD0];
	(tm) =	ssettm $0x1  }
0x92: {  	s4 =	sld [smem:$0x3FFB];
	_ =	sdelay $0x3  }
0x93: {  	_ =	strace s4  }
0x94: {  	s4 =	sld [smem:$0x3FFC];
	_ =	sdelay $0x3  }
0x95: {  	_ =	strace s4  }
0x96: {  	s4 =	sld [smem:$0x3FFD];
	_ =	sdelay $0x3  }
0x97: {  	_ =	strace s4  }
0x98: {  	_ =	strace $0x8FFFFFFF  }
0x99: {  	s19 =	sld [smem:$0x3FDB];
	_ =	sdelay $0x1  }
0x9a: {  	s5 =	simm.s32 $_scs_section_size  }
0x9b: {  	s6 =	simm.s32 $_size__tile_overlayer_lowered;
	s7 =	simm.s32 $_tile_overlayer_lowered  }
0x9c: {  	s22 =	simm.s32 $0x1BFF;
	s21 =	sshll.u32 s7, $0x1;
	s4 =	sadd.s32 s5, s19  }
0x9d: {  	s8 =	simm.s32 $0x0;
	s20 =	sshll.u32 s6, $0x1;
	s6 =	sadd.s32 s21, s4  }
0x9e: {  	[timem:s8], [sflag:s22] =	dma.local [hbm:s6], s20  }
0x9f: {  	_ =	swait.ge [sflag:s22], s20  }
0xa0: {  	s5 =	ssub.s32 $0x0, s20;
	[sflag:s22] =	ssyncset.done $0x0  }
0xa1: {  	[sflag:s22] =	ssyncadd.s32 s5;
	_ =	sdelay $0x1  }
0xa2: {  	s23 =	simm.s32 $0x1B8B  }
0xa3: {  	_ =	swait.ge [sflag:s23], $0x1  }
0xa4: {  	[sflag:s23] =	ssyncset.done $0x0  }
0xa5: {  	s25 =	simm.s32 $0x1B8E;
	s24 =	sld [smem:$0x3FFE];
	[sflag:s23] =	ssyncadd.s32 $0xFFFFFFFF  }
0xa6: {  	s26 =	simm.s32 $execute0_lowered;
	[smem:$0x3FD2] =	sst s25  }
0xa7: {  	s6 =	sshll.u32 s26, $0x1;
	_ =	strace $0x80000046;
	[dreg:$0x1] =	wrdreg $0xFFFFFFFF  }
0xa8: {  	s28 =	simm.s32 $_size_execute0_lowered;
	s4 =	sadd.s32 s4, s6;
	[dreg:$0x0] =	wrdreg $0x0  }
0xa9: {  	s6 =	sshll.u32 s28, $0x1;
	[dreg:$0x2] =	wrdreg s4  }
0xaa: {  	[dreg:$0x3] =	wrdreg s6  }
0xab: {  	[dreg:$0x4] =	wrdreg $0xC0  }
0xac: {  	_ =	task [dreg:s8], $0x5FFFF  }
0xad: {  	[dreg:$0x1] =	wrdreg $0xFFFFFFFF  }
0xae: {  	[dreg:$0x0] =	wrdreg $0x60  }
0xaf: {  	[dreg:$0x2] =	wrdreg s2  }
0xb0: {  	[dreg:$0x3] =	wrdreg s24  }
0xb1: {  	[dreg:$0x4] =	wrdreg s18  }
0xb2: {  	[dreg:$0x5] =	wrdreg $0xBA000  }
0xb3: {  	[dreg:$0x6] =	wrdreg $0x1FA000  }
0xb4: {  	[dreg:$0x7] =	wrdreg $0x9  }
0xb5: {  	_ =	task.clear_ibuf [dreg:s8], $0x8FFFF;
	_ =	strace $0x90000046  }
0xb6: {  	s29 =	simm.s32 $0x9;
	_ =	strace $0x80000048  }
0xb7: {  	_ =	swait.ge [sflag:s29], $0x1  }
0xb8: {  	[sflag:s29] =	ssyncadd.s32 $0xFFFFFFFF  }
0xb9: {  	_ =	strace $0x90000048  }
0xba: {  	_ =	sfence  }
0xbb: {  	s30 =	sld [smem:$0x0];
	_ =	sdelay $0x2  }
0xbc: {  	s31 =	sshll.u32 s1, $0xD;
	s1 =	sshrl.u32 s1, $0x2  }
0xbd: {  	s3 =	sand.u32 $0x4000, s31;
	s1 =	sadd.s32 s1, s30  }
0xbe: {  	s0 =	sor.u32 s3, s0;
	s1 =	sshll.u32 s1, $0x11  }
0xbf: {  	s0 =	sor.u32 s1, s0  }
0xc0: {  	s0 =	sadd.s32 $0x8F2B, s0  }
0xc1: {  	[sflag:s0] =	ssyncadd.remote.s32 $0x1  }
0xc2: {  	_ =	sfence.sel $0xFFFF  }
0xc3: {  	[dreg:$0x0] =	wrdreg $0xFFFFFFFF;
	(pc) =	sbr.abs _section_cstart, $3  }
0xc4: {  	[dreg:$0x1] =	wrdreg $0xFFFFFFFF  }
0xc5: {  	_ =	task.clear_ibuf [dreg:s8], $0x2FFFF;
	_ =	strace $0x9FFFFFFF  }
0xc6: {  	(tm) =	ssettm $0x7FFFFFFF  }
0xc7: {  	_ =	shalt  }
tec
execute0_lowered:
.L_overlay_start_1:
0x0: {  	(tag) =	ssettag $0x1  }
0x1: {  	s29 =	stileid.u32;
	s0 =	srdreg.scid  }
0x2: {  	s3 =	simm.s32 $0x0;
	s1 =	smul.u32 $0x500, s29;
	s2 =	sand.u32 $0x1, s0  }
0x3: {  	s30 =	rddreg [dreg:$0x1];
	s0 =	smul.u32 $0x280, s29;
	s24 =	sshll.u32 s2, $0x7  }
0x4: {  	[smem:$0x7FF] =	sst s3;
	s4 =	ssub.s32 $0x2, s2;
	s18 =	sor.u32 s24, s1  }
0x5: {  	s25 =	sshrl.u32 s4, $0x1;
	s20 =	sshll.u32 s0, $0x7;
	s24 =	smul.u32 $0x140000, s2  }
0x6: {  	s1 =	ssub.s32 s4, s25;
	s3 =	sor.u32 $0x1000, s20;
	s4 =	sor.u32 $0x2000, s20  }
0x7: {  	s5 =	sor.u32 $0x3000, s20;
	s6 =	sadd.s32 $0x4000, s20;
	s7 =	sadd.s32 $0x5000, s20  }
0x8: {  	s8 =	sadd.s32 $0x6000, s20;
	s9 =	sadd.s32 $0x7000, s20;
	s10 =	sadd.s32 $0x8000, s20  }
0x9: {  	s11 =	sadd.s32 $0x9000, s20;
	s12 =	sadd.s32 $0xA000, s20;
	s13 =	sadd.s32 $0xB000, s20  }
0xa: {  	s14 =	sadd.s32 $0xC000, s20;
	s15 =	sadd.s32 $0xD000, s20;
	s25 =	smul.u32 $0x14000, s29  }
0xb: {  	s16 =	sadd.s32 $0xE000, s20;
	s17 =	sadd.s32 $0xF000, s20;
	s19 =	sadd.s32 $0x10000, s20  }
0xc: {  	s21 =	sadd.s32 $0x11000, s20;
	s22 =	sadd.s32 $0x12000, s20;
	s26 =	sadd.s32 s25, s24  }
0xd: {  	s23 =	sadd.s32 $0x13000, s20;
	s25 =	sadd.s32 $0xB600, s30;
	s20 =	sshrl.u32 s26, $0x3  }
0xe: {  	s26 =	sadd.s32 s24, s3;
	s20 =	sadd.s32 s25, s20  }
0xf: {  	[dreg:$0x6] =	wrdreg s20;
	s20 =	sshrl.u32 s26, $0x3  }
0x10: {  	s26 =	sadd.s32 s24, s4;
	s20 =	sadd.s32 s25, s20  }
0x11: {  	[dreg:$0x7] =	wrdreg s20;
	s20 =	sshrl.u32 s26, $0x3  }
0x12: {  	s26 =	sadd.s32 s24, s5;
	s20 =	sadd.s32 s25, s20  }
0x13: {  	[dreg:$0x8] =	wrdreg s20;
	s20 =	sshrl.u32 s26, $0x3  }
0x14: {  	s26 =	sadd.s32 s24, s6;
	s20 =	sadd.s32 s25, s20  }
0x15: {  	[dreg:$0x9] =	wrdreg s20;
	s20 =	sshrl.u32 s26, $0x3  }
0x16: {  	s26 =	sadd.s32 s24, s7;
	s20 =	sadd.s32 s25, s20  }
0x17: {  	[dreg:$0xa] =	wrdreg s20;
	s20 =	sshrl.u32 s26, $0x3  }
0x18: {  	s26 =	sadd.s32 s24, s8;
	s20 =	sadd.s32 s25, s20  }
0x19: {  	[dreg:$0xb] =	wrdreg s20;
	s20 =	sshrl.u32 s26, $0x3  }
0x1a: {  	s26 =	sadd.s32 s24, s9;
	s20 =	sadd.s32 s25, s20  }
0x1b: {  	[dreg:$0xc] =	wrdreg s20;
	s20 =	sshrl.u32 s26, $0x3  }
0x1c: {  	s26 =	sadd.s32 s24, s10;
	s20 =	sadd.s32 s25, s20  }
0x1d: {  	[dreg:$0xd] =	wrdreg s20;
	s20 =	sshrl.u32 s26, $0x3  }
0x1e: {  	s26 =	sadd.s32 s24, s11;
	s20 =	sadd.s32 s25, s20  }
0x1f: {  	[dreg:$0xe] =	wrdreg s20;
	s20 =	sshrl.u32 s26, $0x3  }
0x20: {  	s26 =	sadd.s32 s24, s12;
	s20 =	sadd.s32 s25, s20  }
0x21: {  	[dreg:$0xf] =	wrdreg s20;
	s20 =	sshrl.u32 s26, $0x3  }
0x22: {  	s26 =	sadd.s32 s24, s13;
	s20 =	sadd.s32 s25, s20  }
0x23: {  	[dreg:$0x10] =	wrdreg s20;
	s20 =	sshrl.u32 s26, $0x3  }
0x24: {  	s26 =	sadd.s32 s24, s14;
	s20 =	sadd.s32 s25, s20  }
0x25: {  	[dreg:$0x11] =	wrdreg s20;
	s20 =	sshrl.u32 s26, $0x3  }
0x26: {  	s26 =	sadd.s32 s24, s15;
	s20 =	sadd.s32 s25, s20  }
0x27: {  	[dreg:$0x12] =	wrdreg s20;
	s20 =	sshrl.u32 s26, $0x3  }
0x28: {  	s26 =	sadd.s32 s24, s16;
	s20 =	sadd.s32 s25, s20  }
0x29: {  	[dreg:$0x13] =	wrdreg s20;
	s20 =	sshrl.u32 s26, $0x3  }
0x2a: {  	s26 =	sadd.s32 s24, s17;
	s20 =	sadd.s32 s25, s20  }
0x2b: {  	[dreg:$0x14] =	wrdreg s20;
	s20 =	sshrl.u32 s26, $0x3  }
0x2c: {  	s26 =	sadd.s32 s24, s19;
	s20 =	sadd.s32 s25, s20  }
0x2d: {  	[dreg:$0x15] =	wrdreg s20;
	s20 =	sshrl.u32 s26, $0x3;
	s26 =	sadd.s32 s24, s21  }
0x2e: {  	s20 =	sadd.s32 s25, s20;
	s26 =	sshrl.u32 s26, $0x3  }
0x2f: {  	[dreg:$0x16] =	wrdreg s20;
	s26 =	sadd.s32 s25, s26  }
0x30: {  	[dreg:$0x17] =	wrdreg s26;
	s26 =	sadd.s32 s24, s22  }
0x31: {  	s20 =	rddreg [dreg:$0x0];
	s26 =	sshrl.u32 s26, $0x3  }
0x32: {  	s28 =	sadd.s32 s24, s23;
	s24 =	rddreg [dreg:$0x3];
	s26 =	sadd.s32 s25, s26  }
0x33: {  	s28 =	sshrl.u32 s28, $0x3;
	[dreg:$0x18] =	wrdreg s26  }
0x34: {  	s25 =	sadd.s32 s25, s28;
	s26 =	rddreg [dreg:$0x4]  }
0x35: {  	s18 =	sshrl.u32 s18, $0x3;
	s3 =	sadd.s32 s3, s24;
	[dreg:$0x19] =	wrdreg s25  }
0x36: {  	s4 =	sadd.s32 s4, s24;
	_ =	strace $0x80000047;
	[dreg:$0x1b] =	wrdreg s3  }
0x37: {  	s18 =	sadd.s32 s18, s30;
	s5 =	sadd.s32 s5, s24;
	[dreg:$0x1c] =	wrdreg s4  }
0x38: {  	s18 =	sadd.s32 $0xAC00, s18;
	[dreg:$0x1d] =	wrdreg s5  }
0x39: {  	s14 =	sadd.s32 s14, s24;
	[smem:$0x7F4] =	sst s18  }
0x3a: {  	s15 =	sadd.s32 s15, s24;
	[smem:$0x7F9] =	sst s14  }
0x3b: {  	s16 =	sadd.s32 s16, s24;
	[smem:$0x7FA] =	sst s15  }
0x3c: {  	s17 =	sadd.s32 s17, s24;
	[smem:$0x7FB] =	sst s16  }
0x3d: {  	s22 =	sadd.s32 s22, s24;
	[smem:$0x7FC] =	sst s17  }
0x3e: {  	s4 =	sadd.s32 s7, s24;
	[smem:$0x7FD] =	sst s22  }
0x3f: {  	s31 =	simm.s32 $0x10;
	s5 =	sadd.s32 s8, s24;
	[dreg:$0x1f] =	wrdreg s4  }
0x40: {  	s2 =	sshll.u32 s2, $0x4;
	s7 =	sadd.s32 s10, s24;
	[smem:$0x7EA] =	sst s5  }
0x41: {  	s2 =	sor.u32 s29, s2;
	s8 =	sadd.s32 s11, s24;
	[smem:$0x7EC] =	sst s7  }
0x42: {  	s28 =	simm.s32 $0xA780;
	s10 =	sadd.s32 s13, s24;
	[smem:$0x7ED] =	sst s8  }
0x43: {  	s25 =	smul.u32 $0x50000, s29;
	s11 =	sadd.s32 s19, s24;
	[smem:$0x7EF] =	sst s10  }
0x44: {  	s29 =	simm.s32 $0x3F80;
	s13 =	sadd.s32 s23, s24;
	[smem:$0x7F0] =	sst s11  }
0x45: {  	s0 =	sadd.s32 s0, s26;
	s19 =	smul.u32 $0x2710, s2;
	[smem:$0x7F2] =	sst s13  }
0x46: {  	s23 =	sadd.s32 $0xA600, s30;
	s18 =	simm.s32 $0xB780;
	[smem:$0x7F3] =	sst s0  }
0x47: {  	s3 =	simm.s32 $0x20;
	s25 =	sshrl.u32 s25, $0x2;
	[smem:$0x7F6] =	sst s23  }
0x48: {  	s23 =	simm.s32 $0x6780;
	s4 =	simm.s32 $0x7780;
	s25 =	sadd.s32 s25, s24  }
0x49: {  	s5 =	simm.s32 $0x30;
	[dreg:$0x1a] =	wrdreg s25;
	s25 =	sadd.s32 s6, s24  }
0x4a: {  	s7 =	simm.s32 $0xE;
	s6 =	sadd.s32 s9, s24;
	[dreg:$0x1e] =	wrdreg s25  }
0x4b: {  	s8 =	simm.s32 $0xF;
	s9 =	sadd.s32 s12, s24;
	[smem:$0x7EB] =	sst s6  }
0x4c: {  	s10 =	simm.s32 $0xA;
	s12 =	sadd.s32 s21, s24;
	[smem:$0x7EE] =	sst s9  }
0x4d: {  	s11 =	simm.s32 $0xB;
	s21 =	smax.u32 s1, $0x1;
	[smem:$0x7F1] =	sst s12  }
0x4e: {  	v0 =	vlaneseq.u32;
	s13 =	simm.s32 $0xD;
	s1 =	simm.s32 $0x0;
	[smem:$0x7F5] =	sst s21  }
0x4f: {  	v1 =	vimm.f32 $0.0e+00;
	v2 =	vor.u32 $0x10, v0;
	s25 =	sadd.s32 $0xA000, s30;
	s30 =	sadd.s32 $0x9E00, s30;
	s21 =	simm.s32 $0x11  }
0x50: {  	v3 =	vor.u32 $0x20, v0;
	v4 =	vor.u32 $0x30, v0;
	v5 =	vor.u32 $0x40, v0;
	s6 =	simm.s32 $0x7F80;
	s9 =	simm.s32 $0x9;
	[smem:$0x7F7] =	sst s25  }
0x51: {  	v6 =	vor.u32 $0x50, v0;
	v7 =	vor.u32 $0x60, v0;
	v8 =	vor.u32 $0x70, v0;
	s12 =	simm.s32 $0xC;
	[smem:$0x7F8] =	sst s30;
	s25 =	simm.s32 $0x1800  }
.LBB2_1:
0x52: {  	[smem:$0x7E9] =	sst s1;
	s1 =	simm.s32 $0x0;
	s2 =	simm.s32 $0x200  }
.LBB2_2:
0x53: {  	p0 =	sne.s32 s2, $0x3E00;
	[tilespmem:s1+$0xA7F0] =	vst v1  }
0x54: {  	[tilespmem:s1+$0xA780] =	vst v1  }
0x55: {  	[tilespmem:s1+$0xA790] =	vst v1  }
.Ltmp0:
0x56: {  	[tilespmem:s1+$0xA7A0] =	vst v1;
	(pc) =	sbr.rel @p0 .LBB2_2-.Ltmp0, $4  }
0x57: {  	[tilespmem:s1+$0xA7B0] =	vst v1  }
0x58: {  	[tilespmem:s1+$0xA7C0] =	vst v1  }
0x59: {  	[tilespmem:s1+$0xA7D0] =	vst v1  }
0x5a: {  	[tilespmem:s1+$0xA7E0] =	vst v1;
	s1 =	sshra.s32 s2, $0x2;
	s2 =	sadd.s32 $0x200, s2  }
0x5b: {  	[tilespmem:s1+$0xA7F0] =	vst v1  }
0x5c: {  	[tilespmem:s1+$0xA780] =	vst v1  }
0x5d: {  	[tilespmem:s1+$0xA790] =	vst v1  }
0x5e: {  	[tilespmem:s1+$0xA7A0] =	vst v1  }
0x5f: {  	[tilespmem:s1+$0xA7B0] =	vst v1  }
0x60: {  	[tilespmem:s1+$0xA7C0] =	vst v1  }
0x61: {  	[tilespmem:s1+$0xA7D0] =	vst v1  }
0x62: {  	[tilespmem:s1+$0xA7E0] =	vst v1  }
0x63: {  	[tilespmem:$0xB780] =	vst v1  }
0x64: {  	[tilespmem:$0xB790] =	vst v1  }
0x65: {  	[tilespmem:$0xB7A0] =	vst v1  }
0x66: {  	[tilespmem:$0xB7B0] =	vst v1  }
0x67: {  	[tilespmem:$0xB7C0] =	vst v1  }
0x68: {  	[tilespmem:$0xB7D0] =	vst v1  }
0x69: {  	[tilespmem:$0xB7E0] =	vst v1  }
0x6a: {  	[tilespmem:$0xB7F0] =	vst v1  }
0x6b: {  	[tilespmem:$0xB800] =	vst v1  }
0x6c: {  	[tilespmem:$0xB810] =	vst v1  }
0x6d: {  	[tilespmem:$0xB820] =	vst v1  }
0x6e: {  	[tilespmem:$0xB830] =	vst v1  }
0x6f: {  	[tilespmem:$0xB840] =	vst v1  }
0x70: {  	[tilespmem:$0xB850] =	vst v1  }
0x71: {  	[tilespmem:$0xB860] =	vst v1  }
0x72: {  	[tilespmem:$0xB870] =	vst v1  }
0x73: {  	[tilespmem:$0xB880] =	vst v1  }
0x74: {  	[tilespmem:$0xB890] =	vst v1  }
0x75: {  	[tilespmem:$0xB8A0] =	vst v1  }
0x76: {  	[tilespmem:$0xB8B0] =	vst v1  }
0x77: {  	[tilespmem:$0xB8C0] =	vst v1  }
0x78: {  	[tilespmem:$0xB8D0] =	vst v1  }
0x79: {  	[tilespmem:$0xB8E0] =	vst v1  }
0x7a: {  	[tilespmem:$0xB8F0] =	vst v1  }
0x7b: {  	[tilespmem:$0xB900] =	vst v1  }
0x7c: {  	[tilespmem:$0xB910] =	vst v1  }
0x7d: {  	[tilespmem:$0xB920] =	vst v1  }
0x7e: {  	[tilespmem:$0xB930] =	vst v1  }
0x7f: {  	[tilespmem:$0xB940] =	vst v1  }
0x80: {  	[tilespmem:$0xB950] =	vst v1  }
0x81: {  	[tilespmem:$0xB960] =	vst v1  }
0x82: {  	[tilespmem:$0xB970] =	vst v1  }
0x83: {  	[tilespmem:$0xB980] =	vst v1  }
0x84: {  	[tilespmem:$0xB990] =	vst v1  }
0x85: {  	[tilespmem:$0xB9A0] =	vst v1  }
0x86: {  	[tilespmem:$0xB9B0] =	vst v1  }
0x87: {  	[tilespmem:$0xB9C0] =	vst v1  }
0x88: {  	[tilespmem:$0xB9D0] =	vst v1  }
0x89: {  	[tilespmem:$0xB9E0] =	vst v1  }
0x8a: {  	s0 =	rddreg [dreg:$0x1a];
	[tilespmem:$0xB9F0] =	vst v1  }
0x8b: {  	[spmem:s0] =	stream.linear.scatter [tilespmem:s28], [sflag:$0x11], $0x1000, $0x38;
	[tilespmem:$0x1FC80] =	vst v63  }
0x8c: {  	_ =	swait.ge [sflag:s21], $0x1000  }
0x8d: {  	[sflag:s21] =	ssyncset.done $0x0  }
0x8e: {  	s30 =	rddreg [dreg:$0x1b];
	[sflag:s21] =	ssyncadd.s32 $0xFFFFF000  }
0x8f: {  	[spmem:s30] =	stream.linear.scatter [tilespmem:s28], [sflag:$0x11], $0x1000, $0x38;
	[tilespmem:$0x1FC80] =	vst v63  }
0x90: {  	_ =	swait.ge [sflag:s21], $0x1000  }
0x91: {  	[sflag:s21] =	ssyncset.done $0x0  }
0x92: {  	s1 =	rddreg [dreg:$0x1c];
	[sflag:s21] =	ssyncadd.s32 $0xFFFFF000  }
0x93: {  	[spmem:s1] =	stream.linear.scatter [tilespmem:s28], [sflag:$0x11], $0x1000, $0x38;
	[tilespmem:$0x1FC80] =	vst v63  }
0x94: {  	_ =	swait.ge [sflag:s21], $0x1000  }
0x95: {  	[sflag:s21] =	ssyncset.done $0x0  }
0x96: {  	s2 =	rddreg [dreg:$0x1d];
	[sflag:s21] =	ssyncadd.s32 $0xFFFFF000  }
0x97: {  	[spmem:s2] =	stream.linear.scatter [tilespmem:s28], [sflag:$0x11], $0x1000, $0x38;
	[tilespmem:$0x1FC80] =	vst v63  }
0x98: {  	_ =	swait.ge [sflag:s21], $0x1000  }
0x99: {  	[sflag:s21] =	ssyncset.done $0x0  }
0x9a: {  	s30 =	rddreg [dreg:$0x1e];
	[sflag:s21] =	ssyncadd.s32 $0xFFFFF000  }
0x9b: {  	[spmem:s30] =	stream.linear.scatter [tilespmem:s28], [sflag:$0x11], $0x1000, $0x38;
	[tilespmem:$0x1FC80] =	vst v63  }
0x9c: {  	_ =	swait.ge [sflag:s21], $0x1000  }
0x9d: {  	[sflag:s21] =	ssyncset.done $0x0  }
0x9e: {  	s1 =	rddreg [dreg:$0x1f];
	[sflag:s21] =	ssyncadd.s32 $0xFFFFF000  }
0x9f: {  	[spmem:s1] =	stream.linear.scatter [tilespmem:s28], [sflag:$0x11], $0x1000, $0x38;
	[tilespmem:$0x1FC80] =	vst v63  }
0xa0: {  	_ =	swait.ge [sflag:s21], $0x1000  }
0xa1: {  	s2 =	sld [smem:$0x7EA]  }
0xa2: {  	[sflag:s21] =	ssyncset.done $0x0  }
0xa3: {  	[sflag:s21] =	ssyncadd.s32 $0xFFFFF000  }
0xa4: {  	[spmem:s2] =	stream.linear.scatter [tilespmem:s28], [sflag:$0x11], $0x1000, $0x38;
	[tilespmem:$0x1FC80] =	vst v63  }
0xa5: {  	_ =	swait.ge [sflag:s21], $0x1000  }
0xa6: {  	s30 =	sld [smem:$0x7EB]  }
0xa7: {  	[sflag:s21] =	ssyncset.done $0x0  }
0xa8: {  	[sflag:s21] =	ssyncadd.s32 $0xFFFFF000  }
0xa9: {  	[spmem:s30] =	stream.linear.scatter [tilespmem:s28], [sflag:$0x11], $0x1000, $0x38;
	[tilespmem:$0x1FC80] =	vst v63  }
0xaa: {  	_ =	swait.ge [sflag:s21], $0x1000  }
0xab: {  	s1 =	sld [smem:$0x7EC]  }
0xac: {  	[sflag:s21] =	ssyncset.done $0x0  }
0xad: {  	[sflag:s21] =	ssyncadd.s32 $0xFFFFF000  }
0xae: {  	[spmem:s1] =	stream.linear.scatter [tilespmem:s28], [sflag:$0x11], $0x1000, $0x38;
	[tilespmem:$0x1FC80] =	vst v63  }
0xaf: {  	_ =	swait.ge [sflag:s21], $0x1000  }
0xb0: {  	s2 =	sld [smem:$0x7ED]  }
0xb1: {  	[sflag:s21] =	ssyncset.done $0x0  }
0xb2: {  	[sflag:s21] =	ssyncadd.s32 $0xFFFFF000  }
0xb3: {  	[spmem:s2] =	stream.linear.scatter [tilespmem:s28], [sflag:$0x11], $0x1000, $0x38;
	[tilespmem:$0x1FC80] =	vst v63  }
0xb4: {  	_ =	swait.ge [sflag:s21], $0x1000  }
0xb5: {  	s30 =	sld [smem:$0x7EE]  }
0xb6: {  	[sflag:s21] =	ssyncset.done $0x0  }
0xb7: {  	[sflag:s21] =	ssyncadd.s32 $0xFFFFF000  }
0xb8: {  	[spmem:s30] =	stream.linear.scatter [tilespmem:s28], [sflag:$0x11], $0x1000, $0x38;
	[tilespmem:$0x1FC80] =	vst v63  }
0xb9: {  	_ =	swait.ge [sflag:s21], $0x1000  }
0xba: {  	s1 =	sld [smem:$0x7EF]  }
0xbb: {  	[sflag:s21] =	ssyncset.done $0x0  }
0xbc: {  	[sflag:s21] =	ssyncadd.s32 $0xFFFFF000  }
0xbd: {  	[spmem:s1] =	stream.linear.scatter [tilespmem:s28], [sflag:$0x11], $0x1000, $0x38;
	[tilespmem:$0x1FC80] =	vst v63  }
0xbe: {  	_ =	swait.ge [sflag:s21], $0x1000  }
0xbf: {  	[sflag:s21] =	ssyncset.done $0x0  }
0xc0: {  	[sflag:s21] =	ssyncadd.s32 $0xFFFFF000  }
0xc1: {  	[spmem:s14] =	stream.linear.scatter [tilespmem:s28], [sflag:$0x11], $0x1000, $0x38;
	[tilespmem:$0x1FC80] =	vst v63  }
0xc2: {  	_ =	swait.ge [sflag:s21], $0x1000  }
0xc3: {  	[sflag:s21] =	ssyncset.done $0x0  }
0xc4: {  	[sflag:s21] =	ssyncadd.s32 $0xFFFFF000  }
0xc5: {  	[spmem:s15] =	stream.linear.scatter [tilespmem:s28], [sflag:$0x11], $0x1000, $0x38;
	[tilespmem:$0x1FC80] =	vst v63  }
0xc6: {  	_ =	swait.ge [sflag:s21], $0x1000  }
0xc7: {  	[sflag:s21] =	ssyncset.done $0x0  }
0xc8: {  	[sflag:s21] =	ssyncadd.s32 $0xFFFFF000  }
0xc9: {  	[spmem:s16] =	stream.linear.scatter [tilespmem:s28], [sflag:$0x11], $0x1000, $0x38;
	[tilespmem:$0x1FC80] =	vst v63  }
0xca: {  	_ =	swait.ge [sflag:s21], $0x1000  }
0xcb: {  	[sflag:s21] =	ssyncset.done $0x0  }
0xcc: {  	[sflag:s21] =	ssyncadd.s32 $0xFFFFF000  }
0xcd: {  	[spmem:s17] =	stream.linear.scatter [tilespmem:s28], [sflag:$0x11], $0x1000, $0x38;
	[tilespmem:$0x1FC80] =	vst v63  }
0xce: {  	_ =	swait.ge [sflag:s21], $0x1000  }
0xcf: {  	s2 =	sld [smem:$0x7F0]  }
0xd0: {  	[sflag:s21] =	ssyncset.done $0x0  }
0xd1: {  	[sflag:s21] =	ssyncadd.s32 $0xFFFFF000  }
0xd2: {  	[spmem:s2] =	stream.linear.scatter [tilespmem:s28], [sflag:$0x11], $0x1000, $0x38;
	[tilespmem:$0x1FC80] =	vst v63  }
0xd3: {  	_ =	swait.ge [sflag:s21], $0x1000  }
0xd4: {  	s14 =	sld [smem:$0x7F1]  }
0xd5: {  	[sflag:s21] =	ssyncset.done $0x0  }
0xd6: {  	[sflag:s21] =	ssyncadd.s32 $0xFFFFF000  }
0xd7: {  	[spmem:s14] =	stream.linear.scatter [tilespmem:s28], [sflag:$0x11], $0x1000, $0x38;
	[tilespmem:$0x1FC80] =	vst v63  }
0xd8: {  	_ =	swait.ge [sflag:s21], $0x1000  }
0xd9: {  	[sflag:s21] =	ssyncset.done $0x0  }
0xda: {  	[sflag:s21] =	ssyncadd.s32 $0xFFFFF000  }
0xdb: {  	[spmem:s22] =	stream.linear.scatter [tilespmem:s28], [sflag:$0x11], $0x1000, $0x38;
	[tilespmem:$0x1FC80] =	vst v63  }
0xdc: {  	_ =	swait.ge [sflag:s21], $0x1000  }
0xdd: {  	s15 =	sld [smem:$0x7F2]  }
0xde: {  	[sflag:s21] =	ssyncset.done $0x0  }
0xdf: {  	[sflag:s21] =	ssyncadd.s32 $0xFFFFF000  }
0xe0: {  	[spmem:s15] =	stream.linear.scatter [tilespmem:s28], [sflag:$0x11], $0x1000, $0x38;
	[tilespmem:$0x1FC80] =	vst v63  }
0xe1: {  	_ =	swait.ge [sflag:s21], $0x1000  }
0xe2: {  	s16 =	sld [smem:$0x7F3]  }
0xe3: {  	[sflag:s21] =	ssyncset.done $0x0  }
0xe4: {  	[sflag:s21] =	ssyncadd.s32 $0xFFFFF000  }
0xe5: {  	[spmem:s16] =	stream.linear.scatter [tilespmem:s18], [sflag:$0x11], $0x280, $0x38;
	[tilespmem:$0x1FC80] =	vst v63  }
0xe6: {  	_ =	swait.ge [sflag:s21], $0x280  }
0xe7: {  	s17 =	sld [smem:$0x7F6]  }
0xe8: {  	[sflag:s21] =	ssyncset.done $0x0  }
0xe9: {  	s15 =	simm.s32 $0x0;
	[sflag:s21] =	ssyncadd.s32 $0xFFFFFD80  }
0xea: {  	[tilespmem:s25], [sflag:$0x11] =	stream.linear.gather [hbm4b:s17+s15], $0x2780, $0x38;
	[tilespmem:$0x1FC80] =	vst v63  }
0xeb: {  	_ =	swait.ge [sflag:s21], $0x2780  }
0xec: {  	s18 =	sld [smem:$0x7F7]  }
0xed: {  	[sflag:s21] =	ssyncset.done $0x0  }
0xee: {  	[sflag:s21] =	ssyncadd.s32 $0xFFFFD880  }
0xef: {  	[tilespmem:s29], [sflag:$0x11] =	stream.linear.gather [hbm4b:s18+s15], $0x2780, $0x38;
	[tilespmem:$0x1FC80] =	vst v63  }
0xf0: {  	_ =	swait.ge [sflag:s21], $0x2780  }
0xf1: {  	s22 =	sld [smem:$0x7F8]  }
0xf2: {  	[sflag:s21] =	ssyncset.done $0x0  }
0xf3: {  	s30 =	simm.s32 $0x6700;
	[sflag:s21] =	ssyncadd.s32 $0xFFFFD880  }
0xf4: {  	[tilespmem:s30], [sflag:$0x11] =	stream.linear.gather [hbm4b:s22+s15], $0x80, $0x38;
	[tilespmem:$0x1FC80] =	vst v63  }
0xf5: {  	_ =	swait.ge [sflag:s21], $0x80  }
0xf6: {  	[sflag:s21] =	ssyncset.done $0x0  }
0xf7: {  	[sflag:s21] =	ssyncadd.s32 $0xFFFFFF80  }
0xf8: {  	[bflag:$0x0] =	sbarrier.arrive $0xFFFF  }
0xf9: {  	s16 =	simm.s32 $0x0;
	v9 =	vld [tilespmem:$0x6700]  }
.LBB2_4:
0xfa: {  	s0 =	smul.u32 $0x7D0, s16;
	_ =	sdelay $0x1  }
0xfb: {  	s0 =	sadd.s32 s19, s0  }
0xfc: {  	s1 =	rddreg [dreg:$0x1];
	s0 =	sshrl.u32 s0, $0x3  }
0xfd: {  	s1 =	sadd.s32 s1, s0  }
0xfe: {  	[tilespmem:s15], [sflag:$0x11] =	stream.linear.gather [hbm4b:s1+s15], $0x7D0, $0x38;
	[tilespmem:$0x1FC80] =	vst v63  }
0xff: {  	_ =	swait.ge [sflag:s21], $0x7D0  }
0x100: {  	[sflag:s21] =	ssyncset.done $0x0  }
0x101: {  	[sflag:s21] =	ssyncadd.s32 $0xFFFFF830  }
0x102: {  	s18 =	rddreg [dreg:$0x2]  }
0x103: {  	s22 =	simm.s32 $0x800;
	s0 =	sadd.s32 s18, s0  }
0x104: {  	[tilespmem:s22], [sflag:$0x11] =	stream.linear.gather [hbm4b:s0+s15], $0x7D0, $0x38;
	[tilespmem:$0x1FC80] =	vst v63  }
0x105: {  	_ =	swait.ge [sflag:s21], $0x7D0  }
0x106: {  	[sflag:s21] =	ssyncset.done $0x0  }
0x107: {  	[sflag:s21] =	ssyncadd.s32 $0xFFFFF830  }
0x108: {  	[tilespmem:s23], [sflag:$0x1] =	stream.indirect.gather [hbm4b:s20+s31], $0x80, s15, s31, $0xb8;
	[tilespmem:$0x1FC80] =	vst v63  }
0x109: {  	s30 =	simm.s32 $0x6F80  }
0x10a: {  	[tilespmem:s30], [sflag:$0x2] =	stream.indirect.gather [hbm4b:s20+s31], $0x80, s31, s31, $0xb8;
	[tilespmem:$0x1FC80] =	vst v63  }
0x10b: {  	_ = 	snop  }
0x10c: {  	[tilespmem:s4], [sflag:$0x3] =	stream.indirect.gather [hbm4b:s20+s31], $0x80, s3, s31, $0xb8;
	[tilespmem:$0x1FC80] =	vst v63  }
0x10d: {  	s1 =	simm.s32 $0x0  }
0x10e: {  	[tilespmem:s6], [sflag:$0x4] =	stream.indirect.gather [hbm4b:s20+s31], $0x80, s5, s31, $0xb8;
	[tilespmem:$0x1FC80] =	vst v63  }
0x10f: {  	v10 =	vld [tilespmem:s1+$0x800]  }
0x110: {  	v11 =	vld [tilespmem:s1+$0x0];
	_ =	sdelay $0x6  }
0x111: {  	v10 =	vld.idx.msk [tilespmem:v10+s29+$0x0], $0xffff  }
0x112: {  	v11 =	vld.idx.msk [tilespmem:v11+s25+$0x0], $0xffff;
	_ =	sdelay $0x4  }
0x113: {  	v10 =	vadd.f32 v10, v11;
	_ =	sdelay $0x1  }
0x114: {  	v11 =	vmul.f32 $9.999999770e-03, v10  }
0x115: {  	vm0 =	vge.f32 v10, $0.0e+00  }
0x116: {  	v10 =	vsel vm0, v10, v11  }
0x117: {  	v10 =	vsub.f32 v10, v9;
	_ =	sdelay $0x1  }
0x118: {  	v10 =	vmul.f32 $1.442695020e+00, v10;
	_ =	sdelay $0x1  }
0x119: {  	(erf) = vpow2.f32 v10;
	_ =	sdelay $0x1  }
0x11a: {  	s14 =	simm.s32 $0x10  }
0x11b: {  	s2 =	simm.s32 $0x80;
	v10 =	vld [tilespmem:s14+$0x800]  }
.LBB2_5:
0x11c: {  	p0 =	sne.s32 s2, $0x1F00;
	v11 =	vld [tilespmem:s14+$0x0];
	_ =	sdelay $0x4  }
0x11d: {  	v12 =	vpop (erf)  }
0x11e: {  	[tilespmem:s1+$0x1000] =	vst v12;
	s1 =	smov.u32 s14  }
0x11f: {  	v10 =	vld.idx.msk [tilespmem:v10+s29+$0x0], $0xffff  }
0x120: {  	v11 =	vld.idx.msk [tilespmem:v11+s25+$0x0], $0xffff;
	_ =	sdelay $0x5  }
0x121: {  	v10 =	vadd.f32 v10, v11;
	_ =	sdelay $0x1  }
0x122: {  	v11 =	vmul.f32 $9.999999770e-03, v10  }
0x123: {  	vm0 =	vge.f32 v10, $0.0e+00  }
0x124: {  	v10 =	vsel vm0, v10, v11  }
0x125: {  	v10 =	vsub.f32 v10, v9;
	_ =	sdelay $0x1  }
0x126: {  	v10 =	vmul.f32 $1.442695020e+00, v10  }
.Ltmp1:
0x127: {  	(pc) =	sbr.rel @p0 .LBB2_5-.Ltmp1, $3  }
0x128: {  	(erf) = vpow2.f32 v10;
	_ =	sdelay $0x1  }
0x129: {  	s14 =	sshra.s32 s2, $0x2  }
0x12a: {  	s2 =	sadd.s32 $0x40, s2;
	v10 =	vld [tilespmem:s14+$0x800]  }
0x12b: {  	_ = 	snop  }
0x12c: {  	v11 =	vld [tilespmem:s14+$0x0];
	_ =	sdelay $0x4  }
0x12d: {  	v12 =	vpop (erf)  }
0x12e: {  	[tilespmem:s1+$0x1000] =	vst v12  }
0x12f: {  	v10 =	vld.idx.msk [tilespmem:v10+s29+$0x0], $0xffff  }
0x130: {  	v11 =	vld.idx.msk [tilespmem:v11+s25+$0x0], $0xffff;
	_ =	sdelay $0x4  }
0x131: {  	v10 =	vadd.f32 v10, v11;
	_ =	sdelay $0x1  }
0x132: {  	v11 =	vmul.f32 $9.999999770e-03, v10  }
0x133: {  	vm0 =	vge.f32 v10, $0.0e+00  }
0x134: {  	v10 =	vsel vm0, v10, v11  }
0x135: {  	v10 =	vsub.f32 v10, v9;
	_ =	sdelay $0x1  }
0x136: {  	v10 =	vmul.f32 $1.442695020e+00, v10;
	_ =	sdelay $0x1  }
0x137: {  	(erf) = vpow2.f32 v10;
	_ =	sdelay $0x8  }
0x138: {  	v10 =	vpop (erf)  }
0x139: {  	s17 =	simm.s32 $0x0;
	s18 =	simm.s32 $0x0;
	[tilespmem:s14+$0x1000] =	vst v10  }
.LBB2_7:
0x13a: {  	p0 =	sgt.u32 s18, $0x78  }
0x13b: {  	s0 =	sadd.s32 $0x4, s18;
	p1 =	slt.u32 @!p0 s18, $0x4  }
0x13c: {  	s1 =	sand.u32 @!p0 $0x7, s0;
	p1 =	por p1, p0  }
0x13d: {  	s2 =	sadd.s32 @!p1 $0x9, s1  }
0x13e: {  	_ =	swait.ge @!p1 [sflag:s2], $0x800  }
0x13f: {  	[sflag:s2] =	ssyncset.done @!p1 $0x0  }
0x140: {  	[sflag:s2] =	ssyncadd.s32 @!p1 $0xFFFFF800  }
0x141: {  	s14 =	sand.u32 $0x7, s18;
	_ =	swait.ge @!p1 [sflag:s2], $0x10  }
0x142: {  	s0 =	sshll.u32 @!p0 s0, $0x4;
	s30 =	simm.s32 @!p0 $0x10;
	[sflag:s2] =	ssyncset.done @!p1 $0x0  }
0x143: {  	s22 =	sshll.u32 @!p0 s1, $0xB;
	s0 =	sand.u32 @!p0 $0x3FFFFFF0, s0;
	[sflag:s2] =	ssyncadd.s32 @!p1 $0xFFFFFFF0  }
0x144: {  	v10 =	vmov s17;
	s2 =	sadd.s32 @!p0 $0x6780, s22;
	s22 =	sadd.s32 @!p0 $0x1, s1;
	s1 =	sshll.u32 s14, $0xB  }
0x145: {  	v11 =	vshll.u32 v10, $0x7;
	[tilespmem:s2], [sflag:s22] =	stream.indirect.gather @!p0 [hbm4b:s20+s30], $0x80, s0, s30, $0xb8;
	v21 =	vmov s1;
	[tilespmem:$0x1FC80] =	vst v63  }
0x146: {  	s0 =	sadd.s32 $0x1, s14;
	s22 =	simm.s32 $0x1;
	v24 =	vadd.s32 v21, v11  }
0x147: {  	_ =	swait.ge [sflag:s0], $0x800;
	v12 =	vmov s22;
	v11 =	vor.u32 v0, v24  }
0x148: {  	[sflag:s0] =	ssyncset.done $0x0;
	v13 =	vshll.u32 v12, $0x7  }
0x149: {  	s2 =	sshll.u32 s18, $0x4;
	[sflag:s0] =	ssyncadd.s32 $0xFFFFF800;
	v25 =	vadd.s32 v21, v13  }
0x14a: {  	v22 =	vld [tilespmem:s2+$0x1000];
	v13 =	vor.u32 v0, v25;
	_ =	sdelay $0x1  }
0x14b: {  	v14 =	vld.idx.msk [tilespmem:v11+s23+$0x0], $0xffff;
	_ =	sdelay $0x2  }
0x14c: {  	v31 =	vperm.xlane v22, v10;
	v10 =	vor.u32 v2, v24;
	v15 =	vld.idx.msk [tilespmem:v13+s23+$0x0], $0xffff;
	_ =	sdelay $0x1  }
0x14d: {  	v14 =	vmul.f32 v14, v31  }
0x14e: {  	s22 =	simm.s32 $0x2;
	v17 =	vor.u32 v2, v25;
	v16 =	vperm.xlane v22, v12  }
0x14f: {  	v18 =	vmov s22;
	[tilespmem:v11+s23+$0x0] =	vst.idx.msk $0xffff, v14  }
0x150: {  	v11 =	vshll.u32 v18, $0x7;
	v15 =	vmul.f32 v15, v16;
	v14 =	vld.idx.msk [tilespmem:v10+s23+$0x0], $0xffff  }
0x151: {  	v12 =	vadd.s32 v21, v11  }
0x152: {  	v11 =	vor.u32 v0, v12;
	[tilespmem:v13+s23+$0x0] =	vst.idx.msk $0xffff, v15  }
0x153: {  	s22 =	simm.s32 $0x3;
	v13 =	vor.u32 v3, v24;
	v15 =	vld.idx.msk [tilespmem:v17+s23+$0x0], $0xffff  }
0x154: {  	v19 =	vmov s22  }
0x155: {  	v20 =	vmul.f32 v14, v31;
	v14 =	vshll.u32 v19, $0x7  }
0x156: {  	v23 =	vor.u32 v3, v25;
	v14 =	vadd.s32 v21, v14  }
0x157: {  	[tilespmem:v10+s23+$0x0] =	vst.idx.msk $0xffff, v20;
	v20 =	vld.idx.msk [tilespmem:v11+s23+$0x0], $0xffff;
	v26 =	vor.u32 v0, v14  }
0x158: {  	v15 =	vmul.f32 v15, v16;
	v27 =	vld.idx.msk [tilespmem:v13+s23+$0x0], $0xffff;
	_ =	sdelay $0x1  }
0x159: {  	v10 =	vperm.xlane v22, v18;
	v18 =	vor.u32 v2, v12;
	[tilespmem:v17+s23+$0x0] =	vst.idx.msk $0xffff, v15  }
0x15a: {  	v17 =	vor.u32 v4, v24;
	v28 =	vld.idx.msk [tilespmem:v23+s23+$0x0], $0xffff  }
0x15b: {  	s22 =	simm.s32 $0x4;
	v15 =	vmul.f32 v20, v10;
	v20 =	vld.idx.msk [tilespmem:v26+s23+$0x0], $0xffff  }
0x15c: {  	v29 =	vmov s22;
	v27 =	vmul.f32 v27, v31  }
0x15d: {  	v32 =	vor.u32 v4, v25;
	v30 =	vshll.u32 v29, $0x7;
	[tilespmem:v11+s23+$0x0] =	vst.idx.msk $0xffff, v15  }
0x15e: {  	v11 =	vperm.xlane v22, v19;
	v19 =	vor.u32 v2, v14;
	v33 =	vld.idx.msk [tilespmem:v18+s23+$0x0], $0xffff;
	[tilespmem:v13+s23+$0x0] =	vst.idx.msk $0xffff, v27  }
0x15f: {  	v15 =	vadd.s32 v21, v30;
	v27 =	vmul.f32 v28, v16;
	v13 =	vld.idx.msk [tilespmem:v17+s23+$0x0], $0xffff  }
0x160: {  	v28 =	vor.u32 v0, v15;
	v20 =	vmul.f32 v20, v11  }
0x161: {  	v30 =	vor.u32 v3, v12;
	[tilespmem:v23+s23+$0x0] =	vst.idx.msk $0xffff, v27  }
0x162: {  	v23 =	vld.idx.msk [tilespmem:v32+s23+$0x0], $0xffff;
	[tilespmem:v26+s23+$0x0] =	vst.idx.msk $0xffff, v20;
	v20 =	vor.u32 v5, v24  }
0x163: {  	s22 =	simm.s32 $0x5;
	v26 =	vmul.f32 v33, v10;
	v27 =	vld.idx.msk [tilespmem:v19+s23+$0x0], $0xffff  }
0x164: {  	v53 =	vmov s22;
	v13 =	vmul.f32 v13, v31  }
0x165: {  	v34 =	vor.u32 v5, v25;
	[tilespmem:v18+s23+$0x0] =	vst.idx.msk $0xffff, v26;
	v26 =	vld.idx.msk [tilespmem:v28+s23+$0x0], $0xffff;
	v18 =	vshll.u32 v53, $0x7  }
0x166: {  	v35 =	vor.u32 v3, v14;
	[tilespmem:v17+s23+$0x0] =	vst.idx.msk $0xffff, v13;
	v17 =	vld.idx.msk [tilespmem:v30+s23+$0x0], $0xffff;
	v18 =	vadd.s32 v21, v18  }
0x167: {  	v23 =	vmul.f32 v23, v16;
	v36 =	vld.idx.msk [tilespmem:v20+s23+$0x0], $0xffff;
	v37 =	vor.u32 v0, v18  }
0x168: {  	v13 =	vperm.xlane v22, v29;
	v29 =	vor.u32 v2, v15;
	v27 =	vmul.f32 v27, v11  }
0x169: {  	[tilespmem:v32+s23+$0x0] =	vst.idx.msk $0xffff, v23;
	v23 =	vor.u32 v4, v12  }
0x16a: {  	v26 =	vmul.f32 v26, v13;
	[tilespmem:v19+s23+$0x0] =	vst.idx.msk $0xffff, v27;
	v19 =	vld.idx.msk [tilespmem:v34+s23+$0x0], $0xffff;
	v27 =	vor.u32 v6, v24  }
0x16b: {  	s22 =	simm.s32 $0x6;
	v17 =	vmul.f32 v17, v10;
	v54 =	vld.idx.msk [tilespmem:v35+s23+$0x0], $0xffff  }
0x16c: {  	v55 =	vmov s22;
	[tilespmem:v28+s23+$0x0] =	vst.idx.msk $0xffff, v26;
	v26 =	vld.idx.msk [tilespmem:v37+s23+$0x0], $0xffff;
	v28 =	vmul.f32 v36, v31  }
0x16d: {  	v38 =	vshll.u32 v55, $0x7;
	[tilespmem:v30+s23+$0x0] =	vst.idx.msk $0xffff, v17;
	v30 =	vor.u32 v6, v25;
	v39 =	vld.idx.msk [tilespmem:v29+s23+$0x0], $0xffff  }
0x16e: {  	v56 =	vor.u32 v2, v18;
	[tilespmem:v20+s23+$0x0] =	vst.idx.msk $0xffff, v28;
	v28 =	vor.u32 v4, v14;
	v40 =	vld.idx.msk [tilespmem:v23+s23+$0x0], $0xffff  }
0x16f: {  	v17 =	vperm.xlane v22, v53;
	v20 =	vadd.s32 v21, v38;
	v19 =	vmul.f32 v19, v16;
	v57 =	vld.idx.msk [tilespmem:v27+s23+$0x0], $0xffff  }
0x170: {  	v41 =	vor.u32 v0, v20;
	v32 =	vmul.f32 v54, v11  }
0x171: {  	v26 =	vmul.f32 v26, v17;
	[tilespmem:v34+s23+$0x0] =	vst.idx.msk $0xffff, v19;
	v34 =	vor.u32 v3, v15  }
0x172: {  	v61 =	vor.u32 v7, v24;
	[tilespmem:v35+s23+$0x0] =	vst.idx.msk $0xffff, v32;
	v58 =	vld.idx.msk [tilespmem:v30+s23+$0x0], $0xffff;
	v19 =	vmul.f32 v39, v13  }
0x173: {  	[tilespmem:v37+s23+$0x0] =	vst.idx.msk $0xffff, v26;
	v26 =	vor.u32 v5, v12;
	v35 =	vld.idx.msk [tilespmem:v28+s23+$0x0], $0xffff;
	v59 =	vmul.f32 v40, v10  }
0x174: {  	v42 =	vor.u32 v7, v25;
	s22 =	simm.s32 $0x7;
	v60 =	vld.idx.msk [tilespmem:v56+s23+$0x0], $0xffff;
	[tilespmem:v29+s23+$0x0] =	vst.idx.msk $0xffff, v19;
	v29 =	vmul.f32 v57, v31  }
0x175: {  	v63 =	vmov s22;
	v43 =	vor.u32 v5, v14;
	v48 =	vor.u32 v4, v15;
	v62 =	vld.idx.msk [tilespmem:v41+s23+$0x0], $0xffff;
	[tilespmem:v23+s23+$0x0] =	vst.idx.msk $0xffff, v59  }
0x176: {  	v45 =	vor.u32 v3, v18;
	v23 =	vshll.u32 v63, $0x7;
	v44 =	vld.idx.msk [tilespmem:v34+s23+$0x0], $0xffff;
	[tilespmem:v27+s23+$0x0] =	vst.idx.msk $0xffff, v29  }
0x177: {  	v47 =	vor.u32 v2, v20;
	v23 =	vadd.s32 v21, v23;
	v32 =	vmul.f32 v58, v16;
	v52 =	vld.idx.msk [tilespmem:v61+s23+$0x0], $0xffff  }
0x178: {  	v19 =	vperm.xlane v22, v55;
	v46 =	vor.u32 v0, v23;
	v27 =	vld.idx.msk [tilespmem:v26+s23+$0x0], $0xffff;
	v29 =	vmul.f32 v35, v11  }
0x179: {  	s22 =	simm.s32 $0x8;
	v53 =	vmul.f32 v60, v17;
	[tilespmem:v30+s23+$0x0] =	vst.idx.msk $0xffff, v32;
	v30 =	vor.u32 v6, v12  }
0x17a: {  	v37 =	vmov s22;
	[tilespmem:v28+s23+$0x0] =	vst.idx.msk $0xffff, v29;
	v32 =	vld.idx.msk [tilespmem:v42+s23+$0x0], $0xffff;
	v28 =	vmul.f32 v62, v19;
	v29 =	vor.u32 v8, v24  }
0x17b: {  	v24 =	vshll.u32 v37, $0x7;
	[tilespmem:v56+s23+$0x0] =	vst.idx.msk $0xffff, v53;
	v54 =	vld.idx.msk [tilespmem:v43+s23+$0x0], $0xffff;
	v55 =	vmul.f32 v44, v13  }
0x17c: {  	v24 =	vadd.s32 v21, v24;
	v56 =	vld.idx.msk [tilespmem:v45+s23+$0x0], $0xffff;
	[tilespmem:v41+s23+$0x0] =	vst.idx.msk $0xffff, v28;
	v58 =	vmul.f32 v52, v31  }
0x17d: {  	v57 =	vld.idx.msk [tilespmem:v46+s23+$0x0], $0xffff;
	v39 =	vor.u32 v0, v24;
	v28 =	vmul.f32 v27, v10;
	[tilespmem:v34+s23+$0x0] =	vst.idx.msk $0xffff, v55  }
0x17e: {  	v27 =	vor.u32 v8, v25;
	v49 =	vld.idx.msk [tilespmem:v47+s23+$0x0], $0xffff;
	[tilespmem:v61+s23+$0x0] =	vst.idx.msk $0xffff, v58  }
0x17f: {  	[tilespmem:v26+s23+$0x0] =	vst.idx.msk $0xffff, v28;
	v28 =	vor.u32 v6, v14;
	v26 =	vld.idx.msk [tilespmem:v48+s23+$0x0], $0xffff;
	v32 =	vmul.f32 v32, v16  }
0x180: {  	v33 =	vor.u32 v4, v18;
	v25 =	vperm.xlane v22, v63;
	v51 =	vld.idx.msk [tilespmem:v29+s23+$0x0], $0xffff;
	v59 =	vmul.f32 v54, v11  }
0x181: {  	v38 =	vor.u32 v2, v23;
	v50 =	vld.idx.msk [tilespmem:v30+s23+$0x0], $0xffff;
	v60 =	vmul.f32 v56, v17;
	[tilespmem:v42+s23+$0x0] =	vst.idx.msk $0xffff, v32  }
0x182: {  	v36 =	vor.u32 v3, v20;
	v61 =	vmul.f32 v57, v25;
	v44 =	vld.idx.msk [tilespmem:v39+s23+$0x0], $0xffff;
	[tilespmem:v43+s23+$0x0] =	vst.idx.msk $0xffff, v59  }
0x183: {  	v35 =	vld.idx.msk [tilespmem:v27+s23+$0x0], $0xffff;
	v62 =	vmul.f32 v49, v19;
	[tilespmem:v45+s23+$0x0] =	vst.idx.msk $0xffff, v60  }
0x184: {  	[tilespmem:v46+s23+$0x0] =	vst.idx.msk $0xffff, v61;
	v34 =	vld.idx.msk [tilespmem:v28+s23+$0x0], $0xffff;
	v63 =	vmul.f32 v26, v13  }
0x185: {  	v32 =	vor.u32 v5, v15;
	v40 =	vld.idx.msk [tilespmem:v33+s23+$0x0], $0xffff;
	[tilespmem:v47+s23+$0x0] =	vst.idx.msk $0xffff, v62;
	v26 =	vor.u32 v7, v12  }
0x186: {  	s30 =	simm.s32 $0xA;
	s0 =	simm.s32 $0x9;
	s22 =	sadd.s32 $0x1000, s2;
	v43 =	vld.idx.msk [tilespmem:v38+s23+$0x0], $0xffff;
	v42 =	vmul.f32 v51, v31;
	v41 =	vmul.f32 v50, v10;
	[tilespmem:v48+s23+$0x0] =	vst.idx.msk $0xffff, v63  }
.LBB2_8:
0x187: {  	v45 =	vld.idx.msk [tilespmem:v36+s23+$0x0], $0xffff  }
0x188: {  	p0 =	slt.u32 s30, $0xE;
	v31 =	vmov s0;
	[tilespmem:v30+s23+$0x0] =	vst.idx.msk $0xffff, v41;
	v41 =	vor.u32 v7, v14;
	v46 =	vmovc v19;
	v19 =	vperm.xlane v22, v37  }
0x189: {  	v47 =	vor.u32 v5, v18;
	v37 =	vmul.f32 v35, v16;
	v30 =	vshll.u32 v31, $0x7;
	[tilespmem:v29+s23+$0x0] =	vst.idx.msk $0xffff, v42  }
0x18a: {  	v48 =	vor.u32 v3, v23;
	v29 =	vmul.f32 v34, v11;
	v42 =	vadd.s32 v21, v30;
	v35 =	vld.idx.msk [tilespmem:v32+s23+$0x0], $0xffff  }
0x18b: {  	v30 =	vmul.f32 v40, v17;
	v49 =	vor.u32 v0, v42;
	v34 =	vld.idx.msk [tilespmem:v26+s23+$0x0], $0xffff;
	[tilespmem:v27+s23+$0x0] =	vst.idx.msk $0xffff, v37  }
0x18c: {  	v50 =	vor.u32 v2, v24;
	v16 =	vmov v11;
	v27 =	vmul.f32 v43, v25;
	[tilespmem:v28+s23+$0x0] =	vst.idx.msk $0xffff, v29  }
0x18d: {  	v51 =	vor.u32 v4, v20;
	v11 =	vmov v17;
	v17 =	vmov v25;
	[tilespmem:v33+s23+$0x0] =	vst.idx.msk $0xffff, v30;
	v40 =	vld.idx.msk [tilespmem:v41+s23+$0x0], $0xffff  }
0x18e: {  	v25 =	vmul.f32 v44, v19;
	v30 =	vor.u32 v6, v15;
	[tilespmem:v38+s23+$0x0] =	vst.idx.msk $0xffff, v27;
	v43 =	vld.idx.msk [tilespmem:v47+s23+$0x0], $0xffff  }
0x18f: {  	v37 =	vmov s30;
	v29 =	vor.u32 v8, v12;
	v12 =	vmovc v15;
	v15 =	vmovc v20;
	v27 =	vmul.f32 v45, v46;
	v44 =	vld.idx.msk [tilespmem:v48+s23+$0x0], $0xffff  }
0x190: {  	v28 =	vshll.u32 v37, $0x7;
	v20 =	vmov v24;
	[tilespmem:v39+s23+$0x0] =	vst.idx.msk $0xffff, v25;
	v45 =	vld.idx.msk [tilespmem:v49+s23+$0x0], $0xffff;
	v25 =	vmul.f32 v35, v13  }
0x191: {  	v34 =	vmul.f32 v34, v10;
	v52 =	vld.idx.msk [tilespmem:v50+s23+$0x0], $0xffff;
	[tilespmem:v36+s23+$0x0] =	vst.idx.msk $0xffff, v27;
	v27 =	vor.u32 v8, v14  }
0x192: {  	v24 =	vadd.s32 v21, v28;
	v28 =	vor.u32 v6, v18;
	v53 =	vld.idx.msk [tilespmem:v51+s23+$0x0], $0xffff;
	[tilespmem:v32+s23+$0x0] =	vst.idx.msk $0xffff, v25  }
0x193: {  	v33 =	vor.u32 v4, v23;
	v54 =	vld.idx.msk [tilespmem:v30+s23+$0x0], $0xffff;
	[tilespmem:v26+s23+$0x0] =	vst.idx.msk $0xffff, v34;
	v34 =	vmul.f32 v40, v16  }
0x194: {  	v38 =	vor.u32 v2, v42;
	v25 =	vperm.xlane v22, v31;
	v26 =	vmul.f32 v43, v11;
	v31 =	vld.idx.msk [tilespmem:v29+s23+$0x0], $0xffff  }
0x195: {  	v39 =	vor.u32 v0, v24;
	v14 =	vmov v18;
	v32 =	vmul.f32 v44, v17;
	[tilespmem:v41+s23+$0x0] =	vst.idx.msk $0xffff, v34  }
.Ltmp2:
0x196: {  	v36 =	vor.u32 v3, v20;
	v40 =	vmul.f32 v45, v25;
	[tilespmem:v47+s23+$0x0] =	vst.idx.msk $0xffff, v26;
	v35 =	vld.idx.msk [tilespmem:v27+s23+$0x0], $0xffff;
	(pc) =	sbr.rel @p0 .LBB2_8-.Ltmp2, $4  }
0x197: {  	v18 =	vmov v23;
	v23 =	vmov v42;
	v26 =	vmul.f32 v52, v19;
	[tilespmem:v48+s23+$0x0] =	vst.idx.msk $0xffff, v32;
	v34 =	vld.idx.msk [tilespmem:v28+s23+$0x0], $0xffff  }
0x198: {  	v42 =	vmul.f32 v53, v46;
	v32 =	vor.u32 v5, v15;
	[tilespmem:v49+s23+$0x0] =	vst.idx.msk $0xffff, v40;
	v40 =	vld.idx.msk [tilespmem:v33+s23+$0x0], $0xffff  }
0x199: {  	v41 =	vmul.f32 v54, v13;
	[tilespmem:v50+s23+$0x0] =	vst.idx.msk $0xffff, v26;
	v43 =	vld.idx.msk [tilespmem:v38+s23+$0x0], $0xffff;
	v26 =	vor.u32 v7, v12  }
0x19a: {  	s0 =	sadd.s32 $0x1, s30;
	s30 =	sadd.s32 $0x2, s30;
	v44 =	vld.idx.msk [tilespmem:v39+s23+$0x0], $0xffff;
	[tilespmem:v51+s23+$0x0] =	vst.idx.msk $0xffff, v42;
	v42 =	vmul.f32 v31, v10;
	v10 =	vmov v13;
	v13 =	vmov v46  }
0x19b: {  	v45 =	vmov s0  }
0x19c: {  	v31 =	vshll.u32 v45, $0x7  }
0x19d: {  	v31 =	vadd.s32 v21, v31  }
0x19e: {  	v46 =	vor.u32 v0, v31;
	_ =	sdelay $0x4  }
0x19f: {  	v47 =	vld.idx.msk [tilespmem:v46+s23+$0x0], $0xffff;
	_ =	sdelay $0x1  }
0x1a0: {  	v61 =	vor.u32 v2, v24;
	v21 =	vperm.xlane v22, v37  }
0x1a1: {  	v22 =	vperm.xlane v22, v45;
	v62 =	vor.u32 v2, v31  }
0x1a2: {  	v44 =	vmul.f32 v44, v21  }
0x1a3: {  	v47 =	vmul.f32 v47, v22  }
0x1a4: {  	[tilespmem:v39+s23+$0x0] =	vst.idx.msk $0xffff, v44  }
0x1a5: {  	v39 =	vld.idx.msk [tilespmem:v61+s23+$0x0], $0xffff;
	[tilespmem:v46+s23+$0x0] =	vst.idx.msk $0xffff, v47  }
0x1a6: {  	v63 =	vld.idx.msk [tilespmem:v62+s23+$0x0], $0xffff  }
0x1a7: {  	v52 =	vor.u32 v3, v23  }
0x1a8: {  	v53 =	vor.u32 v3, v24  }
0x1a9: {  	v43 =	vmul.f32 v43, v25;
	v48 =	vor.u32 v3, v31  }
0x1aa: {  	v39 =	vmul.f32 v39, v21  }
0x1ab: {  	v49 =	vld.idx.msk [tilespmem:v36+s23+$0x0], $0xffff;
	[tilespmem:v38+s23+$0x0] =	vst.idx.msk $0xffff, v43;
	v54 =	vmul.f32 v63, v22  }
0x1ac: {  	v43 =	vld.idx.msk [tilespmem:v52+s23+$0x0], $0xffff;
	[tilespmem:v61+s23+$0x0] =	vst.idx.msk $0xffff, v39  }
0x1ad: {  	v37 =	vld.idx.msk [tilespmem:v53+s23+$0x0], $0xffff;
	[tilespmem:v62+s23+$0x0] =	vst.idx.msk $0xffff, v54  }
0x1ae: {  	v55 =	vor.u32 v4, v20;
	v56 =	vld.idx.msk [tilespmem:v48+s23+$0x0], $0xffff  }
0x1af: {  	v57 =	vor.u32 v4, v23  }
0x1b0: {  	v59 =	vor.u32 v4, v24;
	v58 =	vmul.f32 v49, v19  }
0x1b1: {  	v50 =	vor.u32 v4, v31;
	v43 =	vmul.f32 v43, v25  }
0x1b2: {  	[tilespmem:v36+s23+$0x0] =	vst.idx.msk $0xffff, v58;
	v60 =	vmul.f32 v37, v21  }
0x1b3: {  	[tilespmem:v52+s23+$0x0] =	vst.idx.msk $0xffff, v43;
	v61 =	vld.idx.msk [tilespmem:v55+s23+$0x0], $0xffff;
	v39 =	vmul.f32 v56, v22  }
0x1b4: {  	v43 =	vld.idx.msk [tilespmem:v57+s23+$0x0], $0xffff;
	[tilespmem:v53+s23+$0x0] =	vst.idx.msk $0xffff, v60  }
0x1b5: {  	v36 =	vor.u32 v5, v18;
	v62 =	vld.idx.msk [tilespmem:v59+s23+$0x0], $0xffff;
	[tilespmem:v48+s23+$0x0] =	vst.idx.msk $0xffff, v39  }
0x1b6: {  	v39 =	vor.u32 v5, v20;
	v63 =	vld.idx.msk [tilespmem:v50+s23+$0x0], $0xffff  }
0x1b7: {  	v40 =	vmul.f32 v40, v17;
	v47 =	vor.u32 v5, v23  }
0x1b8: {  	v37 =	vmul.f32 v61, v19;
	v48 =	vor.u32 v5, v24  }
0x1b9: {  	v51 =	vld.idx.msk [tilespmem:v32+s23+$0x0], $0xffff;
	[tilespmem:v33+s23+$0x0] =	vst.idx.msk $0xffff, v40;
	v52 =	vmul.f32 v43, v25;
	v43 =	vor.u32 v5, v31  }
0x1ba: {  	[tilespmem:v55+s23+$0x0] =	vst.idx.msk $0xffff, v37;
	v53 =	vld.idx.msk [tilespmem:v36+s23+$0x0], $0xffff;
	v54 =	vmul.f32 v62, v21  }
0x1bb: {  	[tilespmem:v57+s23+$0x0] =	vst.idx.msk $0xffff, v52;
	v55 =	vld.idx.msk [tilespmem:v39+s23+$0x0], $0xffff;
	v56 =	vmul.f32 v63, v22  }
0x1bc: {  	v38 =	vor.u32 v6, v15;
	v57 =	vld.idx.msk [tilespmem:v47+s23+$0x0], $0xffff;
	[tilespmem:v59+s23+$0x0] =	vst.idx.msk $0xffff, v54  }
0x1bd: {  	v44 =	vor.u32 v6, v18;
	v58 =	vld.idx.msk [tilespmem:v48+s23+$0x0], $0xffff;
	[tilespmem:v50+s23+$0x0] =	vst.idx.msk $0xffff, v56  }
0x1be: {  	[tilespmem:v30+s23+$0x0] =	vst.idx.msk $0xffff, v41;
	v33 =	vor.u32 v6, v20;
	v59 =	vmul.f32 v51, v13;
	v60 =	vld.idx.msk [tilespmem:v43+s23+$0x0], $0xffff  }
0x1bf: {  	[tilespmem:v29+s23+$0x0] =	vst.idx.msk $0xffff, v42;
	v37 =	vor.u32 v6, v23;
	v61 =	vmul.f32 v53, v17  }
0x1c0: {  	[tilespmem:v32+s23+$0x0] =	vst.idx.msk $0xffff, v59;
	v32 =	vor.u32 v6, v24;
	v62 =	vmul.f32 v55, v19  }
0x1c1: {  	v49 =	vmul.f32 v57, v25;
	[tilespmem:v36+s23+$0x0] =	vst.idx.msk $0xffff, v61;
	v63 =	vld.idx.msk [tilespmem:v38+s23+$0x0], $0xffff;
	v50 =	vor.u32 v6, v31  }
0x1c2: {  	v51 =	vld.idx.msk [tilespmem:v44+s23+$0x0], $0xffff;
	v52 =	vmul.f32 v58, v21;
	[tilespmem:v39+s23+$0x0] =	vst.idx.msk $0xffff, v62  }
0x1c3: {  	v53 =	vor.u32 v7, v14;
	[tilespmem:v47+s23+$0x0] =	vst.idx.msk $0xffff, v49;
	v54 =	vld.idx.msk [tilespmem:v33+s23+$0x0], $0xffff;
	v41 =	vmul.f32 v60, v22  }
0x1c4: {  	v16 =	vmul.f32 v35, v16;
	v35 =	vor.u32 v7, v15;
	v55 =	vld.idx.msk [tilespmem:v37+s23+$0x0], $0xffff;
	[tilespmem:v48+s23+$0x0] =	vst.idx.msk $0xffff, v52  }
0x1c5: {  	v34 =	vmul.f32 v34, v11;
	v39 =	vor.u32 v7, v18;
	v56 =	vld.idx.msk [tilespmem:v32+s23+$0x0], $0xffff;
	[tilespmem:v43+s23+$0x0] =	vst.idx.msk $0xffff, v41  }
0x1c6: {  	[tilespmem:v27+s23+$0x0] =	vst.idx.msk $0xffff, v16;
	v27 =	vor.u32 v7, v20;
	v57 =	vmul.f32 v63, v13;
	v58 =	vld.idx.msk [tilespmem:v50+s23+$0x0], $0xffff  }
0x1c7: {  	v30 =	vor.u32 v7, v23;
	[tilespmem:v28+s23+$0x0] =	vst.idx.msk $0xffff, v34;
	v59 =	vld.idx.msk [tilespmem:v26+s23+$0x0], $0xffff;
	v60 =	vmul.f32 v51, v17  }
0x1c8: {  	v36 =	vor.u32 v7, v24;
	v34 =	vld.idx.msk [tilespmem:v53+s23+$0x0], $0xffff;
	[tilespmem:v38+s23+$0x0] =	vst.idx.msk $0xffff, v57;
	v61 =	vmul.f32 v54, v19  }
0x1c9: {  	v38 =	vld.idx.msk [tilespmem:v35+s23+$0x0], $0xffff;
	v62 =	vmul.f32 v55, v25;
	[tilespmem:v44+s23+$0x0] =	vst.idx.msk $0xffff, v60;
	v43 =	vor.u32 v7, v31  }
0x1ca: {  	v12 =	vor.u32 v8, v12;
	v44 =	vld.idx.msk [tilespmem:v39+s23+$0x0], $0xffff;
	v63 =	vmul.f32 v56, v21;
	[tilespmem:v33+s23+$0x0] =	vst.idx.msk $0xffff, v61  }
0x1cb: {  	v14 =	vor.u32 v8, v14;
	[tilespmem:v37+s23+$0x0] =	vst.idx.msk $0xffff, v62;
	v33 =	vld.idx.msk [tilespmem:v27+s23+$0x0], $0xffff;
	v45 =	vmul.f32 v58, v22  }
0x1cc: {  	v47 =	vor.u32 v8, v15;
	v46 =	vmul.f32 v59, v10;
	v37 =	vld.idx.msk [tilespmem:v30+s23+$0x0], $0xffff;
	[tilespmem:v32+s23+$0x0] =	vst.idx.msk $0xffff, v63  }
0x1cd: {  	v49 =	vor.u32 v8, v18;
	v48 =	vmul.f32 v34, v11;
	v32 =	vld.idx.msk [tilespmem:v36+s23+$0x0], $0xffff;
	[tilespmem:v50+s23+$0x0] =	vst.idx.msk $0xffff, v45  }
0x1ce: {  	[tilespmem:v26+s23+$0x0] =	vst.idx.msk $0xffff, v46;
	v51 =	vor.u32 v8, v20;
	v50 =	vmul.f32 v38, v13;
	v28 =	vld.idx.msk [tilespmem:v43+s23+$0x0], $0xffff  }
0x1cf: {  	v29 =	vld.idx.msk [tilespmem:v12+s23+$0x0], $0xffff;
	[tilespmem:v53+s23+$0x0] =	vst.idx.msk $0xffff, v48;
	v53 =	vor.u32 v8, v23;
	v52 =	vmul.f32 v44, v17  }
0x1d0: {  	v54 =	vld.idx.msk [tilespmem:v14+s23+$0x0], $0xffff;
	v56 =	vor.u32 v8, v24;
	[tilespmem:v35+s23+$0x0] =	vst.idx.msk $0xffff, v50;
	v55 =	vmul.f32 v33, v19  }
0x1d1: {  	v31 =	vor.u32 v8, v31;
	v58 =	vmul.f32 v37, v25;
	[tilespmem:v39+s23+$0x0] =	vst.idx.msk $0xffff, v52;
	v57 =	vld.idx.msk [tilespmem:v47+s23+$0x0], $0xffff  }
0x1d2: {  	v59 =	vld.idx.msk [tilespmem:v49+s23+$0x0], $0xffff;
	v60 =	vmul.f32 v32, v21;
	[tilespmem:v27+s23+$0x0] =	vst.idx.msk $0xffff, v55  }
0x1d3: {  	[tilespmem:v30+s23+$0x0] =	vst.idx.msk $0xffff, v58;
	v27 =	vld.idx.msk [tilespmem:v51+s23+$0x0], $0xffff;
	v61 =	vmul.f32 v28, v22  }
0x1d4: {  	v10 =	vmul.f32 v29, v10;
	v62 =	vld.idx.msk [tilespmem:v53+s23+$0x0], $0xffff;
	[tilespmem:v36+s23+$0x0] =	vst.idx.msk $0xffff, v60  }
0x1d5: {  	v11 =	vmul.f32 v54, v11;
	v26 =	vld.idx.msk [tilespmem:v56+s23+$0x0], $0xffff;
	[tilespmem:v43+s23+$0x0] =	vst.idx.msk $0xffff, v61  }
0x1d6: {  	[tilespmem:v12+s23+$0x0] =	vst.idx.msk $0xffff, v10;
	v10 =	vmul.f32 v57, v13;
	v63 =	vld.idx.msk [tilespmem:v31+s23+$0x0], $0xffff  }
0x1d7: {  	[tilespmem:v14+s23+$0x0] =	vst.idx.msk $0xffff, v11;
	v11 =	vmul.f32 v59, v17  }
0x1d8: {  	[tilespmem:v47+s23+$0x0] =	vst.idx.msk $0xffff, v10;
	v10 =	vmul.f32 v27, v19  }
0x1d9: {  	[tilespmem:v49+s23+$0x0] =	vst.idx.msk $0xffff, v11;
	v11 =	vmul.f32 v62, v25  }
0x1da: {  	s18 =	sadd.s32 $0x1, s18;
	[tilespmem:v51+s23+$0x0] =	vst.idx.msk $0xffff, v10;
	v10 =	vmul.f32 v26, v21  }
0x1db: {  	p0 =	sne.s32 s18, $0x7D;
	[tilespmem:v53+s23+$0x0] =	vst.idx.msk $0xffff, v11;
	v11 =	vmul.f32 v63, v22  }
.Ltmp3:
0x1dc: {  	[tilespmem:v56+s23+$0x0] =	vst.idx.msk $0xffff, v10;
	(pc) =	sbr.rel @p0 .LBB2_7-.Ltmp3, $4  }
0x1dd: {  	s1 =	sadd.s32 $0x6780, s1;
	s2 =	sadd.s32 $0x800, s2;
	s30 =	sadd.s32 $0x9, s14;
	[tilespmem:v31+s23+$0x0] =	vst.idx.msk $0xffff, v11  }
0x1de: {  	[spmem:s24] =	stream.indirect.scatter.add.f32 [tilespmem:s1], [sflag:s30], $0x80, s2, s31, $0xb8;
	[tilespmem:$0x1FC80] =	vst v63  }
0x1df: {  	_ = 	snop  }
0x1e0: {  	[spmem:s26] =	stream.indirect.scatter.add.f32 [tilespmem:s22], [sflag:s30], $0x1, s2, s31, $0xb8;
	[tilespmem:$0x1FC80] =	vst v63  }
0x1e1: {  	_ =	swait.ge [sflag:s7], $0x800  }
0x1e2: {  	[sflag:s7] =	ssyncset.done $0x0  }
0x1e3: {  	[sflag:s7] =	ssyncadd.s32 $0xFFFFF800  }
0x1e4: {  	_ =	swait.ge [sflag:s7], $0x10  }
0x1e5: {  	[sflag:s7] =	ssyncset.done $0x0  }
0x1e6: {  	[sflag:s7] =	ssyncadd.s32 $0xFFFFFFF0  }
0x1e7: {  	_ =	swait.ge [sflag:s8], $0x800  }
0x1e8: {  	[sflag:s8] =	ssyncset.done $0x0  }
0x1e9: {  	[sflag:s8] =	ssyncadd.s32 $0xFFFFF800  }
0x1ea: {  	_ =	swait.ge [sflag:s8], $0x10  }
0x1eb: {  	[sflag:s8] =	ssyncset.done $0x0  }
0x1ec: {  	[sflag:s8] =	ssyncadd.s32 $0xFFFFFFF0  }
0x1ed: {  	_ =	swait.ge [sflag:s31], $0x800  }
0x1ee: {  	[sflag:s31] =	ssyncset.done $0x0  }
0x1ef: {  	[sflag:s31] =	ssyncadd.s32 $0xFFFFF800  }
0x1f0: {  	_ =	swait.ge [sflag:s31], $0x10  }
0x1f1: {  	[sflag:s31] =	ssyncset.done $0x0  }
0x1f2: {  	[sflag:s31] =	ssyncadd.s32 $0xFFFFFFF0  }
0x1f3: {  	_ =	swait.ge [sflag:s9], $0x800  }
0x1f4: {  	[sflag:s9] =	ssyncset.done $0x0  }
0x1f5: {  	[sflag:s9] =	ssyncadd.s32 $0xFFFFF800  }
0x1f6: {  	_ =	swait.ge [sflag:s9], $0x10  }
0x1f7: {  	[sflag:s9] =	ssyncset.done $0x0  }
0x1f8: {  	[sflag:s9] =	ssyncadd.s32 $0xFFFFFFF0  }
0x1f9: {  	_ =	swait.ge [sflag:s10], $0x800  }
0x1fa: {  	[sflag:s10] =	ssyncset.done $0x0  }
0x1fb: {  	[sflag:s10] =	ssyncadd.s32 $0xFFFFF800  }
0x1fc: {  	_ =	swait.ge [sflag:s10], $0x10  }
0x1fd: {  	[sflag:s10] =	ssyncset.done $0x0  }
0x1fe: {  	[sflag:s10] =	ssyncadd.s32 $0xFFFFFFF0  }
0x1ff: {  	_ =	swait.ge [sflag:s11], $0x800  }
0x200: {  	[sflag:s11] =	ssyncset.done $0x0  }
0x201: {  	[sflag:s11] =	ssyncadd.s32 $0xFFFFF800  }
0x202: {  	_ =	swait.ge [sflag:s11], $0x10  }
0x203: {  	[sflag:s11] =	ssyncset.done $0x0  }
0x204: {  	[sflag:s11] =	ssyncadd.s32 $0xFFFFFFF0  }
0x205: {  	_ =	swait.ge [sflag:s12], $0x800  }
0x206: {  	[sflag:s12] =	ssyncset.done $0x0  }
0x207: {  	[sflag:s12] =	ssyncadd.s32 $0xFFFFF800  }
0x208: {  	_ =	swait.ge [sflag:s12], $0x10  }
0x209: {  	[sflag:s12] =	ssyncset.done $0x0  }
0x20a: {  	s16 =	sadd.s32 $0x1, s16;
	[sflag:s12] =	ssyncadd.s32 $0xFFFFFFF0  }
0x20b: {  	p0 =	sne.s32 s16, $0x5;
	_ =	swait.ge [sflag:s13], $0x800  }
.Ltmp4:
0x20c: {  	[sflag:s13] =	ssyncset.done $0x0;
	(pc) =	sbr.rel @p0 .LBB2_4-.Ltmp4, $4  }
0x20d: {  	[sflag:s13] =	ssyncadd.s32 $0xFFFFF800  }
0x20e: {  	_ =	swait.ge [sflag:s13], $0x10  }
0x20f: {  	[sflag:s13] =	ssyncset.done $0x0  }
0x210: {  	[sflag:s13] =	ssyncadd.s32 $0xFFFFFFF0  }
0x211: {  	[bflag:$0x0] =	sbarrier.arrive $0xFFFF  }
0x212: {  	s0 =	rddreg [dreg:$0x1a]  }
0x213: {  	[tilespmem:s28], [sflag:$0x11] =	stream.linear.gather [spmem:s0], $0x1000, $0x38;
	[tilespmem:$0x1FC80] =	vst v63  }
0x214: {  	_ =	swait.ge [sflag:s21], $0x1000  }
0x215: {  	[sflag:s21] =	ssyncset.done $0x0  }
0x216: {  	s0 =	simm.s32 $0x0;
	s1 =	rddreg [dreg:$0x6];
	[sflag:s21] =	ssyncadd.s32 $0xFFFFF000  }
0x217: {  	[hbm4b:s1+s0] =	stream.linear.scatter [tilespmem:s28], [sflag:$0x11], $0x1000, $0x38;
	[tilespmem:$0x1FC80] =	vst v63  }
0x218: {  	_ =	swait.ge [sflag:s21], $0x1000  }
0x219: {  	[sflag:s21] =	ssyncset.done $0x0  }
0x21a: {  	s18 =	rddreg [dreg:$0x1b];
	[sflag:s21] =	ssyncadd.s32 $0xFFFFF000  }
0x21b: {  	[tilespmem:s28], [sflag:$0x11] =	stream.linear.gather [spmem:s18], $0x1000, $0x38;
	[tilespmem:$0x1FC80] =	vst v63  }
0x21c: {  	_ =	swait.ge [sflag:s21], $0x1000  }
0x21d: {  	[sflag:s21] =	ssyncset.done $0x0  }
0x21e: {  	s22 =	rddreg [dreg:$0x7];
	[sflag:s21] =	ssyncadd.s32 $0xFFFFF000  }
0x21f: {  	[hbm4b:s22+s0] =	stream.linear.scatter [tilespmem:s28], [sflag:$0x11], $0x1000, $0x38;
	[tilespmem:$0x1FC80] =	vst v63  }
0x220: {  	_ =	swait.ge [sflag:s21], $0x1000  }
0x221: {  	[sflag:s21] =	ssyncset.done $0x0  }
0x222: {  	s30 =	rddreg [dreg:$0x1c];
	[sflag:s21] =	ssyncadd.s32 $0xFFFFF000  }
0x223: {  	[tilespmem:s28], [sflag:$0x11] =	stream.linear.gather [spmem:s30], $0x1000, $0x38;
	[tilespmem:$0x1FC80] =	vst v63  }
0x224: {  	_ =	swait.ge [sflag:s21], $0x1000  }
0x225: {  	[sflag:s21] =	ssyncset.done $0x0  }
0x226: {  	s2 =	rddreg [dreg:$0x8];
	[sflag:s21] =	ssyncadd.s32 $0xFFFFF000  }
0x227: {  	[hbm4b:s2+s0] =	stream.linear.scatter [tilespmem:s28], [sflag:$0x11], $0x1000, $0x38;
	[tilespmem:$0x1FC80] =	vst v63  }
0x228: {  	_ =	swait.ge [sflag:s21], $0x1000  }
0x229: {  	[sflag:s21] =	ssyncset.done $0x0  }
0x22a: {  	s14 =	rddreg [dreg:$0x1d];
	[sflag:s21] =	ssyncadd.s32 $0xFFFFF000  }
0x22b: {  	[tilespmem:s28], [sflag:$0x11] =	stream.linear.gather [spmem:s14], $0x1000, $0x38;
	[tilespmem:$0x1FC80] =	vst v63  }
0x22c: {  	_ =	swait.ge [sflag:s21], $0x1000  }
0x22d: {  	[sflag:s21] =	ssyncset.done $0x0  }
0x22e: {  	s15 =	rddreg [dreg:$0x9];
	[sflag:s21] =	ssyncadd.s32 $0xFFFFF000  }
0x22f: {  	[hbm4b:s15+s0] =	stream.linear.scatter [tilespmem:s28], [sflag:$0x11], $0x1000, $0x38;
	[tilespmem:$0x1FC80] =	vst v63  }
0x230: {  	_ =	swait.ge [sflag:s21], $0x1000  }
0x231: {  	[sflag:s21] =	ssyncset.done $0x0  }
0x232: {  	s16 =	rddreg [dreg:$0x1e];
	[sflag:s21] =	ssyncadd.s32 $0xFFFFF000  }
0x233: {  	[tilespmem:s28], [sflag:$0x11] =	stream.linear.gather [spmem:s16], $0x1000, $0x38;
	[tilespmem:$0x1FC80] =	vst v63  }
0x234: {  	_ =	swait.ge [sflag:s21], $0x1000  }
0x235: {  	[sflag:s21] =	ssyncset.done $0x0  }
0x236: {  	s17 =	rddreg [dreg:$0xa];
	[sflag:s21] =	ssyncadd.s32 $0xFFFFF000  }
0x237: {  	[hbm4b:s17+s0] =	stream.linear.scatter [tilespmem:s28], [sflag:$0x11], $0x1000, $0x38;
	[tilespmem:$0x1FC80] =	vst v63  }
0x238: {  	_ =	swait.ge [sflag:s21], $0x1000  }
0x239: {  	[sflag:s21] =	ssyncset.done $0x0  }
0x23a: {  	s18 =	rddreg [dreg:$0x1f];
	[sflag:s21] =	ssyncadd.s32 $0xFFFFF000  }
0x23b: {  	[tilespmem:s28], [sflag:$0x11] =	stream.linear.gather [spmem:s18], $0x1000, $0x38;
	[tilespmem:$0x1FC80] =	vst v63  }
0x23c: {  	_ =	swait.ge [sflag:s21], $0x1000  }
0x23d: {  	[sflag:s21] =	ssyncset.done $0x0  }
0x23e: {  	s22 =	rddreg [dreg:$0xb];
	[sflag:s21] =	ssyncadd.s32 $0xFFFFF000  }
0x23f: {  	[hbm4b:s22+s0] =	stream.linear.scatter [tilespmem:s28], [sflag:$0x11], $0x1000, $0x38;
	[tilespmem:$0x1FC80] =	vst v63  }
0x240: {  	_ =	swait.ge [sflag:s21], $0x1000  }
0x241: {  	s30 =	sld [smem:$0x7EA]  }
0x242: {  	[sflag:s21] =	ssyncset.done $0x0  }
0x243: {  	[sflag:s21] =	ssyncadd.s32 $0xFFFFF000  }
0x244: {  	[tilespmem:s28], [sflag:$0x11] =	stream.linear.gather [spmem:s30], $0x1000, $0x38;
	[tilespmem:$0x1FC80] =	vst v63  }
0x245: {  	_ =	swait.ge [sflag:s21], $0x1000  }
0x246: {  	[sflag:s21] =	ssyncset.done $0x0  }
0x247: {  	s2 =	rddreg [dreg:$0xc];
	[sflag:s21] =	ssyncadd.s32 $0xFFFFF000  }
0x248: {  	[hbm4b:s2+s0] =	stream.linear.scatter [tilespmem:s28], [sflag:$0x11], $0x1000, $0x38;
	[tilespmem:$0x1FC80] =	vst v63  }
0x249: {  	_ =	swait.ge [sflag:s21], $0x1000  }
0x24a: {  	s14 =	sld [smem:$0x7EB]  }
0x24b: {  	[sflag:s21] =	ssyncset.done $0x0  }
0x24c: {  	[sflag:s21] =	ssyncadd.s32 $0xFFFFF000  }
0x24d: {  	[tilespmem:s28], [sflag:$0x11] =	stream.linear.gather [spmem:s14], $0x1000, $0x38;
	[tilespmem:$0x1FC80] =	vst v63  }
0x24e: {  	_ =	swait.ge [sflag:s21], $0x1000  }
0x24f: {  	[sflag:s21] =	ssyncset.done $0x0  }
0x250: {  	s15 =	rddreg [dreg:$0xd];
	[sflag:s21] =	ssyncadd.s32 $0xFFFFF000  }
0x251: {  	[hbm4b:s15+s0] =	stream.linear.scatter [tilespmem:s28], [sflag:$0x11], $0x1000, $0x38;
	[tilespmem:$0x1FC80] =	vst v63  }
0x252: {  	_ =	swait.ge [sflag:s21], $0x1000  }
0x253: {  	s16 =	sld [smem:$0x7EC]  }
0x254: {  	[sflag:s21] =	ssyncset.done $0x0  }
0x255: {  	[sflag:s21] =	ssyncadd.s32 $0xFFFFF000  }
0x256: {  	[tilespmem:s28], [sflag:$0x11] =	stream.linear.gather [spmem:s16], $0x1000, $0x38;
	[tilespmem:$0x1FC80] =	vst v63  }
0x257: {  	_ =	swait.ge [sflag:s21], $0x1000  }
0x258: {  	[sflag:s21] =	ssyncset.done $0x0  }
0x259: {  	s17 =	rddreg [dreg:$0xe];
	[sflag:s21] =	ssyncadd.s32 $0xFFFFF000  }
0x25a: {  	[hbm4b:s17+s0] =	stream.linear.scatter [tilespmem:s28], [sflag:$0x11], $0x1000, $0x38;
	[tilespmem:$0x1FC80] =	vst v63  }
0x25b: {  	_ =	swait.ge [sflag:s21], $0x1000  }
0x25c: {  	s18 =	sld [smem:$0x7ED]  }
0x25d: {  	[sflag:s21] =	ssyncset.done $0x0  }
0x25e: {  	[sflag:s21] =	ssyncadd.s32 $0xFFFFF000  }
0x25f: {  	[tilespmem:s28], [sflag:$0x11] =	stream.linear.gather [spmem:s18], $0x1000, $0x38;
	[tilespmem:$0x1FC80] =	vst v63  }
0x260: {  	_ =	swait.ge [sflag:s21], $0x1000  }
0x261: {  	[sflag:s21] =	ssyncset.done $0x0  }
0x262: {  	s22 =	rddreg [dreg:$0xf];
	[sflag:s21] =	ssyncadd.s32 $0xFFFFF000  }
0x263: {  	[hbm4b:s22+s0] =	stream.linear.scatter [tilespmem:s28], [sflag:$0x11], $0x1000, $0x38;
	[tilespmem:$0x1FC80] =	vst v63  }
0x264: {  	_ =	swait.ge [sflag:s21], $0x1000  }
0x265: {  	s30 =	sld [smem:$0x7EE]  }
0x266: {  	[sflag:s21] =	ssyncset.done $0x0  }
0x267: {  	[sflag:s21] =	ssyncadd.s32 $0xFFFFF000  }
0x268: {  	[tilespmem:s28], [sflag:$0x11] =	stream.linear.gather [spmem:s30], $0x1000, $0x38;
	[tilespmem:$0x1FC80] =	vst v63  }
0x269: {  	_ =	swait.ge [sflag:s21], $0x1000  }
0x26a: {  	[sflag:s21] =	ssyncset.done $0x0  }
0x26b: {  	s2 =	rddreg [dreg:$0x10];
	[sflag:s21] =	ssyncadd.s32 $0xFFFFF000  }
0x26c: {  	[hbm4b:s2+s0] =	stream.linear.scatter [tilespmem:s28], [sflag:$0x11], $0x1000, $0x38;
	[tilespmem:$0x1FC80] =	vst v63  }
0x26d: {  	_ =	swait.ge [sflag:s21], $0x1000  }
0x26e: {  	s14 =	sld [smem:$0x7EF]  }
0x26f: {  	[sflag:s21] =	ssyncset.done $0x0  }
0x270: {  	[sflag:s21] =	ssyncadd.s32 $0xFFFFF000  }
0x271: {  	[tilespmem:s28], [sflag:$0x11] =	stream.linear.gather [spmem:s14], $0x1000, $0x38;
	[tilespmem:$0x1FC80] =	vst v63  }
0x272: {  	_ =	swait.ge [sflag:s21], $0x1000  }
0x273: {  	[sflag:s21] =	ssyncset.done $0x0  }
0x274: {  	s15 =	rddreg [dreg:$0x11];
	[sflag:s21] =	ssyncadd.s32 $0xFFFFF000  }
0x275: {  	[hbm4b:s15+s0] =	stream.linear.scatter [tilespmem:s28], [sflag:$0x11], $0x1000, $0x38;
	[tilespmem:$0x1FC80] =	vst v63  }
0x276: {  	_ =	swait.ge [sflag:s21], $0x1000  }
0x277: {  	s14 =	sld [smem:$0x7F9]  }
0x278: {  	[sflag:s21] =	ssyncset.done $0x0  }
0x279: {  	[sflag:s21] =	ssyncadd.s32 $0xFFFFF000  }
0x27a: {  	[tilespmem:s28], [sflag:$0x11] =	stream.linear.gather [spmem:s14], $0x1000, $0x38;
	[tilespmem:$0x1FC80] =	vst v63  }
0x27b: {  	_ =	swait.ge [sflag:s21], $0x1000  }
0x27c: {  	[sflag:s21] =	ssyncset.done $0x0  }
0x27d: {  	s16 =	rddreg [dreg:$0x12];
	[sflag:s21] =	ssyncadd.s32 $0xFFFFF000  }
0x27e: {  	[hbm4b:s16+s0] =	stream.linear.scatter [tilespmem:s28], [sflag:$0x11], $0x1000, $0x38;
	[tilespmem:$0x1FC80] =	vst v63  }
0x27f: {  	_ =	swait.ge [sflag:s21], $0x1000  }
0x280: {  	s15 =	sld [smem:$0x7FA]  }
0x281: {  	[sflag:s21] =	ssyncset.done $0x0  }
0x282: {  	[sflag:s21] =	ssyncadd.s32 $0xFFFFF000  }
0x283: {  	[tilespmem:s28], [sflag:$0x11] =	stream.linear.gather [spmem:s15], $0x1000, $0x38;
	[tilespmem:$0x1FC80] =	vst v63  }
0x284: {  	_ =	swait.ge [sflag:s21], $0x1000  }
0x285: {  	[sflag:s21] =	ssyncset.done $0x0  }
0x286: {  	s17 =	rddreg [dreg:$0x13];
	[sflag:s21] =	ssyncadd.s32 $0xFFFFF000  }
0x287: {  	[hbm4b:s17+s0] =	stream.linear.scatter [tilespmem:s28], [sflag:$0x11], $0x1000, $0x38;
	[tilespmem:$0x1FC80] =	vst v63  }
0x288: {  	_ =	swait.ge [sflag:s21], $0x1000  }
0x289: {  	s16 =	sld [smem:$0x7FB]  }
0x28a: {  	[sflag:s21] =	ssyncset.done $0x0  }
0x28b: {  	[sflag:s21] =	ssyncadd.s32 $0xFFFFF000  }
0x28c: {  	[tilespmem:s28], [sflag:$0x11] =	stream.linear.gather [spmem:s16], $0x1000, $0x38;
	[tilespmem:$0x1FC80] =	vst v63  }
0x28d: {  	_ =	swait.ge [sflag:s21], $0x1000  }
0x28e: {  	[sflag:s21] =	ssyncset.done $0x0  }
0x28f: {  	s18 =	rddreg [dreg:$0x14];
	[sflag:s21] =	ssyncadd.s32 $0xFFFFF000  }
0x290: {  	[hbm4b:s18+s0] =	stream.linear.scatter [tilespmem:s28], [sflag:$0x11], $0x1000, $0x38;
	[tilespmem:$0x1FC80] =	vst v63  }
0x291: {  	_ =	swait.ge [sflag:s21], $0x1000  }
0x292: {  	s17 =	sld [smem:$0x7FC]  }
0x293: {  	[sflag:s21] =	ssyncset.done $0x0  }
0x294: {  	[sflag:s21] =	ssyncadd.s32 $0xFFFFF000  }
0x295: {  	[tilespmem:s28], [sflag:$0x11] =	stream.linear.gather [spmem:s17], $0x1000, $0x38;
	[tilespmem:$0x1FC80] =	vst v63  }
0x296: {  	_ =	swait.ge [sflag:s21], $0x1000  }
0x297: {  	[sflag:s21] =	ssyncset.done $0x0  }
0x298: {  	s22 =	rddreg [dreg:$0x15];
	[sflag:s21] =	ssyncadd.s32 $0xFFFFF000  }
0x299: {  	[hbm4b:s22+s0] =	stream.linear.scatter [tilespmem:s28], [sflag:$0x11], $0x1000, $0x38;
	[tilespmem:$0x1FC80] =	vst v63  }
0x29a: {  	_ =	swait.ge [sflag:s21], $0x1000  }
0x29b: {  	s30 =	sld [smem:$0x7F0]  }
0x29c: {  	[sflag:s21] =	ssyncset.done $0x0  }
0x29d: {  	[sflag:s21] =	ssyncadd.s32 $0xFFFFF000  }
0x29e: {  	[tilespmem:s28], [sflag:$0x11] =	stream.linear.gather [spmem:s30], $0x1000, $0x38;
	[tilespmem:$0x1FC80] =	vst v63  }
0x29f: {  	_ =	swait.ge [sflag:s21], $0x1000  }
0x2a0: {  	[sflag:s21] =	ssyncset.done $0x0  }
0x2a1: {  	s2 =	rddreg [dreg:$0x16];
	[sflag:s21] =	ssyncadd.s32 $0xFFFFF000  }
0x2a2: {  	[hbm4b:s2+s0] =	stream.linear.scatter [tilespmem:s28], [sflag:$0x11], $0x1000, $0x38;
	[tilespmem:$0x1FC80] =	vst v63  }
0x2a3: {  	_ =	swait.ge [sflag:s21], $0x1000  }
0x2a4: {  	s18 =	sld [smem:$0x7F1]  }
0x2a5: {  	[sflag:s21] =	ssyncset.done $0x0  }
0x2a6: {  	[sflag:s21] =	ssyncadd.s32 $0xFFFFF000  }
0x2a7: {  	[tilespmem:s28], [sflag:$0x11] =	stream.linear.gather [spmem:s18], $0x1000, $0x38;
	[tilespmem:$0x1FC80] =	vst v63  }
0x2a8: {  	_ =	swait.ge [sflag:s21], $0x1000  }
0x2a9: {  	[sflag:s21] =	ssyncset.done $0x0  }
0x2aa: {  	s22 =	rddreg [dreg:$0x17];
	[sflag:s21] =	ssyncadd.s32 $0xFFFFF000  }
0x2ab: {  	[hbm4b:s22+s0] =	stream.linear.scatter [tilespmem:s28], [sflag:$0x11], $0x1000, $0x38;
	[tilespmem:$0x1FC80] =	vst v63  }
0x2ac: {  	_ =	swait.ge [sflag:s21], $0x1000  }
0x2ad: {  	s22 =	sld [smem:$0x7FD]  }
0x2ae: {  	[sflag:s21] =	ssyncset.done $0x0  }
0x2af: {  	[sflag:s21] =	ssyncadd.s32 $0xFFFFF000  }
0x2b0: {  	[tilespmem:s28], [sflag:$0x11] =	stream.linear.gather [spmem:s22], $0x1000, $0x38;
	[tilespmem:$0x1FC80] =	vst v63  }
0x2b1: {  	_ =	swait.ge [sflag:s21], $0x1000  }
0x2b2: {  	[sflag:s21] =	ssyncset.done $0x0  }
0x2b3: {  	s30 =	rddreg [dreg:$0x18];
	[sflag:s21] =	ssyncadd.s32 $0xFFFFF000  }
0x2b4: {  	[hbm4b:s30+s0] =	stream.linear.scatter [tilespmem:s28], [sflag:$0x11], $0x1000, $0x38;
	[tilespmem:$0x1FC80] =	vst v63  }
0x2b5: {  	_ =	swait.ge [sflag:s21], $0x1000  }
0x2b6: {  	s2 =	sld [smem:$0x7F2]  }
0x2b7: {  	[sflag:s21] =	ssyncset.done $0x0  }
0x2b8: {  	[sflag:s21] =	ssyncadd.s32 $0xFFFFF000  }
0x2b9: {  	[tilespmem:s28], [sflag:$0x11] =	stream.linear.gather [spmem:s2], $0x1000, $0x38;
	[tilespmem:$0x1FC80] =	vst v63  }
0x2ba: {  	_ =	swait.ge [sflag:s21], $0x1000  }
0x2bb: {  	[sflag:s21] =	ssyncset.done $0x0  }
0x2bc: {  	s18 =	rddreg [dreg:$0x19];
	[sflag:s21] =	ssyncadd.s32 $0xFFFFF000  }
0x2bd: {  	[hbm4b:s18+s0] =	stream.linear.scatter [tilespmem:s28], [sflag:$0x11], $0x1000, $0x38;
	[tilespmem:$0x1FC80] =	vst v63  }
0x2be: {  	_ =	swait.ge [sflag:s21], $0x1000  }
0x2bf: {  	s30 =	sld [smem:$0x7F3]  }
0x2c0: {  	[sflag:s21] =	ssyncset.done $0x0  }
0x2c1: {  	s18 =	simm.s32 $0xB780;
	[sflag:s21] =	ssyncadd.s32 $0xFFFFF000  }
0x2c2: {  	[tilespmem:s18], [sflag:$0x11] =	stream.linear.gather [spmem:s30], $0x280, $0x38;
	[tilespmem:$0x1FC80] =	vst v63  }
0x2c3: {  	_ =	swait.ge [sflag:s21], $0x280  }
0x2c4: {  	s1 =	sld [smem:$0x7F4]  }
0x2c5: {  	[sflag:s21] =	ssyncset.done $0x0  }
0x2c6: {  	s2 =	simm.s32 $0x100;
	s30 =	simm.s32 $0x80;
	[sflag:s21] =	ssyncadd.s32 $0xFFFFFD80  }
0x2c7: {  	[hbm4b:s1+s30] =	stream.strided.scatter [tilespmem:s18], [sflag:$0x11], $0x280, s2, s30, $0x38;
	[tilespmem:$0x1FC80] =	vst v63  }
0x2c8: {  	_ =	swait.ge [sflag:s21], $0x280  }
0x2c9: {  	s2 =	sld [smem:$0x7E9]  }
0x2ca: {  	s30 =	sld [smem:$0x7F5];
	_ =	sdelay $0x1  }
0x2cb: {  	s1 =	sadd.s32 $0x1, s2  }
0x2cc: {  	p0 =	sne.s32 s1, s30  }
.Ltmp5:
0x2cd: {  	_ = 	snop;
	(pc) =	sbr.rel @p0 .LBB2_1-.Ltmp5, $3  }
0x2ce: {  	_ =	sdelay $0x1  }
0x2cf: {  	[sflag:s21] =	ssyncset.done $0x0  }
0x2d0: {  	[sflag:s21] =	ssyncadd.s32 $0xFFFFFD80  }
0x2d1: {  	_ =	sfence.sel $0x180000  }
0x2d2: {  	[bflag:$0x0] =	sbarrier.arrive $0xFFFF  }
0x2d3: {  	_ =	strace $0x90000047  }
0x2d4: {  	s0 =	stileid.u32;
	[bflag:$0x2] =	sbarrier.arrive $0xFFFF  }
0x2d5: {  	p0 =	sne.s32 s0, $0x0;
	s0 =	rddreg [dreg:$0x5]  }
0x2d6: {  	s0 =	sadd.s32 @!p0 $0x100000, s0  }
0x2d7: {  	[sflag:s0] =	ssyncadd.tile.s32 @!p0 $0x1;
	_ =	shalt  }
.Lfunc_end2:
_tile_overlayer_lowered:
.L_overlay_start_2:
0x2d8: {  	(tag) =	ssettag $0x2  }
0x2d9: {  	s0 =	rddreg [dreg:$0x0];
	s2 =	stileid.u32  }
0x2da: {  	s1 =	rddreg [dreg:$0x1];
	p0 =	sne.s32 s2, $0x0  }
0x2db: {  	s3 =	rddreg [dreg:$0x2];
	[bflag:$0x3] =	sbarrier.arrive $0xFFFF;
	s2 =	simm.s32 @!p0 $0x1C11  }
0x2dc: {  	[timem:s3], [sflag:s2] =	dma.local @!p0 [hbm:s0], s1  }
0x2dd: {  	s0 =	simm.s32 @!p0 $0x11  }
0x2de: {  	_ =	swait.ge @!p0 [sflag:s0], s1  }
0x2df: {  	s1 =	ssub.s32 @!p0 $0x0, s1;
	[sflag:s0] =	ssyncset.done @!p0 $0x0  }
0x2e0: {  	[sflag:s0] =	ssyncadd.s32 @!p0 s1  }
0x2e1: {  	[bflag:$0x3] =	sbarrier.arrive $0xFFFF  }
0x2e2: {  	_ =	shalt  }

</sc_bundles>
